<compile_context>
chip_gen: v7x
topology: tpu7x:2x2x1
jax: 0.10.2.dev20260603
libtpu: 0.0.44.dev20260713+nightly
codegen_flags: <defaults>
</compile_context>

<pallas_src>
import functools

import jax
import jax.numpy as jnp
from jax import lax
from jax.experimental import pallas as pl
from jax.experimental.pallas import tpu as pltpu
from jax.experimental.pallas import tpu_sc as plsc

EPS = 1e-6
H = 64
L = 4
K = 16
N = 1024
TN = 256
NW = 32


def _bdot(a, b):
    return jnp.dot(a.astype(jnp.bfloat16), b.astype(jnp.bfloat16),
                   preferred_element_type=jnp.float32)


def _vec_act_rows(v, k):
    kn = jnp.sqrt(k[0] * k[0] + k[1] * k[1] + k[2] * k[2]) + EPS
    kdir = [k[s] / kn for s in range(3)]
    dot = v[0] * kdir[0] + v[1] * kdir[1] + v[2] * kdir[2]
    coef = jnp.minimum(dot, 0.0)
    return [v[s] - coef * kdir[s] for s in range(3)]


def _knn_body(x_ref, xt_ref, idx_ref):
    xb = x_ref[0]
    xt = xt_ref[0]

    d2 = None
    for s in range(3):
        diff = xt[:, s:s + 1] - xb[s:s + 1, :]
        sq = diff * diff
        d2 = sq if d2 is None else d2 + sq

    iota = jax.lax.broadcasted_iota(jnp.int32, (TN, N), 1)
    base = pl.program_id(1) * TN
    rowcol = jax.lax.broadcasted_iota(jnp.int32, (TN, 1), 0) + base
    rowid = jax.lax.broadcasted_iota(jnp.int32, (TN, N), 0) + base
    d2 = jnp.where(iota == rowid, jnp.inf, d2)

    cols = [rowcol]
    for _ in range(K - 1):
        m = jnp.min(d2, axis=1, keepdims=True)
        isel = jnp.min(jnp.where(d2 <= m, iota, N), axis=1, keepdims=True)
        d2 = jnp.where(iota == isel, jnp.inf, d2)
        cols.append(isel)

    gbase = pl.program_id(0) * N
    idx_ref[0] = jnp.concatenate(cols, axis=1) + gbase


def _make_sc_gather(rows_total):
    r_per_w = rows_total // NW
    n_chunks = r_per_w // 128
    mesh = plsc.VectorSubcoreMesh(core_axis_name="c", subcore_axis_name="s")

    @functools.partial(
        pl.kernel, mesh=mesh,
        out_type=jax.ShapeDtypeStruct((rows_total, 16), jnp.float32),
        compiler_params=pltpu.CompilerParams(use_tc_tiling_on_sc=False),
        scratch_types=[
            pltpu.VMEM((n_chunks, 128), jnp.int32),
            pltpu.VMEM((r_per_w, 16), jnp.float32),
            pltpu.SemaphoreType.DMA,
        ],
    )
    def gather(table_hbm, idx_hbm, out_hbm, idx_v, rows_v, sem):
        wid = lax.axis_index("s") * 2 + lax.axis_index("c")
        base = wid * r_per_w
        pltpu.sync_copy(idx_hbm.at[wid], idx_v)
        copies = []
        for j in range(n_chunks):
            copies.append(pltpu.async_copy(
                table_hbm.at[idx_v.at[j]],
                rows_v.at[pl.ds(j * 128, 128)], sem))
        for cp in copies:
            cp.wait()
        pltpu.sync_copy(rows_v, out_hbm.at[pl.ds(base, r_per_w)])

    return gather


def _edge_body(xt_ref, nb_ref, ns_ref, wint_ref, dint_ref, h_ref):
    xt = xt_ref[0]
    nb = nb_ref[0]
    ns = ns_ref[0]

    n2x = xt[:, 0:1] ** 2 + xt[:, 1:2] ** 2 + xt[:, 2:3] ** 2
    nx = jnp.maximum(jnp.sqrt(n2x), 1e-12)
    invn = 1.0 / nx

    q = [nb[:, s:s + 1] for s in range(3)]
    xs = [ns[:, s:s + 1] for s in range(3)]
    xn2 = xs[0] * xs[0] + xs[1] * xs[1] + xs[2] * xs[2]
    xnn = jnp.maximum(jnp.sqrt(xn2), 1e-12)
    xd = [xs[s] / xnn for s in range(3)]

    e = [q[s] - xs[s] for s in range(3)]
    c = [xd[1] * q[2] - xd[2] * q[1],
         xd[2] * q[0] - xd[0] * q[2],
         xd[0] * q[1] - xd[1] * q[0]]

    wint = wint_ref[...]
    dint = dint_ref[...]
    v = []
    k = []
    for s in range(3):
        ys = jnp.concatenate([c[s], e[s], xs[s]], axis=1)
        vs = _bdot(ys, wint)
        v.append(vs)
        k.append(_bdot(vs, dint))
    out = _vec_act_rows(v, k)

    scale = 1.0 / K
    for s in range(3):
        pooled = jnp.mean(out[s].reshape(TN, K, H), axis=1)
        h_ref[0, s] = pooled


def _stage2_body(h_ref, wlt_ref, dlt_ref, wgt_ref, dgt_ref, wot_ref,
                 xo_ref, xm_ref):
    yv = [h_ref[0, s] for s in range(3)]

    feats = []
    for i in range(L):
        t1 = [_bdot(yv[s], wlt_ref[i]) for s in range(3)]
        yv = _vec_act_rows(t1, [_bdot(t1[s], dlt_ref[i]) for s in range(3)])
        yg = [jnp.mean(yv[s], axis=0, keepdims=True) for s in range(3)]
        cat = [jnp.concatenate(
            [yv[s], jnp.broadcast_to(yg[s], (N, H))], axis=1)
            for s in range(3)]
        t2 = [_bdot(cat[s], wgt_ref[i]) for s in range(3)]
        yv = _vec_act_rows(t2, [_bdot(t2[s], dgt_ref[i]) for s in range(3)])
        feats.append(yv)

    wot = wot_ref[...]
    for s in range(3):
        xc = jnp.concatenate([feats[i][s] for i in range(L)], axis=1)
        xo = _bdot(xc, wot)
        xo_ref[0, s] = xo
        xm_ref[0, s] = jnp.mean(xo, axis=0, keepdims=True)


@jax.jit
def kernel(x, W_in, D_in, W_layers, D_layers, W_glayers, D_glayers, W_out):
    B = x.shape[0]
    R = B * N * K
    xT = jnp.transpose(x, (0, 2, 1))

    idx = pl.pallas_call(
        _knn_body,
        grid=(B, N // TN),
        in_specs=[
            pl.BlockSpec((1, 3, N), lambda b, t: (b, 0, 0)),
            pl.BlockSpec((1, TN, 3), lambda b, t: (b, t, 0)),
        ],
        out_specs=pl.BlockSpec((1, TN, K), lambda b, t: (b, t, 0)),
        out_shape=jax.ShapeDtypeStruct((B, N, K), jnp.int32),
    )(x, xT)

    table = jnp.pad(xT.reshape(B * N, 3), ((0, 0), (0, 13)))
    idx_flat = idx.reshape(NW, (R // NW) // 128, 128)
    idx_self = (jax.lax.iota(jnp.int32, R) // K).reshape(
        NW, (R // NW) // 128, 128)

    gather = _make_sc_gather(R)
    nb = gather(table, idx_flat)
    ns = gather(table, idx_self)

    nb = nb.reshape(B, N * K, 16)
    ns = ns.reshape(B, N * K, 16)

    h = pl.pallas_call(
        _edge_body,
        grid=(B, N // TN),
        in_specs=[
            pl.BlockSpec((1, TN, 3), lambda b, t: (b, t, 0)),
            pl.BlockSpec((1, TN * K, 16), lambda b, t: (b, t, 0)),
            pl.BlockSpec((1, TN * K, 16), lambda b, t: (b, t, 0)),
            pl.BlockSpec((3, H), lambda b, t: (0, 0)),
            pl.BlockSpec((H, H), lambda b, t: (0, 0)),
        ],
        out_specs=pl.BlockSpec((1, 3, TN, H), lambda b, t: (b, 0, t, 0)),
        out_shape=jax.ShapeDtypeStruct((B, 3, N, H), jnp.float32),
    )(xT, nb, ns, W_in.T, D_in.T)

    xo, xm = pl.pallas_call(
        _stage2_body,
        grid=(B,),
        in_specs=[
            pl.BlockSpec((1, 3, N, H), lambda b: (b, 0, 0, 0)),
            pl.BlockSpec((L, H, H), lambda b: (0, 0, 0)),
            pl.BlockSpec((L, H, H), lambda b: (0, 0, 0)),
            pl.BlockSpec((L, 2 * H, H), lambda b: (0, 0, 0)),
            pl.BlockSpec((L, H, H), lambda b: (0, 0, 0)),
            pl.BlockSpec((L * H, H), lambda b: (0, 0)),
        ],
        out_specs=[
            pl.BlockSpec((1, 3, N, H), lambda b: (b, 0, 0, 0)),
            pl.BlockSpec((1, 3, 1, H), lambda b: (b, 0, 0, 0)),
        ],
        out_shape=[
            jax.ShapeDtypeStruct((B, 3, N, H), jnp.float32),
            jax.ShapeDtypeStruct((B, 3, 1, H), jnp.float32),
        ],
    )(h,
      jnp.transpose(W_layers, (0, 2, 1)),
      jnp.transpose(D_layers, (0, 2, 1)),
      jnp.transpose(W_glayers, (0, 2, 1)),
      jnp.transpose(D_glayers, (0, 2, 1)),
      W_out.T)

    xo_out = jnp.transpose(xo, (0, 3, 1, 2))
    mean_out = jnp.transpose(xm[:, :, 0, :], (0, 2, 1))
    return mean_out, xo_out

# --- scband reference (transcript-rebuilt; emitter-appended) ---
"""Pipeline reference for scband-vec-point-net-14972255994154 (READ-ONLY COPY).

The authoritative reference and input builder live on the scoring server;
editing this copy changes nothing except your own understanding.
"""

import jax, jax.numpy as jnp
import numpy as np

EPS = 1e-6
H = 64
C_DIM = 64
L = 4
K = 16
B = 4
N = 1024


def vec_linear(W, v):
    # W: [C_out, C_in], v: [B, C_in, 3, ...] -> [B, C_out, 3, ...]
    return jnp.einsum('oc,bc...->bo...', W, v)


def vec_act(Wd, v):
    # VN-style activation: learn a direction, apply act_func (LeakyReLU slope 0 = ReLU)
    # to the projection onto that direction.
    k = vec_linear(Wd, v)
    k_dir = k / (jnp.linalg.norm(k, axis=2, keepdims=True) + EPS)
    dot = jnp.sum(v * k_dir, axis=2, keepdims=True)
    v_orth = v - dot * k_dir
    return v_orth + jax.nn.leaky_relu(dot, 0.0) * k_dir


def vec_lna(Wl, Wd, v):
    return vec_act(Wd, vec_linear(Wl, v))


def get_graph_feature_cross(x, k):
    # x: [B, 1, 3, N]
    Bb = x.shape[0]
    Nn = x.shape[-1]
    p = jnp.transpose(x.reshape(Bb, 3, Nn), (0, 2, 1))  # [B, N, 3]
    d2 = jnp.sum((p[:, :, None, :] - p[:, None, :, :]) ** 2, axis=-1)  # [B, N, N]
    _, knn_idx = jax.lax.top_k(-d2, k)  # [B, N, k] (self included, dist 0)
    neighbors = jax.vmap(lambda pb, ib: pb[ib])(p, knn_idx)  # [B, N, k, 3]
    neighbors = jnp.transpose(neighbors[:, :, :, None, :], (0, 3, 4, 1, 2))  # [B,1,3,N,k]
    x_padded = jnp.broadcast_to(x[..., None], neighbors.shape)
    x_norm = jnp.maximum(jnp.linalg.norm(x, axis=2, keepdims=True), 1e-12)
    x_dir = x / x_norm
    x_dir_padded = jnp.broadcast_to(x_dir[..., None], neighbors.shape)
    cross = jnp.cross(x_dir_padded, neighbors, axis=2)
    y = jnp.concatenate([cross, neighbors - x_padded, x_padded], axis=1)  # [B,3,3,N,k]
    return y, knn_idx


def setup_inputs(seed: int = 0) -> dict:
    key = jax.random.key(seed)
    ks = jax.random.split(key, 8)
    x = jax.random.normal(ks[0], (B, 3, N), dtype=jnp.float32)
    W_in = jax.random.normal(ks[1], (H, 3), dtype=jnp.float32) / np.sqrt(3.0)
    D_in = jax.random.normal(ks[2], (H, H), dtype=jnp.float32) / np.sqrt(H)
    W_layers = jax.random.normal(ks[3], (L, H, H), dtype=jnp.float32) / np.sqrt(H)
    D_layers = jax.random.normal(ks[4], (L, H, H), dtype=jnp.float32) / np.sqrt(H)
    W_glayers = jax.random.normal(ks[5], (L, H, 2 * H), dtype=jnp.float32) / np.sqrt(2 * H)
    D_glayers = jax.random.normal(ks[6], (L, H, H), dtype=jnp.float32) / np.sqrt(H)
    W_out = jax.random.normal(ks[7], (C_DIM, H * L), dtype=jnp.float32) / np.sqrt(H * L)
    return {"x": x, "W_in": W_in, "D_in": D_in, "W_layers": W_layers,
            "D_layers": D_layers, "W_glayers": W_glayers, "D_glayers": D_glayers,
            "W_out": W_out}


def reference(x, W_in, D_in, W_layers, D_layers, W_glayers, D_glayers, W_out):
    x4 = x[:, None, :, :]  # [B,1,3,N]
    y, _ = get_graph_feature_cross(x4, K)  # [B,3,3,N,k]
    h = vec_lna(W_in, D_in, y)  # [B,H,3,N,k]
    h = jnp.mean(h, axis=-1)  # meanpool over k -> [B,H,3,N]
    yv = h
    feats = []
    for i in range(L):
        yv = vec_lna(W_layers[i], D_layers[i], yv)
        yg = jnp.mean(yv, axis=-1, keepdims=True)
        yv = jnp.concatenate([yv, jnp.broadcast_to(yg, yv.shape)], axis=1)
        yv = vec_lna(W_glayers[i], D_glayers[i], yv)
        feats.append(yv)
    xc = jnp.concatenate(feats, axis=1)  # [B, L*H, 3, N]
    xo = vec_linear(W_out, xc)  # [B, C_DIM, 3, N]
    return xo.mean(axis=-1), xo

if __name__ == "__main__":
    import jax
    _d = setup_inputs()
    print(jax.jit(kernel)(*tuple(_d.values())))

</pallas_src>

<mosaic_0001>
#map = affine_map<(d0, d1) -> (0, 0)>
#map1 = affine_map<(d0, d1) -> (0, 0, 0)>
module attributes {stable_mosaic.version = 14 : i64} {
  func.func @gather(%arg0: i32, %arg1: i32, %arg2: memref<4096x16xf32, #tpu.memory_space<hbm>>, %arg3: memref<32x16x128xi32, #tpu.memory_space<hbm>>, %arg4: memref<65536x16xf32, #tpu.memory_space<hbm>>, %arg5: memref<16x128xi32, #tpu.memory_space<vmem>>, %arg6: memref<2048x16xf32, #tpu.memory_space<vmem>>, %arg7: memref<!tpu.dma_semaphore, #tpu.memory_space<semaphore_mem>>) attributes {dimension_semantics = [#tpu.dimension_semantics<core_parallel>, #tpu.dimension_semantics<subcore_parallel>], iteration_bounds = array<i64: 2, 16>, scalar_prefetch = 0 : i64, scratch_operands = 3 : i64, tpu.core_type = #tpu.core_type<sc_vector_subcore>, window_params = [{transform_indices = #map}, {transform_indices = #map1}, {transform_indices = #map}]} {
    %mul3A = arith.constant 2 : i32
    %mul3A_0 = arith.muli %arg1, %mul3A : i32
    %add3A = arith.addi %mul3A_0, %arg0 : i32
    %mul3A_1 = arith.constant 2048 : i32
    %mul3A_2 = arith.muli %add3A, %mul3A_1 : i32
    "tpu.region"() ({
      %run_scoped3A = tpu.sem_alloc : memref<!tpu.dma_semaphore, #tpu.memory_space<semaphore_mem>>
      %dma_start3A_321 = arith.constant 0 : i32
      %dma_start3A_322 = arith.constant 0 : i32
      %dma_start3A_323 = tpu.memref_slice %arg3[%add3A, %dma_start3A_321, %dma_start3A_322] : memref<32x16x128xi32, #tpu.memory_space<hbm>> -> memref<1x16x128xi32, #tpu.memory_space<hbm>>
      %dma_start3A_324 = tpu.memref_squeeze %dma_start3A_323 : memref<1x16x128xi32, #tpu.memory_space<hbm>> -> memref<16x128xi32, #tpu.memory_space<hbm>>
      %dma_start3A_325 = arith.constant 0 : i32
      %dma_start3A_326 = arith.constant 0 : i32
      %dma_start3A_327 = tpu.memref_slice %arg3[%add3A, %dma_start3A_325, %dma_start3A_326] : memref<32x16x128xi32, #tpu.memory_space<hbm>> -> memref<1x16x128xi32, #tpu.memory_space<hbm>>
      %dma_start3A_328 = tpu.memref_squeeze %dma_start3A_327 : memref<1x16x128xi32, #tpu.memory_space<hbm>> -> memref<16x128xi32, #tpu.memory_space<hbm>>
      tpu.enqueue_dma source(%dma_start3A_328 : memref<16x128xi32, #tpu.memory_space<hbm>>) target(%arg5 : memref<16x128xi32, #tpu.memory_space<vmem>>) target_semaphore(%run_scoped3A : memref<!tpu.dma_semaphore, #tpu.memory_space<semaphore_mem>>)
      %dma_wait3A_329 = arith.constant 0 : i32
      %dma_wait3A_330 = arith.constant 0 : i32
      %dma_wait3A_331 = tpu.memref_slice %arg3[%add3A, %dma_wait3A_329, %dma_wait3A_330] : memref<32x16x128xi32, #tpu.memory_space<hbm>> -> memref<1x16x128xi32, #tpu.memory_space<hbm>>
      %dma_wait3A_332 = tpu.memref_squeeze %dma_wait3A_331 : memref<1x16x128xi32, #tpu.memory_space<hbm>> -> memref<16x128xi32, #tpu.memory_space<hbm>>
      %dma_wait3A_333 = arith.constant 0 : i32
      %dma_wait3A_334 = arith.constant 0 : i32
      %dma_wait3A_335 = tpu.memref_slice %arg3[%add3A, %dma_wait3A_333, %dma_wait3A_334] : memref<32x16x128xi32, #tpu.memory_space<hbm>> -> memref<1x16x128xi32, #tpu.memory_space<hbm>>
      %dma_wait3A_336 = tpu.memref_squeeze %dma_wait3A_335 : memref<1x16x128xi32, #tpu.memory_space<hbm>> -> memref<16x128xi32, #tpu.memory_space<hbm>>
      tpu.wait_dma2 semaphore(%run_scoped3A : memref<!tpu.dma_semaphore, #tpu.memory_space<semaphore_mem>>) src(%dma_wait3A_336 : memref<16x128xi32, #tpu.memory_space<hbm>>) dst(%arg5 : memref<16x128xi32, #tpu.memory_space<vmem>>)
      tpu.yield
    }) : () -> ()
    %dma_start3A = arith.constant 0 : i32
    %dma_start3A_3 = arith.constant 0 : i32
    %dma_start3A_4 = arith.constant 0 : i32
    %dma_start3A_5 = tpu.memref_slice %arg6[%dma_start3A_3, %dma_start3A_4] : memref<2048x16xf32, #tpu.memory_space<vmem>> -> memref<128x16xf32, #tpu.memory_space<vmem>>
    %dma_start3A_6 = arith.constant 0 : i32
    %dma_start3A_7 = tpu.memref_slice %arg5[%dma_start3A, %dma_start3A_6] : memref<16x128xi32, #tpu.memory_space<vmem>> -> memref<1x128xi32, #tpu.memory_space<vmem>>
    %dma_start3A_8 = tpu.memref_squeeze %dma_start3A_7 : memref<1x128xi32, #tpu.memory_space<vmem>> -> memref<128xi32, #tpu.memory_space<vmem>>
    %dma_start3A_9 = arith.constant 0 : i32
    %dma_start3A_10 = arith.constant 0 : i32
    %dma_start3A_11 = tpu.memref_slice %arg2[%dma_start3A_9, %dma_start3A_10] : memref<4096x16xf32, #tpu.memory_space<hbm>> -> memref<4096x16xf32, #tpu.memory_space<hbm>>
    tpu.enqueue_indirect_dma source(%dma_start3A_11 : memref<4096x16xf32, #tpu.memory_space<hbm>>) target(%dma_start3A_5 : memref<128x16xf32, #tpu.memory_space<vmem>>) offsets(%dma_start3A_8 : memref<128xi32, #tpu.memory_space<vmem>>) semaphore(%arg7 : memref<!tpu.dma_semaphore, #tpu.memory_space<semaphore_mem>>)
    %dma_start3A_12 = arith.constant 1 : i32
    %dma_start3A_13 = arith.constant 128 : i32
    %dma_start3A_14 = arith.constant 0 : i32
    %dma_start3A_15 = tpu.memref_slice %arg6[%dma_start3A_13, %dma_start3A_14] : memref<2048x16xf32, #tpu.memory_space<vmem>> -> memref<128x16xf32, #tpu.memory_space<vmem>>
    %dma_start3A_16 = arith.constant 0 : i32
    %dma_start3A_17 = tpu.memref_slice %arg5[%dma_start3A_12, %dma_start3A_16] : memref<16x128xi32, #tpu.memory_space<vmem>> -> memref<1x128xi32, #tpu.memory_space<vmem>>
    %dma_start3A_18 = tpu.memref_squeeze %dma_start3A_17 : memref<1x128xi32, #tpu.memory_space<vmem>> -> memref<128xi32, #tpu.memory_space<vmem>>
    %dma_start3A_19 = arith.constant 0 : i32
    %dma_start3A_20 = arith.constant 0 : i32
    %dma_start3A_21 = tpu.memref_slice %arg2[%dma_start3A_19, %dma_start3A_20] : memref<4096x16xf32, #tpu.memory_space<hbm>> -> memref<4096x16xf32, #tpu.memory_space<hbm>>
    tpu.enqueue_indirect_dma source(%dma_start3A_21 : memref<4096x16xf32, #tpu.memory_space<hbm>>) target(%dma_start3A_15 : memref<128x16xf32, #tpu.memory_space<vmem>>) offsets(%dma_start3A_18 : memref<128xi32, #tpu.memory_space<vmem>>) semaphore(%arg7 : memref<!tpu.dma_semaphore, #tpu.memory_space<semaphore_mem>>)
    %dma_start3A_22 = arith.constant 2 : i32
    %dma_start3A_23 = arith.constant 256 : i32
    %dma_start3A_24 = arith.constant 0 : i32
    %dma_start3A_25 = tpu.memref_slice %arg6[%dma_start3A_23, %dma_start3A_24] : memref<2048x16xf32, #tpu.memory_space<vmem>> -> memref<128x16xf32, #tpu.memory_space<vmem>>
    %dma_start3A_26 = arith.constant 0 : i32
    %dma_start3A_27 = tpu.memref_slice %arg5[%dma_start3A_22, %dma_start3A_26] : memref<16x128xi32, #tpu.memory_space<vmem>> -> memref<1x128xi32, #tpu.memory_space<vmem>>
    %dma_start3A_28 = tpu.memref_squeeze %dma_start3A_27 : memref<1x128xi32, #tpu.memory_space<vmem>> -> memref<128xi32, #tpu.memory_space<vmem>>
    %dma_start3A_29 = arith.constant 0 : i32
    %dma_start3A_30 = arith.constant 0 : i32
    %dma_start3A_31 = tpu.memref_slice %arg2[%dma_start3A_29, %dma_start3A_30] : memref<4096x16xf32, #tpu.memory_space<hbm>> -> memref<4096x16xf32, #tpu.memory_space<hbm>>
    tpu.enqueue_indirect_dma source(%dma_start3A_31 : memref<4096x16xf32, #tpu.memory_space<hbm>>) target(%dma_start3A_25 : memref<128x16xf32, #tpu.memory_space<vmem>>) offsets(%dma_start3A_28 : memref<128xi32, #tpu.memory_space<vmem>>) semaphore(%arg7 : memref<!tpu.dma_semaphore, #tpu.memory_space<semaphore_mem>>)
    %dma_start3A_32 = arith.constant 3 : i32
    %dma_start3A_33 = arith.constant 384 : i32
    %dma_start3A_34 = arith.constant 0 : i32
    %dma_start3A_35 = tpu.memref_slice %arg6[%dma_start3A_33, %dma_start3A_34] : memref<2048x16xf32, #tpu.memory_space<vmem>> -> memref<128x16xf32, #tpu.memory_space<vmem>>
    %dma_start3A_36 = arith.constant 0 : i32
    %dma_start3A_37 = tpu.memref_slice %arg5[%dma_start3A_32, %dma_start3A_36] : memref<16x128xi32, #tpu.memory_space<vmem>> -> memref<1x128xi32, #tpu.memory_space<vmem>>
    %dma_start3A_38 = tpu.memref_squeeze %dma_start3A_37 : memref<1x128xi32, #tpu.memory_space<vmem>> -> memref<128xi32, #tpu.memory_space<vmem>>
    %dma_start3A_39 = arith.constant 0 : i32
    %dma_start3A_40 = arith.constant 0 : i32
    %dma_start3A_41 = tpu.memref_slice %arg2[%dma_start3A_39, %dma_start3A_40] : memref<4096x16xf32, #tpu.memory_space<hbm>> -> memref<4096x16xf32, #tpu.memory_space<hbm>>
    tpu.enqueue_indirect_dma source(%dma_start3A_41 : memref<4096x16xf32, #tpu.memory_space<hbm>>) target(%dma_start3A_35 : memref<128x16xf32, #tpu.memory_space<vmem>>) offsets(%dma_start3A_38 : memref<128xi32, #tpu.memory_space<vmem>>) semaphore(%arg7 : memref<!tpu.dma_semaphore, #tpu.memory_space<semaphore_mem>>)
    %dma_start3A_42 = arith.constant 4 : i32
    %dma_start3A_43 = arith.constant 512 : i32
    %dma_start3A_44 = arith.constant 0 : i32
    %dma_start3A_45 = tpu.memref_slice %arg6[%dma_start3A_43, %dma_start3A_44] : memref<2048x16xf32, #tpu.memory_space<vmem>> -> memref<128x16xf32, #tpu.memory_space<vmem>>
    %dma_start3A_46 = arith.constant 0 : i32
    %dma_start3A_47 = tpu.memref_slice %arg5[%dma_start3A_42, %dma_start3A_46] : memref<16x128xi32, #tpu.memory_space<vmem>> -> memref<1x128xi32, #tpu.memory_space<vmem>>
    %dma_start3A_48 = tpu.memref_squeeze %dma_start3A_47 : memref<1x128xi32, #tpu.memory_space<vmem>> -> memref<128xi32, #tpu.memory_space<vmem>>
    %dma_start3A_49 = arith.constant 0 : i32
    %dma_start3A_50 = arith.constant 0 : i32
    %dma_start3A_51 = tpu.memref_slice %arg2[%dma_start3A_49, %dma_start3A_50] : memref<4096x16xf32, #tpu.memory_space<hbm>> -> memref<4096x16xf32, #tpu.memory_space<hbm>>
    tpu.enqueue_indirect_dma source(%dma_start3A_51 : memref<4096x16xf32, #tpu.memory_space<hbm>>) target(%dma_start3A_45 : memref<128x16xf32, #tpu.memory_space<vmem>>) offsets(%dma_start3A_48 : memref<128xi32, #tpu.memory_space<vmem>>) semaphore(%arg7 : memref<!tpu.dma_semaphore, #tpu.memory_space<semaphore_mem>>)
    %dma_start3A_52 = arith.constant 5 : i32
    %dma_start3A_53 = arith.constant 640 : i32
    %dma_start3A_54 = arith.constant 0 : i32
    %dma_start3A_55 = tpu.memref_slice %arg6[%dma_start3A_53, %dma_start3A_54] : memref<2048x16xf32, #tpu.memory_space<vmem>> -> memref<128x16xf32, #tpu.memory_space<vmem>>
    %dma_start3A_56 = arith.constant 0 : i32
    %dma_start3A_57 = tpu.memref_slice %arg5[%dma_start3A_52, %dma_start3A_56] : memref<16x128xi32, #tpu.memory_space<vmem>> -> memref<1x128xi32, #tpu.memory_space<vmem>>
    %dma_start3A_58 = tpu.memref_squeeze %dma_start3A_57 : memref<1x128xi32, #tpu.memory_space<vmem>> -> memref<128xi32, #tpu.memory_space<vmem>>
    %dma_start3A_59 = arith.constant 0 : i32
    %dma_start3A_60 = arith.constant 0 : i32
    %dma_start3A_61 = tpu.memref_slice %arg2[%dma_start3A_59, %dma_start3A_60] : memref<4096x16xf32, #tpu.memory_space<hbm>> -> memref<4096x16xf32, #tpu.memory_space<hbm>>
    tpu.enqueue_indirect_dma source(%dma_start3A_61 : memref<4096x16xf32, #tpu.memory_space<hbm>>) target(%dma_start3A_55 : memref<128x16xf32, #tpu.memory_space<vmem>>) offsets(%dma_start3A_58 : memref<128xi32, #tpu.memory_space<vmem>>) semaphore(%arg7 : memref<!tpu.dma_semaphore, #tpu.memory_space<semaphore_mem>>)
    %dma_start3A_62 = arith.constant 6 : i32
    %dma_start3A_63 = arith.constant 768 : i32
    %dma_start3A_64 = arith.constant 0 : i32
    %dma_start3A_65 = tpu.memref_slice %arg6[%dma_start3A_63, %dma_start3A_64] : memref<2048x16xf32, #tpu.memory_space<vmem>> -> memref<128x16xf32, #tpu.memory_space<vmem>>
    %dma_start3A_66 = arith.constant 0 : i32
    %dma_start3A_67 = tpu.memref_slice %arg5[%dma_start3A_62, %dma_start3A_66] : memref<16x128xi32, #tpu.memory_space<vmem>> -> memref<1x128xi32, #tpu.memory_space<vmem>>
    %dma_start3A_68 = tpu.memref_squeeze %dma_start3A_67 : memref<1x128xi32, #tpu.memory_space<vmem>> -> memref<128xi32, #tpu.memory_space<vmem>>
    %dma_start3A_69 = arith.constant 0 : i32
    %dma_start3A_70 = arith.constant 0 : i32
    %dma_start3A_71 = tpu.memref_slice %arg2[%dma_start3A_69, %dma_start3A_70] : memref<4096x16xf32, #tpu.memory_space<hbm>> -> memref<4096x16xf32, #tpu.memory_space<hbm>>
    tpu.enqueue_indirect_dma source(%dma_start3A_71 : memref<4096x16xf32, #tpu.memory_space<hbm>>) target(%dma_start3A_65 : memref<128x16xf32, #tpu.memory_space<vmem>>) offsets(%dma_start3A_68 : memref<128xi32, #tpu.memory_space<vmem>>) semaphore(%arg7 : memref<!tpu.dma_semaphore, #tpu.memory_space<semaphore_mem>>)
    %dma_start3A_72 = arith.constant 7 : i32
    %dma_start3A_73 = arith.constant 896 : i32
    %dma_start3A_74 = arith.constant 0 : i32
    %dma_start3A_75 = tpu.memref_slice %arg6[%dma_start3A_73, %dma_start3A_74] : memref<2048x16xf32, #tpu.memory_space<vmem>> -> memref<128x16xf32, #tpu.memory_space<vmem>>
    %dma_start3A_76 = arith.constant 0 : i32
    %dma_start3A_77 = tpu.memref_slice %arg5[%dma_start3A_72, %dma_start3A_76] : memref<16x128xi32, #tpu.memory_space<vmem>> -> memref<1x128xi32, #tpu.memory_space<vmem>>
    %dma_start3A_78 = tpu.memref_squeeze %dma_start3A_77 : memref<1x128xi32, #tpu.memory_space<vmem>> -> memref<128xi32, #tpu.memory_space<vmem>>
    %dma_start3A_79 = arith.constant 0 : i32
    %dma_start3A_80 = arith.constant 0 : i32
    %dma_start3A_81 = tpu.memref_slice %arg2[%dma_start3A_79, %dma_start3A_80] : memref<4096x16xf32, #tpu.memory_space<hbm>> -> memref<4096x16xf32, #tpu.memory_space<hbm>>
    tpu.enqueue_indirect_dma source(%dma_start3A_81 : memref<4096x16xf32, #tpu.memory_space<hbm>>) target(%dma_start3A_75 : memref<128x16xf32, #tpu.memory_space<vmem>>) offsets(%dma_start3A_78 : memref<128xi32, #tpu.memory_space<vmem>>) semaphore(%arg7 : memref<!tpu.dma_semaphore, #tpu.memory_space<semaphore_mem>>)
    %dma_start3A_82 = arith.constant 8 : i32
    %dma_start3A_83 = arith.constant 1024 : i32
    %dma_start3A_84 = arith.constant 0 : i32
    %dma_start3A_85 = tpu.memref_slice %arg6[%dma_start3A_83, %dma_start3A_84] : memref<2048x16xf32, #tpu.memory_space<vmem>> -> memref<128x16xf32, #tpu.memory_space<vmem>>
    %dma_start3A_86 = arith.constant 0 : i32
    %dma_start3A_87 = tpu.memref_slice %arg5[%dma_start3A_82, %dma_start3A_86] : memref<16x128xi32, #tpu.memory_space<vmem>> -> memref<1x128xi32, #tpu.memory_space<vmem>>
    %dma_start3A_88 = tpu.memref_squeeze %dma_start3A_87 : memref<1x128xi32, #tpu.memory_space<vmem>> -> memref<128xi32, #tpu.memory_space<vmem>>
    %dma_start3A_89 = arith.constant 0 : i32
    %dma_start3A_90 = arith.constant 0 : i32
    %dma_start3A_91 = tpu.memref_slice %arg2[%dma_start3A_89, %dma_start3A_90] : memref<4096x16xf32, #tpu.memory_space<hbm>> -> memref<4096x16xf32, #tpu.memory_space<hbm>>
    tpu.enqueue_indirect_dma source(%dma_start3A_91 : memref<4096x16xf32, #tpu.memory_space<hbm>>) target(%dma_start3A_85 : memref<128x16xf32, #tpu.memory_space<vmem>>) offsets(%dma_start3A_88 : memref<128xi32, #tpu.memory_space<vmem>>) semaphore(%arg7 : memref<!tpu.dma_semaphore, #tpu.memory_space<semaphore_mem>>)
    %dma_start3A_92 = arith.constant 9 : i32
    %dma_start3A_93 = arith.constant 1152 : i32
    %dma_start3A_94 = arith.constant 0 : i32
    %dma_start3A_95 = tpu.memref_slice %arg6[%dma_start3A_93, %dma_start3A_94] : memref<2048x16xf32, #tpu.memory_space<vmem>> -> memref<128x16xf32, #tpu.memory_space<vmem>>
    %dma_start3A_96 = arith.constant 0 : i32
    %dma_start3A_97 = tpu.memref_slice %arg5[%dma_start3A_92, %dma_start3A_96] : memref<16x128xi32, #tpu.memory_space<vmem>> -> memref<1x128xi32, #tpu.memory_space<vmem>>
    %dma_start3A_98 = tpu.memref_squeeze %dma_start3A_97 : memref<1x128xi32, #tpu.memory_space<vmem>> -> memref<128xi32, #tpu.memory_space<vmem>>
    %dma_start3A_99 = arith.constant 0 : i32
    %dma_start3A_100 = arith.constant 0 : i32
    %dma_start3A_101 = tpu.memref_slice %arg2[%dma_start3A_99, %dma_start3A_100] : memref<4096x16xf32, #tpu.memory_space<hbm>> -> memref<4096x16xf32, #tpu.memory_space<hbm>>
    tpu.enqueue_indirect_dma source(%dma_start3A_101 : memref<4096x16xf32, #tpu.memory_space<hbm>>) target(%dma_start3A_95 : memref<128x16xf32, #tpu.memory_space<vmem>>) offsets(%dma_start3A_98 : memref<128xi32, #tpu.memory_space<vmem>>) semaphore(%arg7 : memref<!tpu.dma_semaphore, #tpu.memory_space<semaphore_mem>>)
    %dma_start3A_102 = arith.constant 10 : i32
    %dma_start3A_103 = arith.constant 1280 : i32
    %dma_start3A_104 = arith.constant 0 : i32
    %dma_start3A_105 = tpu.memref_slice %arg6[%dma_start3A_103, %dma_start3A_104] : memref<2048x16xf32, #tpu.memory_space<vmem>> -> memref<128x16xf32, #tpu.memory_space<vmem>>
    %dma_start3A_106 = arith.constant 0 : i32
    %dma_start3A_107 = tpu.memref_slice %arg5[%dma_start3A_102, %dma_start3A_106] : memref<16x128xi32, #tpu.memory_space<vmem>> -> memref<1x128xi32, #tpu.memory_space<vmem>>
    %dma_start3A_108 = tpu.memref_squeeze %dma_start3A_107 : memref<1x128xi32, #tpu.memory_space<vmem>> -> memref<128xi32, #tpu.memory_space<vmem>>
    %dma_start3A_109 = arith.constant 0 : i32
    %dma_start3A_110 = arith.constant 0 : i32
    %dma_start3A_111 = tpu.memref_slice %arg2[%dma_start3A_109, %dma_start3A_110] : memref<4096x16xf32, #tpu.memory_space<hbm>> -> memref<4096x16xf32, #tpu.memory_space<hbm>>
    tpu.enqueue_indirect_dma source(%dma_start3A_111 : memref<4096x16xf32, #tpu.memory_space<hbm>>) target(%dma_start3A_105 : memref<128x16xf32, #tpu.memory_space<vmem>>) offsets(%dma_start3A_108 : memref<128xi32, #tpu.memory_space<vmem>>) semaphore(%arg7 : memref<!tpu.dma_semaphore, #tpu.memory_space<semaphore_mem>>)
    %dma_start3A_112 = arith.constant 11 : i32
    %dma_start3A_113 = arith.constant 1408 : i32
    %dma_start3A_114 = arith.constant 0 : i32
    %dma_start3A_115 = tpu.memref_slice %arg6[%dma_start3A_113, %dma_start3A_114] : memref<2048x16xf32, #tpu.memory_space<vmem>> -> memref<128x16xf32, #tpu.memory_space<vmem>>
    %dma_start3A_116 = arith.constant 0 : i32
    %dma_start3A_117 = tpu.memref_slice %arg5[%dma_start3A_112, %dma_start3A_116] : memref<16x128xi32, #tpu.memory_space<vmem>> -> memref<1x128xi32, #tpu.memory_space<vmem>>
    %dma_start3A_118 = tpu.memref_squeeze %dma_start3A_117 : memref<1x128xi32, #tpu.memory_space<vmem>> -> memref<128xi32, #tpu.memory_space<vmem>>
    %dma_start3A_119 = arith.constant 0 : i32
    %dma_start3A_120 = arith.constant 0 : i32
    %dma_start3A_121 = tpu.memref_slice %arg2[%dma_start3A_119, %dma_start3A_120] : memref<4096x16xf32, #tpu.memory_space<hbm>> -> memref<4096x16xf32, #tpu.memory_space<hbm>>
    tpu.enqueue_indirect_dma source(%dma_start3A_121 : memref<4096x16xf32, #tpu.memory_space<hbm>>) target(%dma_start3A_115 : memref<128x16xf32, #tpu.memory_space<vmem>>) offsets(%dma_start3A_118 : memref<128xi32, #tpu.memory_space<vmem>>) semaphore(%arg7 : memref<!tpu.dma_semaphore, #tpu.memory_space<semaphore_mem>>)
    %dma_start3A_122 = arith.constant 12 : i32
    %dma_start3A_123 = arith.constant 1536 : i32
    %dma_start3A_124 = arith.constant 0 : i32
    %dma_start3A_125 = tpu.memref_slice %arg6[%dma_start3A_123, %dma_start3A_124] : memref<2048x16xf32, #tpu.memory_space<vmem>> -> memref<128x16xf32, #tpu.memory_space<vmem>>
    %dma_start3A_126 = arith.constant 0 : i32
    %dma_start3A_127 = tpu.memref_slice %arg5[%dma_start3A_122, %dma_start3A_126] : memref<16x128xi32, #tpu.memory_space<vmem>> -> memref<1x128xi32, #tpu.memory_space<vmem>>
    %dma_start3A_128 = tpu.memref_squeeze %dma_start3A_127 : memref<1x128xi32, #tpu.memory_space<vmem>> -> memref<128xi32, #tpu.memory_space<vmem>>
    %dma_start3A_129 = arith.constant 0 : i32
    %dma_start3A_130 = arith.constant 0 : i32
    %dma_start3A_131 = tpu.memref_slice %arg2[%dma_start3A_129, %dma_start3A_130] : memref<4096x16xf32, #tpu.memory_space<hbm>> -> memref<4096x16xf32, #tpu.memory_space<hbm>>
    tpu.enqueue_indirect_dma source(%dma_start3A_131 : memref<4096x16xf32, #tpu.memory_space<hbm>>) target(%dma_start3A_125 : memref<128x16xf32, #tpu.memory_space<vmem>>) offsets(%dma_start3A_128 : memref<128xi32, #tpu.memory_space<vmem>>) semaphore(%arg7 : memref<!tpu.dma_semaphore, #tpu.memory_space<semaphore_mem>>)
    %dma_start3A_132 = arith.constant 13 : i32
    %dma_start3A_133 = arith.constant 1664 : i32
    %dma_start3A_134 = arith.constant 0 : i32
    %dma_start3A_135 = tpu.memref_slice %arg6[%dma_start3A_133, %dma_start3A_134] : memref<2048x16xf32, #tpu.memory_space<vmem>> -> memref<128x16xf32, #tpu.memory_space<vmem>>
    %dma_start3A_136 = arith.constant 0 : i32
    %dma_start3A_137 = tpu.memref_slice %arg5[%dma_start3A_132, %dma_start3A_136] : memref<16x128xi32, #tpu.memory_space<vmem>> -> memref<1x128xi32, #tpu.memory_space<vmem>>
    %dma_start3A_138 = tpu.memref_squeeze %dma_start3A_137 : memref<1x128xi32, #tpu.memory_space<vmem>> -> memref<128xi32, #tpu.memory_space<vmem>>
    %dma_start3A_139 = arith.constant 0 : i32
    %dma_start3A_140 = arith.constant 0 : i32
    %dma_start3A_141 = tpu.memref_slice %arg2[%dma_start3A_139, %dma_start3A_140] : memref<4096x16xf32, #tpu.memory_space<hbm>> -> memref<4096x16xf32, #tpu.memory_space<hbm>>
    tpu.enqueue_indirect_dma source(%dma_start3A_141 : memref<4096x16xf32, #tpu.memory_space<hbm>>) target(%dma_start3A_135 : memref<128x16xf32, #tpu.memory_space<vmem>>) offsets(%dma_start3A_138 : memref<128xi32, #tpu.memory_space<vmem>>) semaphore(%arg7 : memref<!tpu.dma_semaphore, #tpu.memory_space<semaphore_mem>>)
    %dma_start3A_142 = arith.constant 14 : i32
    %dma_start3A_143 = arith.constant 1792 : i32
    %dma_start3A_144 = arith.constant 0 : i32
    %dma_start3A_145 = tpu.memref_slice %arg6[%dma_start3A_143, %dma_start3A_144] : memref<2048x16xf32, #tpu.memory_space<vmem>> -> memref<128x16xf32, #tpu.memory_space<vmem>>
    %dma_start3A_146 = arith.constant 0 : i32
    %dma_start3A_147 = tpu.memref_slice %arg5[%dma_start3A_142, %dma_start3A_146] : memref<16x128xi32, #tpu.memory_space<vmem>> -> memref<1x128xi32, #tpu.memory_space<vmem>>
    %dma_start3A_148 = tpu.memref_squeeze %dma_start3A_147 : memref<1x128xi32, #tpu.memory_space<vmem>> -> memref<128xi32, #tpu.memory_space<vmem>>
    %dma_start3A_149 = arith.constant 0 : i32
    %dma_start3A_150 = arith.constant 0 : i32
    %dma_start3A_151 = tpu.memref_slice %arg2[%dma_start3A_149, %dma_start3A_150] : memref<4096x16xf32, #tpu.memory_space<hbm>> -> memref<4096x16xf32, #tpu.memory_space<hbm>>
    tpu.enqueue_indirect_dma source(%dma_start3A_151 : memref<4096x16xf32, #tpu.memory_space<hbm>>) target(%dma_start3A_145 : memref<128x16xf32, #tpu.memory_space<vmem>>) offsets(%dma_start3A_148 : memref<128xi32, #tpu.memory_space<vmem>>) semaphore(%arg7 : memref<!tpu.dma_semaphore, #tpu.memory_space<semaphore_mem>>)
    %dma_start3A_152 = arith.constant 15 : i32
    %dma_start3A_153 = arith.constant 1920 : i32
    %dma_start3A_154 = arith.constant 0 : i32
    %dma_start3A_155 = tpu.memref_slice %arg6[%dma_start3A_153, %dma_start3A_154] : memref<2048x16xf32, #tpu.memory_space<vmem>> -> memref<128x16xf32, #tpu.memory_space<vmem>>
    %dma_start3A_156 = arith.constant 0 : i32
    %dma_start3A_157 = tpu.memref_slice %arg5[%dma_start3A_152, %dma_start3A_156] : memref<16x128xi32, #tpu.memory_space<vmem>> -> memref<1x128xi32, #tpu.memory_space<vmem>>
    %dma_start3A_158 = tpu.memref_squeeze %dma_start3A_157 : memref<1x128xi32, #tpu.memory_space<vmem>> -> memref<128xi32, #tpu.memory_space<vmem>>
    %dma_start3A_159 = arith.constant 0 : i32
    %dma_start3A_160 = arith.constant 0 : i32
    %dma_start3A_161 = tpu.memref_slice %arg2[%dma_start3A_159, %dma_start3A_160] : memref<4096x16xf32, #tpu.memory_space<hbm>> -> memref<4096x16xf32, #tpu.memory_space<hbm>>
    tpu.enqueue_indirect_dma source(%dma_start3A_161 : memref<4096x16xf32, #tpu.memory_space<hbm>>) target(%dma_start3A_155 : memref<128x16xf32, #tpu.memory_space<vmem>>) offsets(%dma_start3A_158 : memref<128xi32, #tpu.memory_space<vmem>>) semaphore(%arg7 : memref<!tpu.dma_semaphore, #tpu.memory_space<semaphore_mem>>)
    %dma_wait3A = arith.constant 0 : i32
    %dma_wait3A_162 = arith.constant 0 : i32
    %dma_wait3A_163 = arith.constant 0 : i32
    %dma_wait3A_164 = tpu.memref_slice %arg6[%dma_wait3A_162, %dma_wait3A_163] : memref<2048x16xf32, #tpu.memory_space<vmem>> -> memref<128x16xf32, #tpu.memory_space<vmem>>
    %dma_wait3A_165 = arith.constant 0 : i32
    %dma_wait3A_166 = tpu.memref_slice %arg5[%dma_wait3A, %dma_wait3A_165] : memref<16x128xi32, #tpu.memory_space<vmem>> -> memref<1x128xi32, #tpu.memory_space<vmem>>
    %dma_wait3A_167 = tpu.memref_squeeze %dma_wait3A_166 : memref<1x128xi32, #tpu.memory_space<vmem>> -> memref<128xi32, #tpu.memory_space<vmem>>
    %dma_wait3A_168 = arith.constant 0 : i32
    %dma_wait3A_169 = arith.constant 0 : i32
    %dma_wait3A_170 = tpu.memref_slice %arg2[%dma_wait3A_168, %dma_wait3A_169] : memref<4096x16xf32, #tpu.memory_space<hbm>> -> memref<4096x16xf32, #tpu.memory_space<hbm>>
    tpu.wait_indirect_dma semaphore(%arg7 : memref<!tpu.dma_semaphore, #tpu.memory_space<semaphore_mem>>) src(%dma_wait3A_170 : memref<4096x16xf32, #tpu.memory_space<hbm>>) dst(%dma_wait3A_164 : memref<128x16xf32, #tpu.memory_space<vmem>>)
    %dma_wait3A_171 = arith.constant 1 : i32
    %dma_wait3A_172 = arith.constant 128 : i32
    %dma_wait3A_173 = arith.constant 0 : i32
    %dma_wait3A_174 = tpu.memref_slice %arg6[%dma_wait3A_172, %dma_wait3A_173] : memref<2048x16xf32, #tpu.memory_space<vmem>> -> memref<128x16xf32, #tpu.memory_space<vmem>>
    %dma_wait3A_175 = arith.constant 0 : i32
    %dma_wait3A_176 = tpu.memref_slice %arg5[%dma_wait3A_171, %dma_wait3A_175] : memref<16x128xi32, #tpu.memory_space<vmem>> -> memref<1x128xi32, #tpu.memory_space<vmem>>
    %dma_wait3A_177 = tpu.memref_squeeze %dma_wait3A_176 : memref<1x128xi32, #tpu.memory_space<vmem>> -> memref<128xi32, #tpu.memory_space<vmem>>
    %dma_wait3A_178 = arith.constant 0 : i32
    %dma_wait3A_179 = arith.constant 0 : i32
    %dma_wait3A_180 = tpu.memref_slice %arg2[%dma_wait3A_178, %dma_wait3A_179] : memref<4096x16xf32, #tpu.memory_space<hbm>> -> memref<4096x16xf32, #tpu.memory_space<hbm>>
    tpu.wait_indirect_dma semaphore(%arg7 : memref<!tpu.dma_semaphore, #tpu.memory_space<semaphore_mem>>) src(%dma_wait3A_180 : memref<4096x16xf32, #tpu.memory_space<hbm>>) dst(%dma_wait3A_174 : memref<128x16xf32, #tpu.memory_space<vmem>>)
    %dma_wait3A_181 = arith.constant 2 : i32
    %dma_wait3A_182 = arith.constant 256 : i32
    %dma_wait3A_183 = arith.constant 0 : i32
    %dma_wait3A_184 = tpu.memref_slice %arg6[%dma_wait3A_182, %dma_wait3A_183] : memref<2048x16xf32, #tpu.memory_space<vmem>> -> memref<128x16xf32, #tpu.memory_space<vmem>>
    %dma_wait3A_185 = arith.constant 0 : i32
    %dma_wait3A_186 = tpu.memref_slice %arg5[%dma_wait3A_181, %dma_wait3A_185] : memref<16x128xi32, #tpu.memory_space<vmem>> -> memref<1x128xi32, #tpu.memory_space<vmem>>
    %dma_wait3A_187 = tpu.memref_squeeze %dma_wait3A_186 : memref<1x128xi32, #tpu.memory_space<vmem>> -> memref<128xi32, #tpu.memory_space<vmem>>
    %dma_wait3A_188 = arith.constant 0 : i32
    %dma_wait3A_189 = arith.constant 0 : i32
    %dma_wait3A_190 = tpu.memref_slice %arg2[%dma_wait3A_188, %dma_wait3A_189] : memref<4096x16xf32, #tpu.memory_space<hbm>> -> memref<4096x16xf32, #tpu.memory_space<hbm>>
    tpu.wait_indirect_dma semaphore(%arg7 : memref<!tpu.dma_semaphore, #tpu.memory_space<semaphore_mem>>) src(%dma_wait3A_190 : memref<4096x16xf32, #tpu.memory_space<hbm>>) dst(%dma_wait3A_184 : memref<128x16xf32, #tpu.memory_space<vmem>>)
    %dma_wait3A_191 = arith.constant 3 : i32
    %dma_wait3A_192 = arith.constant 384 : i32
    %dma_wait3A_193 = arith.constant 0 : i32
    %dma_wait3A_194 = tpu.memref_slice %arg6[%dma_wait3A_192, %dma_wait3A_193] : memref<2048x16xf32, #tpu.memory_space<vmem>> -> memref<128x16xf32, #tpu.memory_space<vmem>>
    %dma_wait3A_195 = arith.constant 0 : i32
    %dma_wait3A_196 = tpu.memref_slice %arg5[%dma_wait3A_191, %dma_wait3A_195] : memref<16x128xi32, #tpu.memory_space<vmem>> -> memref<1x128xi32, #tpu.memory_space<vmem>>
    %dma_wait3A_197 = tpu.memref_squeeze %dma_wait3A_196 : memref<1x128xi32, #tpu.memory_space<vmem>> -> memref<128xi32, #tpu.memory_space<vmem>>
    %dma_wait3A_198 = arith.constant 0 : i32
    %dma_wait3A_199 = arith.constant 0 : i32
    %dma_wait3A_200 = tpu.memref_slice %arg2[%dma_wait3A_198, %dma_wait3A_199] : memref<4096x16xf32, #tpu.memory_space<hbm>> -> memref<4096x16xf32, #tpu.memory_space<hbm>>
    tpu.wait_indirect_dma semaphore(%arg7 : memref<!tpu.dma_semaphore, #tpu.memory_space<semaphore_mem>>) src(%dma_wait3A_200 : memref<4096x16xf32, #tpu.memory_space<hbm>>) dst(%dma_wait3A_194 : memref<128x16xf32, #tpu.memory_space<vmem>>)
    %dma_wait3A_201 = arith.constant 4 : i32
    %dma_wait3A_202 = arith.constant 512 : i32
    %dma_wait3A_203 = arith.constant 0 : i32
    %dma_wait3A_204 = tpu.memref_slice %arg6[%dma_wait3A_202, %dma_wait3A_203] : memref<2048x16xf32, #tpu.memory_space<vmem>> -> memref<128x16xf32, #tpu.memory_space<vmem>>
    %dma_wait3A_205 = arith.constant 0 : i32
    %dma_wait3A_206 = tpu.memref_slice %arg5[%dma_wait3A_201, %dma_wait3A_205] : memref<16x128xi32, #tpu.memory_space<vmem>> -> memref<1x128xi32, #tpu.memory_space<vmem>>
    %dma_wait3A_207 = tpu.memref_squeeze %dma_wait3A_206 : memref<1x128xi32, #tpu.memory_space<vmem>> -> memref<128xi32, #tpu.memory_space<vmem>>
    %dma_wait3A_208 = arith.constant 0 : i32
    %dma_wait3A_209 = arith.constant 0 : i32
    %dma_wait3A_210 = tpu.memref_slice %arg2[%dma_wait3A_208, %dma_wait3A_209] : memref<4096x16xf32, #tpu.memory_space<hbm>> -> memref<4096x16xf32, #tpu.memory_space<hbm>>
    tpu.wait_indirect_dma semaphore(%arg7 : memref<!tpu.dma_semaphore, #tpu.memory_space<semaphore_mem>>) src(%dma_wait3A_210 : memref<4096x16xf32, #tpu.memory_space<hbm>>) dst(%dma_wait3A_204 : memref<128x16xf32, #tpu.memory_space<vmem>>)
    %dma_wait3A_211 = arith.constant 5 : i32
    %dma_wait3A_212 = arith.constant 640 : i32
    %dma_wait3A_213 = arith.constant 0 : i32
    %dma_wait3A_214 = tpu.memref_slice %arg6[%dma_wait3A_212, %dma_wait3A_213] : memref<2048x16xf32, #tpu.memory_space<vmem>> -> memref<128x16xf32, #tpu.memory_space<vmem>>
    %dma_wait3A_215 = arith.constant 0 : i32
    %dma_wait3A_216 = tpu.memref_slice %arg5[%dma_wait3A_211, %dma_wait3A_215] : memref<16x128xi32, #tpu.memory_space<vmem>> -> memref<1x128xi32, #tpu.memory_space<vmem>>
    %dma_wait3A_217 = tpu.memref_squeeze %dma_wait3A_216 : memref<1x128xi32, #tpu.memory_space<vmem>> -> memref<128xi32, #tpu.memory_space<vmem>>
    %dma_wait3A_218 = arith.constant 0 : i32
    %dma_wait3A_219 = arith.constant 0 : i32
    %dma_wait3A_220 = tpu.memref_slice %arg2[%dma_wait3A_218, %dma_wait3A_219] : memref<4096x16xf32, #tpu.memory_space<hbm>> -> memref<4096x16xf32, #tpu.memory_space<hbm>>
    tpu.wait_indirect_dma semaphore(%arg7 : memref<!tpu.dma_semaphore, #tpu.memory_space<semaphore_mem>>) src(%dma_wait3A_220 : memref<4096x16xf32, #tpu.memory_space<hbm>>) dst(%dma_wait3A_214 : memref<128x16xf32, #tpu.memory_space<vmem>>)
    %dma_wait3A_221 = arith.constant 6 : i32
    %dma_wait3A_222 = arith.constant 768 : i32
    %dma_wait3A_223 = arith.constant 0 : i32
    %dma_wait3A_224 = tpu.memref_slice %arg6[%dma_wait3A_222, %dma_wait3A_223] : memref<2048x16xf32, #tpu.memory_space<vmem>> -> memref<128x16xf32, #tpu.memory_space<vmem>>
    %dma_wait3A_225 = arith.constant 0 : i32
    %dma_wait3A_226 = tpu.memref_slice %arg5[%dma_wait3A_221, %dma_wait3A_225] : memref<16x128xi32, #tpu.memory_space<vmem>> -> memref<1x128xi32, #tpu.memory_space<vmem>>
    %dma_wait3A_227 = tpu.memref_squeeze %dma_wait3A_226 : memref<1x128xi32, #tpu.memory_space<vmem>> -> memref<128xi32, #tpu.memory_space<vmem>>
    %dma_wait3A_228 = arith.constant 0 : i32
    %dma_wait3A_229 = arith.constant 0 : i32
    %dma_wait3A_230 = tpu.memref_slice %arg2[%dma_wait3A_228, %dma_wait3A_229] : memref<4096x16xf32, #tpu.memory_space<hbm>> -> memref<4096x16xf32, #tpu.memory_space<hbm>>
    tpu.wait_indirect_dma semaphore(%arg7 : memref<!tpu.dma_semaphore, #tpu.memory_space<semaphore_mem>>) src(%dma_wait3A_230 : memref<4096x16xf32, #tpu.memory_space<hbm>>) dst(%dma_wait3A_224 : memref<128x16xf32, #tpu.memory_space<vmem>>)
    %dma_wait3A_231 = arith.constant 7 : i32
    %dma_wait3A_232 = arith.constant 896 : i32
    %dma_wait3A_233 = arith.constant 0 : i32
    %dma_wait3A_234 = tpu.memref_slice %arg6[%dma_wait3A_232, %dma_wait3A_233] : memref<2048x16xf32, #tpu.memory_space<vmem>> -> memref<128x16xf32, #tpu.memory_space<vmem>>
    %dma_wait3A_235 = arith.constant 0 : i32
    %dma_wait3A_236 = tpu.memref_slice %arg5[%dma_wait3A_231, %dma_wait3A_235] : memref<16x128xi32, #tpu.memory_space<vmem>> -> memref<1x128xi32, #tpu.memory_space<vmem>>
    %dma_wait3A_237 = tpu.memref_squeeze %dma_wait3A_236 : memref<1x128xi32, #tpu.memory_space<vmem>> -> memref<128xi32, #tpu.memory_space<vmem>>
    %dma_wait3A_238 = arith.constant 0 : i32
    %dma_wait3A_239 = arith.constant 0 : i32
    %dma_wait3A_240 = tpu.memref_slice %arg2[%dma_wait3A_238, %dma_wait3A_239] : memref<4096x16xf32, #tpu.memory_space<hbm>> -> memref<4096x16xf32, #tpu.memory_space<hbm>>
    tpu.wait_indirect_dma semaphore(%arg7 : memref<!tpu.dma_semaphore, #tpu.memory_space<semaphore_mem>>) src(%dma_wait3A_240 : memref<4096x16xf32, #tpu.memory_space<hbm>>) dst(%dma_wait3A_234 : memref<128x16xf32, #tpu.memory_space<vmem>>)
    %dma_wait3A_241 = arith.constant 8 : i32
    %dma_wait3A_242 = arith.constant 1024 : i32
    %dma_wait3A_243 = arith.constant 0 : i32
    %dma_wait3A_244 = tpu.memref_slice %arg6[%dma_wait3A_242, %dma_wait3A_243] : memref<2048x16xf32, #tpu.memory_space<vmem>> -> memref<128x16xf32, #tpu.memory_space<vmem>>
    %dma_wait3A_245 = arith.constant 0 : i32
    %dma_wait3A_246 = tpu.memref_slice %arg5[%dma_wait3A_241, %dma_wait3A_245] : memref<16x128xi32, #tpu.memory_space<vmem>> -> memref<1x128xi32, #tpu.memory_space<vmem>>
    %dma_wait3A_247 = tpu.memref_squeeze %dma_wait3A_246 : memref<1x128xi32, #tpu.memory_space<vmem>> -> memref<128xi32, #tpu.memory_space<vmem>>
    %dma_wait3A_248 = arith.constant 0 : i32
    %dma_wait3A_249 = arith.constant 0 : i32
    %dma_wait3A_250 = tpu.memref_slice %arg2[%dma_wait3A_248, %dma_wait3A_249] : memref<4096x16xf32, #tpu.memory_space<hbm>> -> memref<4096x16xf32, #tpu.memory_space<hbm>>
    tpu.wait_indirect_dma semaphore(%arg7 : memref<!tpu.dma_semaphore, #tpu.memory_space<semaphore_mem>>) src(%dma_wait3A_250 : memref<4096x16xf32, #tpu.memory_space<hbm>>) dst(%dma_wait3A_244 : memref<128x16xf32, #tpu.memory_space<vmem>>)
    %dma_wait3A_251 = arith.constant 9 : i32
    %dma_wait3A_252 = arith.constant 1152 : i32
    %dma_wait3A_253 = arith.constant 0 : i32
    %dma_wait3A_254 = tpu.memref_slice %arg6[%dma_wait3A_252, %dma_wait3A_253] : memref<2048x16xf32, #tpu.memory_space<vmem>> -> memref<128x16xf32, #tpu.memory_space<vmem>>
    %dma_wait3A_255 = arith.constant 0 : i32
    %dma_wait3A_256 = tpu.memref_slice %arg5[%dma_wait3A_251, %dma_wait3A_255] : memref<16x128xi32, #tpu.memory_space<vmem>> -> memref<1x128xi32, #tpu.memory_space<vmem>>
    %dma_wait3A_257 = tpu.memref_squeeze %dma_wait3A_256 : memref<1x128xi32, #tpu.memory_space<vmem>> -> memref<128xi32, #tpu.memory_space<vmem>>
    %dma_wait3A_258 = arith.constant 0 : i32
    %dma_wait3A_259 = arith.constant 0 : i32
    %dma_wait3A_260 = tpu.memref_slice %arg2[%dma_wait3A_258, %dma_wait3A_259] : memref<4096x16xf32, #tpu.memory_space<hbm>> -> memref<4096x16xf32, #tpu.memory_space<hbm>>
    tpu.wait_indirect_dma semaphore(%arg7 : memref<!tpu.dma_semaphore, #tpu.memory_space<semaphore_mem>>) src(%dma_wait3A_260 : memref<4096x16xf32, #tpu.memory_space<hbm>>) dst(%dma_wait3A_254 : memref<128x16xf32, #tpu.memory_space<vmem>>)
    %dma_wait3A_261 = arith.constant 10 : i32
    %dma_wait3A_262 = arith.constant 1280 : i32
    %dma_wait3A_263 = arith.constant 0 : i32
    %dma_wait3A_264 = tpu.memref_slice %arg6[%dma_wait3A_262, %dma_wait3A_263] : memref<2048x16xf32, #tpu.memory_space<vmem>> -> memref<128x16xf32, #tpu.memory_space<vmem>>
    %dma_wait3A_265 = arith.constant 0 : i32
    %dma_wait3A_266 = tpu.memref_slice %arg5[%dma_wait3A_261, %dma_wait3A_265] : memref<16x128xi32, #tpu.memory_space<vmem>> -> memref<1x128xi32, #tpu.memory_space<vmem>>
    %dma_wait3A_267 = tpu.memref_squeeze %dma_wait3A_266 : memref<1x128xi32, #tpu.memory_space<vmem>> -> memref<128xi32, #tpu.memory_space<vmem>>
    %dma_wait3A_268 = arith.constant 0 : i32
    %dma_wait3A_269 = arith.constant 0 : i32
    %dma_wait3A_270 = tpu.memref_slice %arg2[%dma_wait3A_268, %dma_wait3A_269] : memref<4096x16xf32, #tpu.memory_space<hbm>> -> memref<4096x16xf32, #tpu.memory_space<hbm>>
    tpu.wait_indirect_dma semaphore(%arg7 : memref<!tpu.dma_semaphore, #tpu.memory_space<semaphore_mem>>) src(%dma_wait3A_270 : memref<4096x16xf32, #tpu.memory_space<hbm>>) dst(%dma_wait3A_264 : memref<128x16xf32, #tpu.memory_space<vmem>>)
    %dma_wait3A_271 = arith.constant 11 : i32
    %dma_wait3A_272 = arith.constant 1408 : i32
    %dma_wait3A_273 = arith.constant 0 : i32
    %dma_wait3A_274 = tpu.memref_slice %arg6[%dma_wait3A_272, %dma_wait3A_273] : memref<2048x16xf32, #tpu.memory_space<vmem>> -> memref<128x16xf32, #tpu.memory_space<vmem>>
    %dma_wait3A_275 = arith.constant 0 : i32
    %dma_wait3A_276 = tpu.memref_slice %arg5[%dma_wait3A_271, %dma_wait3A_275] : memref<16x128xi32, #tpu.memory_space<vmem>> -> memref<1x128xi32, #tpu.memory_space<vmem>>
    %dma_wait3A_277 = tpu.memref_squeeze %dma_wait3A_276 : memref<1x128xi32, #tpu.memory_space<vmem>> -> memref<128xi32, #tpu.memory_space<vmem>>
    %dma_wait3A_278 = arith.constant 0 : i32
    %dma_wait3A_279 = arith.constant 0 : i32
    %dma_wait3A_280 = tpu.memref_slice %arg2[%dma_wait3A_278, %dma_wait3A_279] : memref<4096x16xf32, #tpu.memory_space<hbm>> -> memref<4096x16xf32, #tpu.memory_space<hbm>>
    tpu.wait_indirect_dma semaphore(%arg7 : memref<!tpu.dma_semaphore, #tpu.memory_space<semaphore_mem>>) src(%dma_wait3A_280 : memref<4096x16xf32, #tpu.memory_space<hbm>>) dst(%dma_wait3A_274 : memref<128x16xf32, #tpu.memory_space<vmem>>)
    %dma_wait3A_281 = arith.constant 12 : i32
    %dma_wait3A_282 = arith.constant 1536 : i32
    %dma_wait3A_283 = arith.constant 0 : i32
    %dma_wait3A_284 = tpu.memref_slice %arg6[%dma_wait3A_282, %dma_wait3A_283] : memref<2048x16xf32, #tpu.memory_space<vmem>> -> memref<128x16xf32, #tpu.memory_space<vmem>>
    %dma_wait3A_285 = arith.constant 0 : i32
    %dma_wait3A_286 = tpu.memref_slice %arg5[%dma_wait3A_281, %dma_wait3A_285] : memref<16x128xi32, #tpu.memory_space<vmem>> -> memref<1x128xi32, #tpu.memory_space<vmem>>
    %dma_wait3A_287 = tpu.memref_squeeze %dma_wait3A_286 : memref<1x128xi32, #tpu.memory_space<vmem>> -> memref<128xi32, #tpu.memory_space<vmem>>
    %dma_wait3A_288 = arith.constant 0 : i32
    %dma_wait3A_289 = arith.constant 0 : i32
    %dma_wait3A_290 = tpu.memref_slice %arg2[%dma_wait3A_288, %dma_wait3A_289] : memref<4096x16xf32, #tpu.memory_space<hbm>> -> memref<4096x16xf32, #tpu.memory_space<hbm>>
    tpu.wait_indirect_dma semaphore(%arg7 : memref<!tpu.dma_semaphore, #tpu.memory_space<semaphore_mem>>) src(%dma_wait3A_290 : memref<4096x16xf32, #tpu.memory_space<hbm>>) dst(%dma_wait3A_284 : memref<128x16xf32, #tpu.memory_space<vmem>>)
    %dma_wait3A_291 = arith.constant 13 : i32
    %dma_wait3A_292 = arith.constant 1664 : i32
    %dma_wait3A_293 = arith.constant 0 : i32
    %dma_wait3A_294 = tpu.memref_slice %arg6[%dma_wait3A_292, %dma_wait3A_293] : memref<2048x16xf32, #tpu.memory_space<vmem>> -> memref<128x16xf32, #tpu.memory_space<vmem>>
    %dma_wait3A_295 = arith.constant 0 : i32
    %dma_wait3A_296 = tpu.memref_slice %arg5[%dma_wait3A_291, %dma_wait3A_295] : memref<16x128xi32, #tpu.memory_space<vmem>> -> memref<1x128xi32, #tpu.memory_space<vmem>>
    %dma_wait3A_297 = tpu.memref_squeeze %dma_wait3A_296 : memref<1x128xi32, #tpu.memory_space<vmem>> -> memref<128xi32, #tpu.memory_space<vmem>>
    %dma_wait3A_298 = arith.constant 0 : i32
    %dma_wait3A_299 = arith.constant 0 : i32
    %dma_wait3A_300 = tpu.memref_slice %arg2[%dma_wait3A_298, %dma_wait3A_299] : memref<4096x16xf32, #tpu.memory_space<hbm>> -> memref<4096x16xf32, #tpu.memory_space<hbm>>
    tpu.wait_indirect_dma semaphore(%arg7 : memref<!tpu.dma_semaphore, #tpu.memory_space<semaphore_mem>>) src(%dma_wait3A_300 : memref<4096x16xf32, #tpu.memory_space<hbm>>) dst(%dma_wait3A_294 : memref<128x16xf32, #tpu.memory_space<vmem>>)
    %dma_wait3A_301 = arith.constant 14 : i32
    %dma_wait3A_302 = arith.constant 1792 : i32
    %dma_wait3A_303 = arith.constant 0 : i32
    %dma_wait3A_304 = tpu.memref_slice %arg6[%dma_wait3A_302, %dma_wait3A_303] : memref<2048x16xf32, #tpu.memory_space<vmem>> -> memref<128x16xf32, #tpu.memory_space<vmem>>
    %dma_wait3A_305 = arith.constant 0 : i32
    %dma_wait3A_306 = tpu.memref_slice %arg5[%dma_wait3A_301, %dma_wait3A_305] : memref<16x128xi32, #tpu.memory_space<vmem>> -> memref<1x128xi32, #tpu.memory_space<vmem>>
    %dma_wait3A_307 = tpu.memref_squeeze %dma_wait3A_306 : memref<1x128xi32, #tpu.memory_space<vmem>> -> memref<128xi32, #tpu.memory_space<vmem>>
    %dma_wait3A_308 = arith.constant 0 : i32
    %dma_wait3A_309 = arith.constant 0 : i32
    %dma_wait3A_310 = tpu.memref_slice %arg2[%dma_wait3A_308, %dma_wait3A_309] : memref<4096x16xf32, #tpu.memory_space<hbm>> -> memref<4096x16xf32, #tpu.memory_space<hbm>>
    tpu.wait_indirect_dma semaphore(%arg7 : memref<!tpu.dma_semaphore, #tpu.memory_space<semaphore_mem>>) src(%dma_wait3A_310 : memref<4096x16xf32, #tpu.memory_space<hbm>>) dst(%dma_wait3A_304 : memref<128x16xf32, #tpu.memory_space<vmem>>)
    %dma_wait3A_311 = arith.constant 15 : i32
    %dma_wait3A_312 = arith.constant 1920 : i32
    %dma_wait3A_313 = arith.constant 0 : i32
    %dma_wait3A_314 = tpu.memref_slice %arg6[%dma_wait3A_312, %dma_wait3A_313] : memref<2048x16xf32, #tpu.memory_space<vmem>> -> memref<128x16xf32, #tpu.memory_space<vmem>>
    %dma_wait3A_315 = arith.constant 0 : i32
    %dma_wait3A_316 = tpu.memref_slice %arg5[%dma_wait3A_311, %dma_wait3A_315] : memref<16x128xi32, #tpu.memory_space<vmem>> -> memref<1x128xi32, #tpu.memory_space<vmem>>
    %dma_wait3A_317 = tpu.memref_squeeze %dma_wait3A_316 : memref<1x128xi32, #tpu.memory_space<vmem>> -> memref<128xi32, #tpu.memory_space<vmem>>
    %dma_wait3A_318 = arith.constant 0 : i32
    %dma_wait3A_319 = arith.constant 0 : i32
    %dma_wait3A_320 = tpu.memref_slice %arg2[%dma_wait3A_318, %dma_wait3A_319] : memref<4096x16xf32, #tpu.memory_space<hbm>> -> memref<4096x16xf32, #tpu.memory_space<hbm>>
    tpu.wait_indirect_dma semaphore(%arg7 : memref<!tpu.dma_semaphore, #tpu.memory_space<semaphore_mem>>) src(%dma_wait3A_320 : memref<4096x16xf32, #tpu.memory_space<hbm>>) dst(%dma_wait3A_314 : memref<128x16xf32, #tpu.memory_space<vmem>>)
    "tpu.region"() ({
      %run_scoped3A = tpu.sem_alloc : memref<!tpu.dma_semaphore, #tpu.memory_space<semaphore_mem>>
      %dma_start3A_321 = arith.constant 0 : i32
      %dma_start3A_322 = tpu.memref_slice %arg4[%mul3A_2, %dma_start3A_321] : memref<65536x16xf32, #tpu.memory_space<hbm>> -> memref<2048x16xf32, #tpu.memory_space<hbm>>
      %dma_start3A_323 = arith.constant 0 : i32
      %dma_start3A_324 = tpu.memref_slice %arg4[%mul3A_2, %dma_start3A_323] : memref<65536x16xf32, #tpu.memory_space<hbm>> -> memref<2048x16xf32, #tpu.memory_space<hbm>>
      tpu.enqueue_dma source(%arg6 : memref<2048x16xf32, #tpu.memory_space<vmem>>) target(%dma_start3A_324 : memref<2048x16xf32, #tpu.memory_space<hbm>>) target_semaphore(%run_scoped3A : memref<!tpu.dma_semaphore, #tpu.memory_space<semaphore_mem>>)
      %dma_wait3A_325 = arith.constant 0 : i32
      %dma_wait3A_326 = tpu.memref_slice %arg4[%mul3A_2, %dma_wait3A_325] : memref<65536x16xf32, #tpu.memory_space<hbm>> -> memref<2048x16xf32, #tpu.memory_space<hbm>>
      %dma_wait3A_327 = arith.constant 0 : i32
      %dma_wait3A_328 = tpu.memref_slice %arg4[%mul3A_2, %dma_wait3A_327] : memref<65536x16xf32, #tpu.memory_space<hbm>> -> memref<2048x16xf32, #tpu.memory_space<hbm>>
      tpu.wait_dma2 semaphore(%run_scoped3A : memref<!tpu.dma_semaphore, #tpu.memory_space<semaphore_mem>>) src(%arg6 : memref<2048x16xf32, #tpu.memory_space<vmem>>) dst(%dma_wait3A_328 : memref<2048x16xf32, #tpu.memory_space<hbm>>)
      tpu.yield
    }) : () -> ()
    return
  }
}

#map = affine_map<(d0, d1) -> (0, 0)>
#map1 = affine_map<(d0, d1) -> (0, 0, 0)>
module attributes {stable_mosaic.version = 14 : i64} {
  func.func @gather(%arg0: i32, %arg1: i32, %arg2: memref<4096x16xf32, #tpu.memory_space<hbm>>, %arg3: memref<32x16x128xi32, #tpu.memory_space<hbm>>, %arg4: memref<65536x16xf32, #tpu.memory_space<hbm>>, %arg5: memref<16x128xi32, #tpu.memory_space<vmem>>, %arg6: memref<2048x16xf32, #tpu.memory_space<vmem>>, %arg7: memref<!tpu.dma_semaphore, #tpu.memory_space<semaphore_mem>>) attributes {dimension_semantics = [#tpu.dimension_semantics<core_parallel>, #tpu.dimension_semantics<subcore_parallel>], iteration_bounds = array<i64: 2, 16>, scalar_prefetch = 0 : i64, scratch_operands = 3 : i64, tpu.core_type = #tpu.core_type<sc_vector_subcore>, window_params = [{transform_indices = #map}, {transform_indices = #map1}, {transform_indices = #map}]} {
    %mul3A = arith.constant 2 : i32
    %mul3A_0 = arith.muli %arg1, %mul3A : i32
    %add3A = arith.addi %mul3A_0, %arg0 : i32
    %mul3A_1 = arith.constant 2048 : i32
    %mul3A_2 = arith.muli %add3A, %mul3A_1 : i32
    "tpu.region"() ({
      %run_scoped3A = tpu.sem_alloc : memref<!tpu.dma_semaphore, #tpu.memory_space<semaphore_mem>>
      %dma_start3A_321 = arith.constant 0 : i32
      %dma_start3A_322 = arith.constant 0 : i32
      %dma_start3A_323 = tpu.memref_slice %arg3[%add3A, %dma_start3A_321, %dma_start3A_322] : memref<32x16x128xi32, #tpu.memory_space<hbm>> -> memref<1x16x128xi32, #tpu.memory_space<hbm>>
      %dma_start3A_324 = tpu.memref_squeeze %dma_start3A_323 : memref<1x16x128xi32, #tpu.memory_space<hbm>> -> memref<16x128xi32, #tpu.memory_space<hbm>>
      %dma_start3A_325 = arith.constant 0 : i32
      %dma_start3A_326 = arith.constant 0 : i32
      %dma_start3A_327 = tpu.memref_slice %arg3[%add3A, %dma_start3A_325, %dma_start3A_326] : memref<32x16x128xi32, #tpu.memory_space<hbm>> -> memref<1x16x128xi32, #tpu.memory_space<hbm>>
      %dma_start3A_328 = tpu.memref_squeeze %dma_start3A_327 : memref<1x16x128xi32, #tpu.memory_space<hbm>> -> memref<16x128xi32, #tpu.memory_space<hbm>>
      tpu.enqueue_dma source(%dma_start3A_328 : memref<16x128xi32, #tpu.memory_space<hbm>>) target(%arg5 : memref<16x128xi32, #tpu.memory_space<vmem>>) target_semaphore(%run_scoped3A : memref<!tpu.dma_semaphore, #tpu.memory_space<semaphore_mem>>)
      %dma_wait3A_329 = arith.constant 0 : i32
      %dma_wait3A_330 = arith.constant 0 : i32
      %dma_wait3A_331 = tpu.memref_slice %arg3[%add3A, %dma_wait3A_329, %dma_wait3A_330] : memref<32x16x128xi32, #tpu.memory_space<hbm>> -> memref<1x16x128xi32, #tpu.memory_space<hbm>>
      %dma_wait3A_332 = tpu.memref_squeeze %dma_wait3A_331 : memref<1x16x128xi32, #tpu.memory_space<hbm>> -> memref<16x128xi32, #tpu.memory_space<hbm>>
      %dma_wait3A_333 = arith.constant 0 : i32
      %dma_wait3A_334 = arith.constant 0 : i32
      %dma_wait3A_335 = tpu.memref_slice %arg3[%add3A, %dma_wait3A_333, %dma_wait3A_334] : memref<32x16x128xi32, #tpu.memory_space<hbm>> -> memref<1x16x128xi32, #tpu.memory_space<hbm>>
      %dma_wait3A_336 = tpu.memref_squeeze %dma_wait3A_335 : memref<1x16x128xi32, #tpu.memory_space<hbm>> -> memref<16x128xi32, #tpu.memory_space<hbm>>
      tpu.wait_dma2 semaphore(%run_scoped3A : memref<!tpu.dma_semaphore, #tpu.memory_space<semaphore_mem>>) src(%dma_wait3A_336 : memref<16x128xi32, #tpu.memory_space<hbm>>) dst(%arg5 : memref<16x128xi32, #tpu.memory_space<vmem>>)
      tpu.yield
    }) : () -> ()
    %dma_start3A = arith.constant 0 : i32
    %dma_start3A_3 = arith.constant 0 : i32
    %dma_start3A_4 = arith.constant 0 : i32
    %dma_start3A_5 = tpu.memref_slice %arg6[%dma_start3A_3, %dma_start3A_4] : memref<2048x16xf32, #tpu.memory_space<vmem>> -> memref<128x16xf32, #tpu.memory_space<vmem>>
    %dma_start3A_6 = arith.constant 0 : i32
    %dma_start3A_7 = tpu.memref_slice %arg5[%dma_start3A, %dma_start3A_6] : memref<16x128xi32, #tpu.memory_space<vmem>> -> memref<1x128xi32, #tpu.memory_space<vmem>>
    %dma_start3A_8 = tpu.memref_squeeze %dma_start3A_7 : memref<1x128xi32, #tpu.memory_space<vmem>> -> memref<128xi32, #tpu.memory_space<vmem>>
    %dma_start3A_9 = arith.constant 0 : i32
    %dma_start3A_10 = arith.constant 0 : i32
    %dma_start3A_11 = tpu.memref_slice %arg2[%dma_start3A_9, %dma_start3A_10] : memref<4096x16xf32, #tpu.memory_space<hbm>> -> memref<4096x16xf32, #tpu.memory_space<hbm>>
    tpu.enqueue_indirect_dma source(%dma_start3A_11 : memref<4096x16xf32, #tpu.memory_space<hbm>>) target(%dma_start3A_5 : memref<128x16xf32, #tpu.memory_space<vmem>>) offsets(%dma_start3A_8 : memref<128xi32, #tpu.memory_space<vmem>>) semaphore(%arg7 : memref<!tpu.dma_semaphore, #tpu.memory_space<semaphore_mem>>)
    %dma_start3A_12 = arith.constant 1 : i32
    %dma_start3A_13 = arith.constant 128 : i32
    %dma_start3A_14 = arith.constant 0 : i32
    %dma_start3A_15 = tpu.memref_slice %arg6[%dma_start3A_13, %dma_start3A_14] : memref<2048x16xf32, #tpu.memory_space<vmem>> -> memref<128x16xf32, #tpu.memory_space<vmem>>
    %dma_start3A_16 = arith.constant 0 : i32
    %dma_start3A_17 = tpu.memref_slice %arg5[%dma_start3A_12, %dma_start3A_16] : memref<16x128xi32, #tpu.memory_space<vmem>> -> memref<1x128xi32, #tpu.memory_space<vmem>>
    %dma_start3A_18 = tpu.memref_squeeze %dma_start3A_17 : memref<1x128xi32, #tpu.memory_space<vmem>> -> memref<128xi32, #tpu.memory_space<vmem>>
    %dma_start3A_19 = arith.constant 0 : i32
    %dma_start3A_20 = arith.constant 0 : i32
    %dma_start3A_21 = tpu.memref_slice %arg2[%dma_start3A_19, %dma_start3A_20] : memref<4096x16xf32, #tpu.memory_space<hbm>> -> memref<4096x16xf32, #tpu.memory_space<hbm>>
    tpu.enqueue_indirect_dma source(%dma_start3A_21 : memref<4096x16xf32, #tpu.memory_space<hbm>>) target(%dma_start3A_15 : memref<128x16xf32, #tpu.memory_space<vmem>>) offsets(%dma_start3A_18 : memref<128xi32, #tpu.memory_space<vmem>>) semaphore(%arg7 : memref<!tpu.dma_semaphore, #tpu.memory_space<semaphore_mem>>)
    %dma_start3A_22 = arith.constant 2 : i32
    %dma_start3A_23 = arith.constant 256 : i32
    %dma_start3A_24 = arith.constant 0 : i32
    %dma_start3A_25 = tpu.memref_slice %arg6[%dma_start3A_23, %dma_start3A_24] : memref<2048x16xf32, #tpu.memory_space<vmem>> -> memref<128x16xf32, #tpu.memory_space<vmem>>
    %dma_start3A_26 = arith.constant 0 : i32
    %dma_start3A_27 = tpu.memref_slice %arg5[%dma_start3A_22, %dma_start3A_26] : memref<16x128xi32, #tpu.memory_space<vmem>> -> memref<1x128xi32, #tpu.memory_space<vmem>>
    %dma_start3A_28 = tpu.memref_squeeze %dma_start3A_27 : memref<1x128xi32, #tpu.memory_space<vmem>> -> memref<128xi32, #tpu.memory_space<vmem>>
    %dma_start3A_29 = arith.constant 0 : i32
    %dma_start3A_30 = arith.constant 0 : i32
    %dma_start3A_31 = tpu.memref_slice %arg2[%dma_start3A_29, %dma_start3A_30] : memref<4096x16xf32, #tpu.memory_space<hbm>> -> memref<4096x16xf32, #tpu.memory_space<hbm>>
    tpu.enqueue_indirect_dma source(%dma_start3A_31 : memref<4096x16xf32, #tpu.memory_space<hbm>>) target(%dma_start3A_25 : memref<128x16xf32, #tpu.memory_space<vmem>>) offsets(%dma_start3A_28 : memref<128xi32, #tpu.memory_space<vmem>>) semaphore(%arg7 : memref<!tpu.dma_semaphore, #tpu.memory_space<semaphore_mem>>)
    %dma_start3A_32 = arith.constant 3 : i32
    %dma_start3A_33 = arith.constant 384 : i32
    %dma_start3A_34 = arith.constant 0 : i32
    %dma_start3A_35 = tpu.memref_slice %arg6[%dma_start3A_33, %dma_start3A_34] : memref<2048x16xf32, #tpu.memory_space<vmem>> -> memref<128x16xf32, #tpu.memory_space<vmem>>
    %dma_start3A_36 = arith.constant 0 : i32
    %dma_start3A_37 = tpu.memref_slice %arg5[%dma_start3A_32, %dma_start3A_36] : memref<16x128xi32, #tpu.memory_space<vmem>> -> memref<1x128xi32, #tpu.memory_space<vmem>>
    %dma_start3A_38 = tpu.memref_squeeze %dma_start3A_37 : memref<1x128xi32, #tpu.memory_space<vmem>> -> memref<128xi32, #tpu.memory_space<vmem>>
    %dma_start3A_39 = arith.constant 0 : i32
    %dma_start3A_40 = arith.constant 0 : i32
    %dma_start3A_41 = tpu.memref_slice %arg2[%dma_start3A_39, %dma_start3A_40] : memref<4096x16xf32, #tpu.memory_space<hbm>> -> memref<4096x16xf32, #tpu.memory_space<hbm>>
    tpu.enqueue_indirect_dma source(%dma_start3A_41 : memref<4096x16xf32, #tpu.memory_space<hbm>>) target(%dma_start3A_35 : memref<128x16xf32, #tpu.memory_space<vmem>>) offsets(%dma_start3A_38 : memref<128xi32, #tpu.memory_space<vmem>>) semaphore(%arg7 : memref<!tpu.dma_semaphore, #tpu.memory_space<semaphore_mem>>)
    %dma_start3A_42 = arith.constant 4 : i32
    %dma_start3A_43 = arith.constant 512 : i32
    %dma_start3A_44 = arith.constant 0 : i32
    %dma_start3A_45 = tpu.memref_slice %arg6[%dma_start3A_43, %dma_start3A_44] : memref<2048x16xf32, #tpu.memory_space<vmem>> -> memref<128x16xf32, #tpu.memory_space<vmem>>
    %dma_start3A_46 = arith.constant 0 : i32
    %dma_start3A_47 = tpu.memref_slice %arg5[%dma_start3A_42, %dma_start3A_46] : memref<16x128xi32, #tpu.memory_space<vmem>> -> memref<1x128xi32, #tpu.memory_space<vmem>>
    %dma_start3A_48 = tpu.memref_squeeze %dma_start3A_47 : memref<1x128xi32, #tpu.memory_space<vmem>> -> memref<128xi32, #tpu.memory_space<vmem>>
    %dma_start3A_49 = arith.constant 0 : i32
    %dma_start3A_50 = arith.constant 0 : i32
    %dma_start3A_51 = tpu.memref_slice %arg2[%dma_start3A_49, %dma_start3A_50] : memref<4096x16xf32, #tpu.memory_space<hbm>> -> memref<4096x16xf32, #tpu.memory_space<hbm>>
    tpu.enqueue_indirect_dma source(%dma_start3A_51 : memref<4096x16xf32, #tpu.memory_space<hbm>>) target(%dma_start3A_45 : memref<128x16xf32, #tpu.memory_space<vmem>>) offsets(%dma_start3A_48 : memref<128xi32, #tpu.memory_space<vmem>>) semaphore(%arg7 : memref<!tpu.dma_semaphore, #tpu.memory_space<semaphore_mem>>)
    %dma_start3A_52 = arith.constant 5 : i32
    %dma_start3A_53 = arith.constant 640 : i32
    %dma_start3A_54 = arith.constant 0 : i32
    %dma_start3A_55 = tpu.memref_slice %arg6[%dma_start3A_53, %dma_start3A_54] : memref<2048x16xf32, #tpu.memory_space<vmem>> -> memref<128x16xf32, #tpu.memory_space<vmem>>
    %dma_start3A_56 = arith.constant 0 : i32
    %dma_start3A_57 = tpu.memref_slice %arg5[%dma_start3A_52, %dma_start3A_56] : memref<16x128xi32, #tpu.memory_space<vmem>> -> memref<1x128xi32, #tpu.memory_space<vmem>>
    %dma_start3A_58 = tpu.memref_squeeze %dma_start3A_57 : memref<1x128xi32, #tpu.memory_space<vmem>> -> memref<128xi32, #tpu.memory_space<vmem>>
    %dma_start3A_59 = arith.constant 0 : i32
    %dma_start3A_60 = arith.constant 0 : i32
    %dma_start3A_61 = tpu.memref_slice %arg2[%dma_start3A_59, %dma_start3A_60] : memref<4096x16xf32, #tpu.memory_space<hbm>> -> memref<4096x16xf32, #tpu.memory_space<hbm>>
    tpu.enqueue_indirect_dma source(%dma_start3A_61 : memref<4096x16xf32, #tpu.memory_space<hbm>>) target(%dma_start3A_55 : memref<128x16xf32, #tpu.memory_space<vmem>>) offsets(%dma_start3A_58 : memref<128xi32, #tpu.memory_space<vmem>>) semaphore(%arg7 : memref<!tpu.dma_semaphore, #tpu.memory_space<semaphore_mem>>)
    %dma_start3A_62 = arith.constant 6 : i32
    %dma_start3A_63 = arith.constant 768 : i32
    %dma_start3A_64 = arith.constant 0 : i32
    %dma_start3A_65 = tpu.memref_slice %arg6[%dma_start3A_63, %dma_start3A_64] : memref<2048x16xf32, #tpu.memory_space<vmem>> -> memref<128x16xf32, #tpu.memory_space<vmem>>
    %dma_start3A_66 = arith.constant 0 : i32
    %dma_start3A_67 = tpu.memref_slice %arg5[%dma_start3A_62, %dma_start3A_66] : memref<16x128xi32, #tpu.memory_space<vmem>> -> memref<1x128xi32, #tpu.memory_space<vmem>>
    %dma_start3A_68 = tpu.memref_squeeze %dma_start3A_67 : memref<1x128xi32, #tpu.memory_space<vmem>> -> memref<128xi32, #tpu.memory_space<vmem>>
    %dma_start3A_69 = arith.constant 0 : i32
    %dma_start3A_70 = arith.constant 0 : i32
    %dma_start3A_71 = tpu.memref_slice %arg2[%dma_start3A_69, %dma_start3A_70] : memref<4096x16xf32, #tpu.memory_space<hbm>> -> memref<4096x16xf32, #tpu.memory_space<hbm>>
    tpu.enqueue_indirect_dma source(%dma_start3A_71 : memref<4096x16xf32, #tpu.memory_space<hbm>>) target(%dma_start3A_65 : memref<128x16xf32, #tpu.memory_space<vmem>>) offsets(%dma_start3A_68 : memref<128xi32, #tpu.memory_space<vmem>>) semaphore(%arg7 : memref<!tpu.dma_semaphore, #tpu.memory_space<semaphore_mem>>)
    %dma_start3A_72 = arith.constant 7 : i32
    %dma_start3A_73 = arith.constant 896 : i32
    %dma_start3A_74 = arith.constant 0 : i32
    %dma_start3A_75 = tpu.memref_slice %arg6[%dma_start3A_73, %dma_start3A_74] : memref<2048x16xf32, #tpu.memory_space<vmem>> -> memref<128x16xf32, #tpu.memory_space<vmem>>
    %dma_start3A_76 = arith.constant 0 : i32
    %dma_start3A_77 = tpu.memref_slice %arg5[%dma_start3A_72, %dma_start3A_76] : memref<16x128xi32, #tpu.memory_space<vmem>> -> memref<1x128xi32, #tpu.memory_space<vmem>>
    %dma_start3A_78 = tpu.memref_squeeze %dma_start3A_77 : memref<1x128xi32, #tpu.memory_space<vmem>> -> memref<128xi32, #tpu.memory_space<vmem>>
    %dma_start3A_79 = arith.constant 0 : i32
    %dma_start3A_80 = arith.constant 0 : i32
    %dma_start3A_81 = tpu.memref_slice %arg2[%dma_start3A_79, %dma_start3A_80] : memref<4096x16xf32, #tpu.memory_space<hbm>> -> memref<4096x16xf32, #tpu.memory_space<hbm>>
    tpu.enqueue_indirect_dma source(%dma_start3A_81 : memref<4096x16xf32, #tpu.memory_space<hbm>>) target(%dma_start3A_75 : memref<128x16xf32, #tpu.memory_space<vmem>>) offsets(%dma_start3A_78 : memref<128xi32, #tpu.memory_space<vmem>>) semaphore(%arg7 : memref<!tpu.dma_semaphore, #tpu.memory_space<semaphore_mem>>)
    %dma_start3A_82 = arith.constant 8 : i32
    %dma_start3A_83 = arith.constant 1024 : i32
    %dma_start3A_84 = arith.constant 0 : i32
    %dma_start3A_85 = tpu.memref_slice %arg6[%dma_start3A_83, %dma_start3A_84] : memref<2048x16xf32, #tpu.memory_space<vmem>> -> memref<128x16xf32, #tpu.memory_space<vmem>>
    %dma_start3A_86 = arith.constant 0 : i32
    %dma_start3A_87 = tpu.memref_slice %arg5[%dma_start3A_82, %dma_start3A_86] : memref<16x128xi32, #tpu.memory_space<vmem>> -> memref<1x128xi32, #tpu.memory_space<vmem>>
    %dma_start3A_88 = tpu.memref_squeeze %dma_start3A_87 : memref<1x128xi32, #tpu.memory_space<vmem>> -> memref<128xi32, #tpu.memory_space<vmem>>
    %dma_start3A_89 = arith.constant 0 : i32
    %dma_start3A_90 = arith.constant 0 : i32
    %dma_start3A_91 = tpu.memref_slice %arg2[%dma_start3A_89, %dma_start3A_90] : memref<4096x16xf32, #tpu.memory_space<hbm>> -> memref<4096x16xf32, #tpu.memory_space<hbm>>
    tpu.enqueue_indirect_dma source(%dma_start3A_91 : memref<4096x16xf32, #tpu.memory_space<hbm>>) target(%dma_start3A_85 : memref<128x16xf32, #tpu.memory_space<vmem>>) offsets(%dma_start3A_88 : memref<128xi32, #tpu.memory_space<vmem>>) semaphore(%arg7 : memref<!tpu.dma_semaphore, #tpu.memory_space<semaphore_mem>>)
    %dma_start3A_92 = arith.constant 9 : i32
    %dma_start3A_93 = arith.constant 1152 : i32
    %dma_start3A_94 = arith.constant 0 : i32
    %dma_start3A_95 = tpu.memref_slice %arg6[%dma_start3A_93, %dma_start3A_94] : memref<2048x16xf32, #tpu.memory_space<vmem>> -> memref<128x16xf32, #tpu.memory_space<vmem>>
    %dma_start3A_96 = arith.constant 0 : i32
    %dma_start3A_97 = tpu.memref_slice %arg5[%dma_start3A_92, %dma_start3A_96] : memref<16x128xi32, #tpu.memory_space<vmem>> -> memref<1x128xi32, #tpu.memory_space<vmem>>
    %dma_start3A_98 = tpu.memref_squeeze %dma_start3A_97 : memref<1x128xi32, #tpu.memory_space<vmem>> -> memref<128xi32, #tpu.memory_space<vmem>>
    %dma_start3A_99 = arith.constant 0 : i32
    %dma_start3A_100 = arith.constant 0 : i32
    %dma_start3A_101 = tpu.memref_slice %arg2[%dma_start3A_99, %dma_start3A_100] : memref<4096x16xf32, #tpu.memory_space<hbm>> -> memref<4096x16xf32, #tpu.memory_space<hbm>>
    tpu.enqueue_indirect_dma source(%dma_start3A_101 : memref<4096x16xf32, #tpu.memory_space<hbm>>) target(%dma_start3A_95 : memref<128x16xf32, #tpu.memory_space<vmem>>) offsets(%dma_start3A_98 : memref<128xi32, #tpu.memory_space<vmem>>) semaphore(%arg7 : memref<!tpu.dma_semaphore, #tpu.memory_space<semaphore_mem>>)
    %dma_start3A_102 = arith.constant 10 : i32
    %dma_start3A_103 = arith.constant 1280 : i32
    %dma_start3A_104 = arith.constant 0 : i32
    %dma_start3A_105 = tpu.memref_slice %arg6[%dma_start3A_103, %dma_start3A_104] : memref<2048x16xf32, #tpu.memory_space<vmem>> -> memref<128x16xf32, #tpu.memory_space<vmem>>
    %dma_start3A_106 = arith.constant 0 : i32
    %dma_start3A_107 = tpu.memref_slice %arg5[%dma_start3A_102, %dma_start3A_106] : memref<16x128xi32, #tpu.memory_space<vmem>> -> memref<1x128xi32, #tpu.memory_space<vmem>>
    %dma_start3A_108 = tpu.memref_squeeze %dma_start3A_107 : memref<1x128xi32, #tpu.memory_space<vmem>> -> memref<128xi32, #tpu.memory_space<vmem>>
    %dma_start3A_109 = arith.constant 0 : i32
    %dma_start3A_110 = arith.constant 0 : i32
    %dma_start3A_111 = tpu.memref_slice %arg2[%dma_start3A_109, %dma_start3A_110] : memref<4096x16xf32, #tpu.memory_space<hbm>> -> memref<4096x16xf32, #tpu.memory_space<hbm>>
    tpu.enqueue_indirect_dma source(%dma_start3A_111 : memref<4096x16xf32, #tpu.memory_space<hbm>>) target(%dma_start3A_105 : memref<128x16xf32, #tpu.memory_space<vmem>>) offsets(%dma_start3A_108 : memref<128xi32, #tpu.memory_space<vmem>>) semaphore(%arg7 : memref<!tpu.dma_semaphore, #tpu.memory_space<semaphore_mem>>)
    %dma_start3A_112 = arith.constant 11 : i32
    %dma_start3A_113 = arith.constant 1408 : i32
    %dma_start3A_114 = arith.constant 0 : i32
    %dma_start3A_115 = tpu.memref_slice %arg6[%dma_start3A_113, %dma_start3A_114] : memref<2048x16xf32, #tpu.memory_space<vmem>> -> memref<128x16xf32, #tpu.memory_space<vmem>>
    %dma_start3A_116 = arith.constant 0 : i32
    %dma_start3A_117 = tpu.memref_slice %arg5[%dma_start3A_112, %dma_start3A_116] : memref<16x128xi32, #tpu.memory_space<vmem>> -> memref<1x128xi32, #tpu.memory_space<vmem>>
    %dma_start3A_118 = tpu.memref_squeeze %dma_start3A_117 : memref<1x128xi32, #tpu.memory_space<vmem>> -> memref<128xi32, #tpu.memory_space<vmem>>
    %dma_start3A_119 = arith.constant 0 : i32
    %dma_start3A_120 = arith.constant 0 : i32
    %dma_start3A_121 = tpu.memref_slice %arg2[%dma_start3A_119, %dma_start3A_120] : memref<4096x16xf32, #tpu.memory_space<hbm>> -> memref<4096x16xf32, #tpu.memory_space<hbm>>
    tpu.enqueue_indirect_dma source(%dma_start3A_121 : memref<4096x16xf32, #tpu.memory_space<hbm>>) target(%dma_start3A_115 : memref<128x16xf32, #tpu.memory_space<vmem>>) offsets(%dma_start3A_118 : memref<128xi32, #tpu.memory_space<vmem>>) semaphore(%arg7 : memref<!tpu.dma_semaphore, #tpu.memory_space<semaphore_mem>>)
    %dma_start3A_122 = arith.constant 12 : i32
    %dma_start3A_123 = arith.constant 1536 : i32
    %dma_start3A_124 = arith.constant 0 : i32
    %dma_start3A_125 = tpu.memref_slice %arg6[%dma_start3A_123, %dma_start3A_124] : memref<2048x16xf32, #tpu.memory_space<vmem>> -> memref<128x16xf32, #tpu.memory_space<vmem>>
    %dma_start3A_126 = arith.constant 0 : i32
    %dma_start3A_127 = tpu.memref_slice %arg5[%dma_start3A_122, %dma_start3A_126] : memref<16x128xi32, #tpu.memory_space<vmem>> -> memref<1x128xi32, #tpu.memory_space<vmem>>
    %dma_start3A_128 = tpu.memref_squeeze %dma_start3A_127 : memref<1x128xi32, #tpu.memory_space<vmem>> -> memref<128xi32, #tpu.memory_space<vmem>>
    %dma_start3A_129 = arith.constant 0 : i32
    %dma_start3A_130 = arith.constant 0 : i32
    %dma_start3A_131 = tpu.memref_slice %arg2[%dma_start3A_129, %dma_start3A_130] : memref<4096x16xf32, #tpu.memory_space<hbm>> -> memref<4096x16xf32, #tpu.memory_space<hbm>>
    tpu.enqueue_indirect_dma source(%dma_start3A_131 : memref<4096x16xf32, #tpu.memory_space<hbm>>) target(%dma_start3A_125 : memref<128x16xf32, #tpu.memory_space<vmem>>) offsets(%dma_start3A_128 : memref<128xi32, #tpu.memory_space<vmem>>) semaphore(%arg7 : memref<!tpu.dma_semaphore, #tpu.memory_space<semaphore_mem>>)
    %dma_start3A_132 = arith.constant 13 : i32
    %dma_start3A_133 = arith.constant 1664 : i32
    %dma_start3A_134 = arith.constant 0 : i32
    %dma_start3A_135 = tpu.memref_slice %arg6[%dma_start3A_133, %dma_start3A_134] : memref<2048x16xf32, #tpu.memory_space<vmem>> -> memref<128x16xf32, #tpu.memory_space<vmem>>
    %dma_start3A_136 = arith.constant 0 : i32
    %dma_start3A_137 = tpu.memref_slice %arg5[%dma_start3A_132, %dma_start3A_136] : memref<16x128xi32, #tpu.memory_space<vmem>> -> memref<1x128xi32, #tpu.memory_space<vmem>>
    %dma_start3A_138 = tpu.memref_squeeze %dma_start3A_137 : memref<1x128xi32, #tpu.memory_space<vmem>> -> memref<128xi32, #tpu.memory_space<vmem>>
    %dma_start3A_139 = arith.constant 0 : i32
    %dma_start3A_140 = arith.constant 0 : i32
    %dma_start3A_141 = tpu.memref_slice %arg2[%dma_start3A_139, %dma_start3A_140] : memref<4096x16xf32, #tpu.memory_space<hbm>> -> memref<4096x16xf32, #tpu.memory_space<hbm>>
    tpu.enqueue_indirect_dma source(%dma_start3A_141 : memref<4096x16xf32, #tpu.memory_space<hbm>>) target(%dma_start3A_135 : memref<128x16xf32, #tpu.memory_space<vmem>>) offsets(%dma_start3A_138 : memref<128xi32, #tpu.memory_space<vmem>>) semaphore(%arg7 : memref<!tpu.dma_semaphore, #tpu.memory_space<semaphore_mem>>)
    %dma_start3A_142 = arith.constant 14 : i32
    %dma_start3A_143 = arith.constant 1792 : i32
    %dma_start3A_144 = arith.constant 0 : i32
    %dma_start3A_145 = tpu.memref_slice %arg6[%dma_start3A_143, %dma_start3A_144] : memref<2048x16xf32, #tpu.memory_space<vmem>> -> memref<128x16xf32, #tpu.memory_space<vmem>>
    %dma_start3A_146 = arith.constant 0 : i32
    %dma_start3A_147 = tpu.memref_slice %arg5[%dma_start3A_142, %dma_start3A_146] : memref<16x128xi32, #tpu.memory_space<vmem>> -> memref<1x128xi32, #tpu.memory_space<vmem>>
    %dma_start3A_148 = tpu.memref_squeeze %dma_start3A_147 : memref<1x128xi32, #tpu.memory_space<vmem>> -> memref<128xi32, #tpu.memory_space<vmem>>
    %dma_start3A_149 = arith.constant 0 : i32
    %dma_start3A_150 = arith.constant 0 : i32
    %dma_start3A_151 = tpu.memref_slice %arg2[%dma_start3A_149, %dma_start3A_150] : memref<4096x16xf32, #tpu.memory_space<hbm>> -> memref<4096x16xf32, #tpu.memory_space<hbm>>
    tpu.enqueue_indirect_dma source(%dma_start3A_151 : memref<4096x16xf32, #tpu.memory_space<hbm>>) target(%dma_start3A_145 : memref<128x16xf32, #tpu.memory_space<vmem>>) offsets(%dma_start3A_148 : memref<128xi32, #tpu.memory_space<vmem>>) semaphore(%arg7 : memref<!tpu.dma_semaphore, #tpu.memory_space<semaphore_mem>>)
    %dma_start3A_152 = arith.constant 15 : i32
    %dma_start3A_153 = arith.constant 1920 : i32
    %dma_start3A_154 = arith.constant 0 : i32
    %dma_start3A_155 = tpu.memref_slice %arg6[%dma_start3A_153, %dma_start3A_154] : memref<2048x16xf32, #tpu.memory_space<vmem>> -> memref<128x16xf32, #tpu.memory_space<vmem>>
    %dma_start3A_156 = arith.constant 0 : i32
    %dma_start3A_157 = tpu.memref_slice %arg5[%dma_start3A_152, %dma_start3A_156] : memref<16x128xi32, #tpu.memory_space<vmem>> -> memref<1x128xi32, #tpu.memory_space<vmem>>
    %dma_start3A_158 = tpu.memref_squeeze %dma_start3A_157 : memref<1x128xi32, #tpu.memory_space<vmem>> -> memref<128xi32, #tpu.memory_space<vmem>>
    %dma_start3A_159 = arith.constant 0 : i32
    %dma_start3A_160 = arith.constant 0 : i32
    %dma_start3A_161 = tpu.memref_slice %arg2[%dma_start3A_159, %dma_start3A_160] : memref<4096x16xf32, #tpu.memory_space<hbm>> -> memref<4096x16xf32, #tpu.memory_space<hbm>>
    tpu.enqueue_indirect_dma source(%dma_start3A_161 : memref<4096x16xf32, #tpu.memory_space<hbm>>) target(%dma_start3A_155 : memref<128x16xf32, #tpu.memory_space<vmem>>) offsets(%dma_start3A_158 : memref<128xi32, #tpu.memory_space<vmem>>) semaphore(%arg7 : memref<!tpu.dma_semaphore, #tpu.memory_space<semaphore_mem>>)
    %dma_wait3A = arith.constant 0 : i32
    %dma_wait3A_162 = arith.constant 0 : i32
    %dma_wait3A_163 = arith.constant 0 : i32
    %dma_wait3A_164 = tpu.memref_slice %arg6[%dma_wait3A_162, %dma_wait3A_163] : memref<2048x16xf32, #tpu.memory_space<vmem>> -> memref<128x16xf32, #tpu.memory_space<vmem>>
    %dma_wait3A_165 = arith.constant 0 : i32
    %dma_wait3A_166 = tpu.memref_slice %arg5[%dma_wait3A, %dma_wait3A_165] : memref<16x128xi32, #tpu.memory_space<vmem>> -> memref<1x128xi32, #tpu.memory_space<vmem>>
    %dma_wait3A_167 = tpu.memref_squeeze %dma_wait3A_166 : memref<1x128xi32, #tpu.memory_space<vmem>> -> memref<128xi32, #tpu.memory_space<vmem>>
    %dma_wait3A_168 = arith.constant 0 : i32
    %dma_wait3A_169 = arith.constant 0 : i32
    %dma_wait3A_170 = tpu.memref_slice %arg2[%dma_wait3A_168, %dma_wait3A_169] : memref<4096x16xf32, #tpu.memory_space<hbm>> -> memref<4096x16xf32, #tpu.memory_space<hbm>>
    tpu.wait_indirect_dma semaphore(%arg7 : memref<!tpu.dma_semaphore, #tpu.memory_space<semaphore_mem>>) src(%dma_wait3A_170 : memref<4096x16xf32, #tpu.memory_space<hbm>>) dst(%dma_wait3A_164 : memref<128x16xf32, #tpu.memory_space<vmem>>)
    %dma_wait3A_171 = arith.constant 1 : i32
    %dma_wait3A_172 = arith.constant 128 : i32
    %dma_wait3A_173 = arith.constant 0 : i32
    %dma_wait3A_174 = tpu.memref_slice %arg6[%dma_wait3A_172, %dma_wait3A_173] : memref<2048x16xf32, #tpu.memory_space<vmem>> -> memref<128x16xf32, #tpu.memory_space<vmem>>
    %dma_wait3A_175 = arith.constant 0 : i32
    %dma_wait3A_176 = tpu.memref_slice %arg5[%dma_wait3A_171, %dma_wait3A_175] : memref<16x128xi32, #tpu.memory_space<vmem>> -> memref<1x128xi32, #tpu.memory_space<vmem>>
    %dma_wait3A_177 = tpu.memref_squeeze %dma_wait3A_176 : memref<1x128xi32, #tpu.memory_space<vmem>> -> memref<128xi32, #tpu.memory_space<vmem>>
    %dma_wait3A_178 = arith.constant 0 : i32
    %dma_wait3A_179 = arith.constant 0 : i32
    %dma_wait3A_180 = tpu.memref_slice %arg2[%dma_wait3A_178, %dma_wait3A_179] : memref<4096x16xf32, #tpu.memory_space<hbm>> -> memref<4096x16xf32, #tpu.memory_space<hbm>>
    tpu.wait_indirect_dma semaphore(%arg7 : memref<!tpu.dma_semaphore, #tpu.memory_space<semaphore_mem>>) src(%dma_wait3A_180 : memref<4096x16xf32, #tpu.memory_space<hbm>>) dst(%dma_wait3A_174 : memref<128x16xf32, #tpu.memory_space<vmem>>)
    %dma_wait3A_181 = arith.constant 2 : i32
    %dma_wait3A_182 = arith.constant 256 : i32
    %dma_wait3A_183 = arith.constant 0 : i32
    %dma_wait3A_184 = tpu.memref_slice %arg6[%dma_wait3A_182, %dma_wait3A_183] : memref<2048x16xf32, #tpu.memory_space<vmem>> -> memref<128x16xf32, #tpu.memory_space<vmem>>
    %dma_wait3A_185 = arith.constant 0 : i32
    %dma_wait3A_186 = tpu.memref_slice %arg5[%dma_wait3A_181, %dma_wait3A_185] : memref<16x128xi32, #tpu.memory_space<vmem>> -> memref<1x128xi32, #tpu.memory_space<vmem>>
    %dma_wait3A_187 = tpu.memref_squeeze %dma_wait3A_186 : memref<1x128xi32, #tpu.memory_space<vmem>> -> memref<128xi32, #tpu.memory_space<vmem>>
    %dma_wait3A_188 = arith.constant 0 : i32
    %dma_wait3A_189 = arith.constant 0 : i32
    %dma_wait3A_190 = tpu.memref_slice %arg2[%dma_wait3A_188, %dma_wait3A_189] : memref<4096x16xf32, #tpu.memory_space<hbm>> -> memref<4096x16xf32, #tpu.memory_space<hbm>>
    tpu.wait_indirect_dma semaphore(%arg7 : memref<!tpu.dma_semaphore, #tpu.memory_space<semaphore_mem>>) src(%dma_wait3A_190 : memref<4096x16xf32, #tpu.memory_space<hbm>>) dst(%dma_wait3A_184 : memref<128x16xf32, #tpu.memory_space<vmem>>)
    %dma_wait3A_191 = arith.constant 3 : i32
    %dma_wait3A_192 = arith.constant 384 : i32
    %dma_wait3A_193 = arith.constant 0 : i32
    %dma_wait3A_194 = tpu.memref_slice %arg6[%dma_wait3A_192, %dma_wait3A_193] : memref<2048x16xf32, #tpu.memory_space<vmem>> -> memref<128x16xf32, #tpu.memory_space<vmem>>
    %dma_wait3A_195 = arith.constant 0 : i32
    %dma_wait3A_196 = tpu.memref_slice %arg5[%dma_wait3A_191, %dma_wait3A_195] : memref<16x128xi32, #tpu.memory_space<vmem>> -> memref<1x128xi32, #tpu.memory_space<vmem>>
    %dma_wait3A_197 = tpu.memref_squeeze %dma_wait3A_196 : memref<1x128xi32, #tpu.memory_space<vmem>> -> memref<128xi32, #tpu.memory_space<vmem>>
    %dma_wait3A_198 = arith.constant 0 : i32
    %dma_wait3A_199 = arith.constant 0 : i32
    %dma_wait3A_200 = tpu.memref_slice %arg2[%dma_wait3A_198, %dma_wait3A_199] : memref<4096x16xf32, #tpu.memory_space<hbm>> -> memref<4096x16xf32, #tpu.memory_space<hbm>>
    tpu.wait_indirect_dma semaphore(%arg7 : memref<!tpu.dma_semaphore, #tpu.memory_space<semaphore_mem>>) src(%dma_wait3A_200 : memref<4096x16xf32, #tpu.memory_space<hbm>>) dst(%dma_wait3A_194 : memref<128x16xf32, #tpu.memory_space<vmem>>)
    %dma_wait3A_201 = arith.constant 4 : i32
    %dma_wait3A_202 = arith.constant 512 : i32
    %dma_wait3A_203 = arith.constant 0 : i32
    %dma_wait3A_204 = tpu.memref_slice %arg6[%dma_wait3A_202, %dma_wait3A_203] : memref<2048x16xf32, #tpu.memory_space<vmem>> -> memref<128x16xf32, #tpu.memory_space<vmem>>
    %dma_wait3A_205 = arith.constant 0 : i32
    %dma_wait3A_206 = tpu.memref_slice %arg5[%dma_wait3A_201, %dma_wait3A_205] : memref<16x128xi32, #tpu.memory_space<vmem>> -> memref<1x128xi32, #tpu.memory_space<vmem>>
    %dma_wait3A_207 = tpu.memref_squeeze %dma_wait3A_206 : memref<1x128xi32, #tpu.memory_space<vmem>> -> memref<128xi32, #tpu.memory_space<vmem>>
    %dma_wait3A_208 = arith.constant 0 : i32
    %dma_wait3A_209 = arith.constant 0 : i32
    %dma_wait3A_210 = tpu.memref_slice %arg2[%dma_wait3A_208, %dma_wait3A_209] : memref<4096x16xf32, #tpu.memory_space<hbm>> -> memref<4096x16xf32, #tpu.memory_space<hbm>>
    tpu.wait_indirect_dma semaphore(%arg7 : memref<!tpu.dma_semaphore, #tpu.memory_space<semaphore_mem>>) src(%dma_wait3A_210 : memref<4096x16xf32, #tpu.memory_space<hbm>>) dst(%dma_wait3A_204 : memref<128x16xf32, #tpu.memory_space<vmem>>)
    %dma_wait3A_211 = arith.constant 5 : i32
    %dma_wait3A_212 = arith.constant 640 : i32
    %dma_wait3A_213 = arith.constant 0 : i32
    %dma_wait3A_214 = tpu.memref_slice %arg6[%dma_wait3A_212, %dma_wait3A_213] : memref<2048x16xf32, #tpu.memory_space<vmem>> -> memref<128x16xf32, #tpu.memory_space<vmem>>
    %dma_wait3A_215 = arith.constant 0 : i32
    %dma_wait3A_216 = tpu.memref_slice %arg5[%dma_wait3A_211, %dma_wait3A_215] : memref<16x128xi32, #tpu.memory_space<vmem>> -> memref<1x128xi32, #tpu.memory_space<vmem>>
    %dma_wait3A_217 = tpu.memref_squeeze %dma_wait3A_216 : memref<1x128xi32, #tpu.memory_space<vmem>> -> memref<128xi32, #tpu.memory_space<vmem>>
    %dma_wait3A_218 = arith.constant 0 : i32
    %dma_wait3A_219 = arith.constant 0 : i32
    %dma_wait3A_220 = tpu.memref_slice %arg2[%dma_wait3A_218, %dma_wait3A_219] : memref<4096x16xf32, #tpu.memory_space<hbm>> -> memref<4096x16xf32, #tpu.memory_space<hbm>>
    tpu.wait_indirect_dma semaphore(%arg7 : memref<!tpu.dma_semaphore, #tpu.memory_space<semaphore_mem>>) src(%dma_wait3A_220 : memref<4096x16xf32, #tpu.memory_space<hbm>>) dst(%dma_wait3A_214 : memref<128x16xf32, #tpu.memory_space<vmem>>)
    %dma_wait3A_221 = arith.constant 6 : i32
    %dma_wait3A_222 = arith.constant 768 : i32
    %dma_wait3A_223 = arith.constant 0 : i32
    %dma_wait3A_224 = tpu.memref_slice %arg6[%dma_wait3A_222, %dma_wait3A_223] : memref<2048x16xf32, #tpu.memory_space<vmem>> -> memref<128x16xf32, #tpu.memory_space<vmem>>
    %dma_wait3A_225 = arith.constant 0 : i32
    %dma_wait3A_226 = tpu.memref_slice %arg5[%dma_wait3A_221, %dma_wait3A_225] : memref<16x128xi32, #tpu.memory_space<vmem>> -> memref<1x128xi32, #tpu.memory_space<vmem>>
    %dma_wait3A_227 = tpu.memref_squeeze %dma_wait3A_226 : memref<1x128xi32, #tpu.memory_space<vmem>> -> memref<128xi32, #tpu.memory_space<vmem>>
    %dma_wait3A_228 = arith.constant 0 : i32
    %dma_wait3A_229 = arith.constant 0 : i32
    %dma_wait3A_230 = tpu.memref_slice %arg2[%dma_wait3A_228, %dma_wait3A_229] : memref<4096x16xf32, #tpu.memory_space<hbm>> -> memref<4096x16xf32, #tpu.memory_space<hbm>>
    tpu.wait_indirect_dma semaphore(%arg7 : memref<!tpu.dma_semaphore, #tpu.memory_space<semaphore_mem>>) src(%dma_wait3A_230 : memref<4096x16xf32, #tpu.memory_space<hbm>>) dst(%dma_wait3A_224 : memref<128x16xf32, #tpu.memory_space<vmem>>)
    %dma_wait3A_231 = arith.constant 7 : i32
    %dma_wait3A_232 = arith.constant 896 : i32
    %dma_wait3A_233 = arith.constant 0 : i32
    %dma_wait3A_234 = tpu.memref_slice %arg6[%dma_wait3A_232, %dma_wait3A_233] : memref<2048x16xf32, #tpu.memory_space<vmem>> -> memref<128x16xf32, #tpu.memory_space<vmem>>
    %dma_wait3A_235 = arith.constant 0 : i32
    %dma_wait3A_236 = tpu.memref_slice %arg5[%dma_wait3A_231, %dma_wait3A_235] : memref<16x128xi32, #tpu.memory_space<vmem>> -> memref<1x128xi32, #tpu.memory_space<vmem>>
    %dma_wait3A_237 = tpu.memref_squeeze %dma_wait3A_236 : memref<1x128xi32, #tpu.memory_space<vmem>> -> memref<128xi32, #tpu.memory_space<vmem>>
    %dma_wait3A_238 = arith.constant 0 : i32
    %dma_wait3A_239 = arith.constant 0 : i32
    %dma_wait3A_240 = tpu.memref_slice %arg2[%dma_wait3A_238, %dma_wait3A_239] : memref<4096x16xf32, #tpu.memory_space<hbm>> -> memref<4096x16xf32, #tpu.memory_space<hbm>>
    tpu.wait_indirect_dma semaphore(%arg7 : memref<!tpu.dma_semaphore, #tpu.memory_space<semaphore_mem>>) src(%dma_wait3A_240 : memref<4096x16xf32, #tpu.memory_space<hbm>>) dst(%dma_wait3A_234 : memref<128x16xf32, #tpu.memory_space<vmem>>)
    %dma_wait3A_241 = arith.constant 8 : i32
    %dma_wait3A_242 = arith.constant 1024 : i32
    %dma_wait3A_243 = arith.constant 0 : i32
    %dma_wait3A_244 = tpu.memref_slice %arg6[%dma_wait3A_242, %dma_wait3A_243] : memref<2048x16xf32, #tpu.memory_space<vmem>> -> memref<128x16xf32, #tpu.memory_space<vmem>>
    %dma_wait3A_245 = arith.constant 0 : i32
    %dma_wait3A_246 = tpu.memref_slice %arg5[%dma_wait3A_241, %dma_wait3A_245] : memref<16x128xi32, #tpu.memory_space<vmem>> -> memref<1x128xi32, #tpu.memory_space<vmem>>
    %dma_wait3A_247 = tpu.memref_squeeze %dma_wait3A_246 : memref<1x128xi32, #tpu.memory_space<vmem>> -> memref<128xi32, #tpu.memory_space<vmem>>
    %dma_wait3A_248 = arith.constant 0 : i32
    %dma_wait3A_249 = arith.constant 0 : i32
    %dma_wait3A_250 = tpu.memref_slice %arg2[%dma_wait3A_248, %dma_wait3A_249] : memref<4096x16xf32, #tpu.memory_space<hbm>> -> memref<4096x16xf32, #tpu.memory_space<hbm>>
    tpu.wait_indirect_dma semaphore(%arg7 : memref<!tpu.dma_semaphore, #tpu.memory_space<semaphore_mem>>) src(%dma_wait3A_250 : memref<4096x16xf32, #tpu.memory_space<hbm>>) dst(%dma_wait3A_244 : memref<128x16xf32, #tpu.memory_space<vmem>>)
    %dma_wait3A_251 = arith.constant 9 : i32
    %dma_wait3A_252 = arith.constant 1152 : i32
    %dma_wait3A_253 = arith.constant 0 : i32
    %dma_wait3A_254 = tpu.memref_slice %arg6[%dma_wait3A_252, %dma_wait3A_253] : memref<2048x16xf32, #tpu.memory_space<vmem>> -> memref<128x16xf32, #tpu.memory_space<vmem>>
    %dma_wait3A_255 = arith.constant 0 : i32
    %dma_wait3A_256 = tpu.memref_slice %arg5[%dma_wait3A_251, %dma_wait3A_255] : memref<16x128xi32, #tpu.memory_space<vmem>> -> memref<1x128xi32, #tpu.memory_space<vmem>>
    %dma_wait3A_257 = tpu.memref_squeeze %dma_wait3A_256 : memref<1x128xi32, #tpu.memory_space<vmem>> -> memref<128xi32, #tpu.memory_space<vmem>>
    %dma_wait3A_258 = arith.constant 0 : i32
    %dma_wait3A_259 = arith.constant 0 : i32
    %dma_wait3A_260 = tpu.memref_slice %arg2[%dma_wait3A_258, %dma_wait3A_259] : memref<4096x16xf32, #tpu.memory_space<hbm>> -> memref<4096x16xf32, #tpu.memory_space<hbm>>
    tpu.wait_indirect_dma semaphore(%arg7 : memref<!tpu.dma_semaphore, #tpu.memory_space<semaphore_mem>>) src(%dma_wait3A_260 : memref<4096x16xf32, #tpu.memory_space<hbm>>) dst(%dma_wait3A_254 : memref<128x16xf32, #tpu.memory_space<vmem>>)
    %dma_wait3A_261 = arith.constant 10 : i32
    %dma_wait3A_262 = arith.constant 1280 : i32
    %dma_wait3A_263 = arith.constant 0 : i32
    %dma_wait3A_264 = tpu.memref_slice %arg6[%dma_wait3A_262, %dma_wait3A_263] : memref<2048x16xf32, #tpu.memory_space<vmem>> -> memref<128x16xf32, #tpu.memory_space<vmem>>
    %dma_wait3A_265 = arith.constant 0 : i32
    %dma_wait3A_266 = tpu.memref_slice %arg5[%dma_wait3A_261, %dma_wait3A_265] : memref<16x128xi32, #tpu.memory_space<vmem>> -> memref<1x128xi32, #tpu.memory_space<vmem>>
    %dma_wait3A_267 = tpu.memref_squeeze %dma_wait3A_266 : memref<1x128xi32, #tpu.memory_space<vmem>> -> memref<128xi32, #tpu.memory_space<vmem>>
    %dma_wait3A_268 = arith.constant 0 : i32
    %dma_wait3A_269 = arith.constant 0 : i32
    %dma_wait3A_270 = tpu.memref_slice %arg2[%dma_wait3A_268, %dma_wait3A_269] : memref<4096x16xf32, #tpu.memory_space<hbm>> -> memref<4096x16xf32, #tpu.memory_space<hbm>>
    tpu.wait_indirect_dma semaphore(%arg7 : memref<!tpu.dma_semaphore, #tpu.memory_space<semaphore_mem>>) src(%dma_wait3A_270 : memref<4096x16xf32, #tpu.memory_space<hbm>>) dst(%dma_wait3A_264 : memref<128x16xf32, #tpu.memory_space<vmem>>)
    %dma_wait3A_271 = arith.constant 11 : i32
    %dma_wait3A_272 = arith.constant 1408 : i32
    %dma_wait3A_273 = arith.constant 0 : i32
    %dma_wait3A_274 = tpu.memref_slice %arg6[%dma_wait3A_272, %dma_wait3A_273] : memref<2048x16xf32, #tpu.memory_space<vmem>> -> memref<128x16xf32, #tpu.memory_space<vmem>>
    %dma_wait3A_275 = arith.constant 0 : i32
    %dma_wait3A_276 = tpu.memref_slice %arg5[%dma_wait3A_271, %dma_wait3A_275] : memref<16x128xi32, #tpu.memory_space<vmem>> -> memref<1x128xi32, #tpu.memory_space<vmem>>
    %dma_wait3A_277 = tpu.memref_squeeze %dma_wait3A_276 : memref<1x128xi32, #tpu.memory_space<vmem>> -> memref<128xi32, #tpu.memory_space<vmem>>
    %dma_wait3A_278 = arith.constant 0 : i32
    %dma_wait3A_279 = arith.constant 0 : i32
    %dma_wait3A_280 = tpu.memref_slice %arg2[%dma_wait3A_278, %dma_wait3A_279] : memref<4096x16xf32, #tpu.memory_space<hbm>> -> memref<4096x16xf32, #tpu.memory_space<hbm>>
    tpu.wait_indirect_dma semaphore(%arg7 : memref<!tpu.dma_semaphore, #tpu.memory_space<semaphore_mem>>) src(%dma_wait3A_280 : memref<4096x16xf32, #tpu.memory_space<hbm>>) dst(%dma_wait3A_274 : memref<128x16xf32, #tpu.memory_space<vmem>>)
    %dma_wait3A_281 = arith.constant 12 : i32
    %dma_wait3A_282 = arith.constant 1536 : i32
    %dma_wait3A_283 = arith.constant 0 : i32
    %dma_wait3A_284 = tpu.memref_slice %arg6[%dma_wait3A_282, %dma_wait3A_283] : memref<2048x16xf32, #tpu.memory_space<vmem>> -> memref<128x16xf32, #tpu.memory_space<vmem>>
    %dma_wait3A_285 = arith.constant 0 : i32
    %dma_wait3A_286 = tpu.memref_slice %arg5[%dma_wait3A_281, %dma_wait3A_285] : memref<16x128xi32, #tpu.memory_space<vmem>> -> memref<1x128xi32, #tpu.memory_space<vmem>>
    %dma_wait3A_287 = tpu.memref_squeeze %dma_wait3A_286 : memref<1x128xi32, #tpu.memory_space<vmem>> -> memref<128xi32, #tpu.memory_space<vmem>>
    %dma_wait3A_288 = arith.constant 0 : i32
    %dma_wait3A_289 = arith.constant 0 : i32
    %dma_wait3A_290 = tpu.memref_slice %arg2[%dma_wait3A_288, %dma_wait3A_289] : memref<4096x16xf32, #tpu.memory_space<hbm>> -> memref<4096x16xf32, #tpu.memory_space<hbm>>
    tpu.wait_indirect_dma semaphore(%arg7 : memref<!tpu.dma_semaphore, #tpu.memory_space<semaphore_mem>>) src(%dma_wait3A_290 : memref<4096x16xf32, #tpu.memory_space<hbm>>) dst(%dma_wait3A_284 : memref<128x16xf32, #tpu.memory_space<vmem>>)
    %dma_wait3A_291 = arith.constant 13 : i32
    %dma_wait3A_292 = arith.constant 1664 : i32
    %dma_wait3A_293 = arith.constant 0 : i32
    %dma_wait3A_294 = tpu.memref_slice %arg6[%dma_wait3A_292, %dma_wait3A_293] : memref<2048x16xf32, #tpu.memory_space<vmem>> -> memref<128x16xf32, #tpu.memory_space<vmem>>
    %dma_wait3A_295 = arith.constant 0 : i32
    %dma_wait3A_296 = tpu.memref_slice %arg5[%dma_wait3A_291, %dma_wait3A_295] : memref<16x128xi32, #tpu.memory_space<vmem>> -> memref<1x128xi32, #tpu.memory_space<vmem>>
    %dma_wait3A_297 = tpu.memref_squeeze %dma_wait3A_296 : memref<1x128xi32, #tpu.memory_space<vmem>> -> memref<128xi32, #tpu.memory_space<vmem>>
    %dma_wait3A_298 = arith.constant 0 : i32
    %dma_wait3A_299 = arith.constant 0 : i32
    %dma_wait3A_300 = tpu.memref_slice %arg2[%dma_wait3A_298, %dma_wait3A_299] : memref<4096x16xf32, #tpu.memory_space<hbm>> -> memref<4096x16xf32, #tpu.memory_space<hbm>>
    tpu.wait_indirect_dma semaphore(%arg7 : memref<!tpu.dma_semaphore, #tpu.memory_space<semaphore_mem>>) src(%dma_wait3A_300 : memref<4096x16xf32, #tpu.memory_space<hbm>>) dst(%dma_wait3A_294 : memref<128x16xf32, #tpu.memory_space<vmem>>)
    %dma_wait3A_301 = arith.constant 14 : i32
    %dma_wait3A_302 = arith.constant 1792 : i32
    %dma_wait3A_303 = arith.constant 0 : i32
    %dma_wait3A_304 = tpu.memref_slice %arg6[%dma_wait3A_302, %dma_wait3A_303] : memref<2048x16xf32, #tpu.memory_space<vmem>> -> memref<128x16xf32, #tpu.memory_space<vmem>>
    %dma_wait3A_305 = arith.constant 0 : i32
    %dma_wait3A_306 = tpu.memref_slice %arg5[%dma_wait3A_301, %dma_wait3A_305] : memref<16x128xi32, #tpu.memory_space<vmem>> -> memref<1x128xi32, #tpu.memory_space<vmem>>
    %dma_wait3A_307 = tpu.memref_squeeze %dma_wait3A_306 : memref<1x128xi32, #tpu.memory_space<vmem>> -> memref<128xi32, #tpu.memory_space<vmem>>
    %dma_wait3A_308 = arith.constant 0 : i32
    %dma_wait3A_309 = arith.constant 0 : i32
    %dma_wait3A_310 = tpu.memref_slice %arg2[%dma_wait3A_308, %dma_wait3A_309] : memref<4096x16xf32, #tpu.memory_space<hbm>> -> memref<4096x16xf32, #tpu.memory_space<hbm>>
    tpu.wait_indirect_dma semaphore(%arg7 : memref<!tpu.dma_semaphore, #tpu.memory_space<semaphore_mem>>) src(%dma_wait3A_310 : memref<4096x16xf32, #tpu.memory_space<hbm>>) dst(%dma_wait3A_304 : memref<128x16xf32, #tpu.memory_space<vmem>>)
    %dma_wait3A_311 = arith.constant 15 : i32
    %dma_wait3A_312 = arith.constant 1920 : i32
    %dma_wait3A_313 = arith.constant 0 : i32
    %dma_wait3A_314 = tpu.memref_slice %arg6[%dma_wait3A_312, %dma_wait3A_313] : memref<2048x16xf32, #tpu.memory_space<vmem>> -> memref<128x16xf32, #tpu.memory_space<vmem>>
    %dma_wait3A_315 = arith.constant 0 : i32
    %dma_wait3A_316 = tpu.memref_slice %arg5[%dma_wait3A_311, %dma_wait3A_315] : memref<16x128xi32, #tpu.memory_space<vmem>> -> memref<1x128xi32, #tpu.memory_space<vmem>>
    %dma_wait3A_317 = tpu.memref_squeeze %dma_wait3A_316 : memref<1x128xi32, #tpu.memory_space<vmem>> -> memref<128xi32, #tpu.memory_space<vmem>>
    %dma_wait3A_318 = arith.constant 0 : i32
    %dma_wait3A_319 = arith.constant 0 : i32
    %dma_wait3A_320 = tpu.memref_slice %arg2[%dma_wait3A_318, %dma_wait3A_319] : memref<4096x16xf32, #tpu.memory_space<hbm>> -> memref<4096x16xf32, #tpu.memory_space<hbm>>
    tpu.wait_indirect_dma semaphore(%arg7 : memref<!tpu.dma_semaphore, #tpu.memory_space<semaphore_mem>>) src(%dma_wait3A_320 : memref<4096x16xf32, #tpu.memory_space<hbm>>) dst(%dma_wait3A_314 : memref<128x16xf32, #tpu.memory_space<vmem>>)
    "tpu.region"() ({
      %run_scoped3A = tpu.sem_alloc : memref<!tpu.dma_semaphore, #tpu.memory_space<semaphore_mem>>
      %dma_start3A_321 = arith.constant 0 : i32
      %dma_start3A_322 = tpu.memref_slice %arg4[%mul3A_2, %dma_start3A_321] : memref<65536x16xf32, #tpu.memory_space<hbm>> -> memref<2048x16xf32, #tpu.memory_space<hbm>>
      %dma_start3A_323 = arith.constant 0 : i32
      %dma_start3A_324 = tpu.memref_slice %arg4[%mul3A_2, %dma_start3A_323] : memref<65536x16xf32, #tpu.memory_space<hbm>> -> memref<2048x16xf32, #tpu.memory_space<hbm>>
      tpu.enqueue_dma source(%arg6 : memref<2048x16xf32, #tpu.memory_space<vmem>>) target(%dma_start3A_324 : memref<2048x16xf32, #tpu.memory_space<hbm>>) target_semaphore(%run_scoped3A : memref<!tpu.dma_semaphore, #tpu.memory_space<semaphore_mem>>)
      %dma_wait3A_325 = arith.constant 0 : i32
      %dma_wait3A_326 = tpu.memref_slice %arg4[%mul3A_2, %dma_wait3A_325] : memref<65536x16xf32, #tpu.memory_space<hbm>> -> memref<2048x16xf32, #tpu.memory_space<hbm>>
      %dma_wait3A_327 = arith.constant 0 : i32
      %dma_wait3A_328 = tpu.memref_slice %arg4[%mul3A_2, %dma_wait3A_327] : memref<65536x16xf32, #tpu.memory_space<hbm>> -> memref<2048x16xf32, #tpu.memory_space<hbm>>
      tpu.wait_dma2 semaphore(%run_scoped3A : memref<!tpu.dma_semaphore, #tpu.memory_space<semaphore_mem>>) src(%arg6 : memref<2048x16xf32, #tpu.memory_space<vmem>>) dst(%dma_wait3A_328 : memref<2048x16xf32, #tpu.memory_space<hbm>>)
      tpu.yield
    }) : () -> ()
    return
  }
}

module attributes {stable_mosaic.version = 14 : i64} {
  func.func @_knn_body(%arg0: i32, %arg1: i32, %arg2: memref<1x3x1024xf32, #tpu.memory_space<vmem>>, %arg3: memref<1x256x3xf32, #tpu.memory_space<vmem>>, %arg4: memref<1x256x16xi32, #tpu.memory_space<vmem>>) attributes {dimension_semantics = [#tpu.dimension_semantics<arbitrary>, #tpu.dimension_semantics<arbitrary>], iteration_bounds = array<i64: 4, 4>, scalar_prefetch = 0 : i64, scratch_operands = 0 : i64, tpu.core_type = #tpu.core_type<tc>, window_params = [{transform_indices = @transform_0, window_bounds = array<i64: 1, 3, 1024>}, {transform_indices = @transform_1, window_bounds = array<i64: 1, 256, 3>}, {transform_indices = @transform_2, window_bounds = array<i64: 1, 256, 16>}]} {
    %get3A = arith.constant 0 : index
    %get3A_0 = arith.constant 0 : index
    %get3A_1 = arith.constant 0 : index
    %get3A_2 = vector.load %arg2[%get3A, %get3A_0, %get3A_1] : memref<1x3x1024xf32, #tpu.memory_space<vmem>>, vector<1x3x1024xf32>
    %get3A_3 = vector.shape_cast %get3A_2 : vector<1x3x1024xf32> to vector<3x1024xf32>
    %get3A_4 = arith.constant 0 : index
    %get3A_5 = arith.constant 0 : index
    %get3A_6 = arith.constant 0 : index
    %get3A_7 = vector.load %arg3[%get3A_4, %get3A_5, %get3A_6] : memref<1x256x3xf32, #tpu.memory_space<vmem>>, vector<1x256x3xf32>
    %get3A_8 = vector.shape_cast %get3A_7 : vector<1x256x3xf32> to vector<256x3xf32>
    %slice3A = vector.extract_strided_slice %get3A_8 {offsets = [0, 0], sizes = [256, 1], strides = [1, 1]} : vector<256x3xf32> to vector<256x1xf32>
    %slice3A_9 = vector.extract_strided_slice %get3A_3 {offsets = [0, 0], sizes = [1, 1024], strides = [1, 1]} : vector<3x1024xf32> to vector<1x1024xf32>
    %sub3A = vector.broadcast %slice3A : vector<256x1xf32> to vector<256x1024xf32>
    %sub3A_10 = vector.broadcast %slice3A_9 : vector<1x1024xf32> to vector<256x1024xf32>
    %sub3A_11 = arith.subf %sub3A, %sub3A_10 : vector<256x1024xf32>
    %mul3A = arith.mulf %sub3A_11, %sub3A_11 : vector<256x1024xf32>
    %slice3A_12 = vector.extract_strided_slice %get3A_8 {offsets = [0, 1], sizes = [256, 1], strides = [1, 1]} : vector<256x3xf32> to vector<256x1xf32>
    %slice3A_13 = vector.extract_strided_slice %get3A_3 {offsets = [1, 0], sizes = [1, 1024], strides = [1, 1]} : vector<3x1024xf32> to vector<1x1024xf32>
    %sub3A_14 = vector.broadcast %slice3A_12 : vector<256x1xf32> to vector<256x1024xf32>
    %sub3A_15 = vector.broadcast %slice3A_13 : vector<1x1024xf32> to vector<256x1024xf32>
    %sub3A_16 = arith.subf %sub3A_14, %sub3A_15 : vector<256x1024xf32>
    %mul3A_17 = arith.mulf %sub3A_16, %sub3A_16 : vector<256x1024xf32>
    %add3A = arith.addf %mul3A, %mul3A_17 : vector<256x1024xf32>
    %slice3A_18 = vector.extract_strided_slice %get3A_8 {offsets = [0, 2], sizes = [256, 1], strides = [1, 1]} : vector<256x3xf32> to vector<256x1xf32>
    %slice3A_19 = vector.extract_strided_slice %get3A_3 {offsets = [2, 0], sizes = [1, 1024], strides = [1, 1]} : vector<3x1024xf32> to vector<1x1024xf32>
    %sub3A_20 = vector.broadcast %slice3A_18 : vector<256x1xf32> to vector<256x1024xf32>
    %sub3A_21 = vector.broadcast %slice3A_19 : vector<1x1024xf32> to vector<256x1024xf32>
    %sub3A_22 = arith.subf %sub3A_20, %sub3A_21 : vector<256x1024xf32>
    %mul3A_23 = arith.mulf %sub3A_22, %sub3A_22 : vector<256x1024xf32>
    %add3A_24 = arith.addf %add3A, %mul3A_23 : vector<256x1024xf32>
    %iota3A = tpu.iota {dimensions = array<i32: 1>} : vector<256x1024xi32>
    %mul3A_25 = arith.constant 256 : i32
    %mul3A_26 = arith.muli %arg1, %mul3A_25 : i32
    %iota3A_27 = tpu.iota {dimensions = array<i32: 0>} : vector<256x1xi32>
    %add3A_28 = vector.broadcast %mul3A_26 : i32 to vector<256x1xi32>
    %add3A_29 = arith.addi %iota3A_27, %add3A_28 : vector<256x1xi32>
    %iota3A_30 = tpu.iota {dimensions = array<i32: 0>} : vector<256x1024xi32>
    %add3A_31 = vector.broadcast %mul3A_26 : i32 to vector<256x1024xi32>
    %add3A_32 = arith.addi %iota3A_30, %add3A_31 : vector<256x1024xi32>
    %eq3A = arith.cmpi eq, %iota3A, %add3A_32 : vector<256x1024xi32>
    %jit3A = arith.constant 0x7F800000 : f32
    %broadcast_in_dim3A = vector.broadcast %jit3A : f32 to vector<256x1024xf32>
    %select_n3A = arith.select %eq3A, %broadcast_in_dim3A, %add3A_24 : vector<256x1024xi1>, vector<256x1024xf32>
    %reduce_min3A = arith.constant dense<0x7F800000> : vector<256xf32>
    %reduce_min3A_33 = vector.multi_reduction <minimumf>, %select_n3A, %reduce_min3A [1] : vector<256x1024xf32> to vector<256xf32>
    %broadcast_in_dim3A_34 = vector.shape_cast %reduce_min3A_33 : vector<256xf32> to vector<256x1xf32>
    %le3A = vector.broadcast %broadcast_in_dim3A_34 : vector<256x1xf32> to vector<256x1024xf32>
    %le3A_35 = arith.cmpf ole, %select_n3A, %le3A : vector<256x1024xf32>
    %jit3A_36 = arith.constant 1024 : i32
    %broadcast_in_dim3A_37 = vector.broadcast %jit3A_36 : i32 to vector<256x1024xi32>
    %select_n3A_38 = arith.select %le3A_35, %iota3A, %broadcast_in_dim3A_37 : vector<256x1024xi1>, vector<256x1024xi32>
    %reduce_min3A_39 = arith.constant dense<2147483647> : vector<256xi32>
    %reduce_min3A_40 = vector.multi_reduction <minsi>, %select_n3A_38, %reduce_min3A_39 [1] : vector<256x1024xi32> to vector<256xi32>
    %broadcast_in_dim3A_41 = vector.shape_cast %reduce_min3A_40 : vector<256xi32> to vector<256x1xi32>
    %eq3A_42 = vector.broadcast %broadcast_in_dim3A_41 : vector<256x1xi32> to vector<256x1024xi32>
    %eq3A_43 = arith.cmpi eq, %iota3A, %eq3A_42 : vector<256x1024xi32>
    %jit3A_44 = arith.constant 0x7F800000 : f32
    %broadcast_in_dim3A_45 = vector.broadcast %jit3A_44 : f32 to vector<256x1024xf32>
    %select_n3A_46 = arith.select %eq3A_43, %broadcast_in_dim3A_45, %select_n3A : vector<256x1024xi1>, vector<256x1024xf32>
    %reduce_min3A_47 = arith.constant dense<0x7F800000> : vector<256xf32>
    %reduce_min3A_48 = vector.multi_reduction <minimumf>, %select_n3A_46, %reduce_min3A_47 [1] : vector<256x1024xf32> to vector<256xf32>
    %broadcast_in_dim3A_49 = vector.shape_cast %reduce_min3A_48 : vector<256xf32> to vector<256x1xf32>
    %le3A_50 = vector.broadcast %broadcast_in_dim3A_49 : vector<256x1xf32> to vector<256x1024xf32>
    %le3A_51 = arith.cmpf ole, %select_n3A_46, %le3A_50 : vector<256x1024xf32>
    %jit3A_52 = arith.constant 1024 : i32
    %broadcast_in_dim3A_53 = vector.broadcast %jit3A_52 : i32 to vector<256x1024xi32>
    %select_n3A_54 = arith.select %le3A_51, %iota3A, %broadcast_in_dim3A_53 : vector<256x1024xi1>, vector<256x1024xi32>
    %reduce_min3A_55 = arith.constant dense<2147483647> : vector<256xi32>
    %reduce_min3A_56 = vector.multi_reduction <minsi>, %select_n3A_54, %reduce_min3A_55 [1] : vector<256x1024xi32> to vector<256xi32>
    %broadcast_in_dim3A_57 = vector.shape_cast %reduce_min3A_56 : vector<256xi32> to vector<256x1xi32>
    %eq3A_58 = vector.broadcast %broadcast_in_dim3A_57 : vector<256x1xi32> to vector<256x1024xi32>
    %eq3A_59 = arith.cmpi eq, %iota3A, %eq3A_58 : vector<256x1024xi32>
    %jit3A_60 = arith.constant 0x7F800000 : f32
    %broadcast_in_dim3A_61 = vector.broadcast %jit3A_60 : f32 to vector<256x1024xf32>
    %select_n3A_62 = arith.select %eq3A_59, %broadcast_in_dim3A_61, %select_n3A_46 : vector<256x1024xi1>, vector<256x1024xf32>
    %reduce_min3A_63 = arith.constant dense<0x7F800000> : vector<256xf32>
    %reduce_min3A_64 = vector.multi_reduction <minimumf>, %select_n3A_62, %reduce_min3A_63 [1] : vector<256x1024xf32> to vector<256xf32>
    %broadcast_in_dim3A_65 = vector.shape_cast %reduce_min3A_64 : vector<256xf32> to vector<256x1xf32>
    %le3A_66 = vector.broadcast %broadcast_in_dim3A_65 : vector<256x1xf32> to vector<256x1024xf32>
    %le3A_67 = arith.cmpf ole, %select_n3A_62, %le3A_66 : vector<256x1024xf32>
    %jit3A_68 = arith.constant 1024 : i32
    %broadcast_in_dim3A_69 = vector.broadcast %jit3A_68 : i32 to vector<256x1024xi32>
    %select_n3A_70 = arith.select %le3A_67, %iota3A, %broadcast_in_dim3A_69 : vector<256x1024xi1>, vector<256x1024xi32>
    %reduce_min3A_71 = arith.constant dense<2147483647> : vector<256xi32>
    %reduce_min3A_72 = vector.multi_reduction <minsi>, %select_n3A_70, %reduce_min3A_71 [1] : vector<256x1024xi32> to vector<256xi32>
    %broadcast_in_dim3A_73 = vector.shape_cast %reduce_min3A_72 : vector<256xi32> to vector<256x1xi32>
    %eq3A_74 = vector.broadcast %broadcast_in_dim3A_73 : vector<256x1xi32> to vector<256x1024xi32>
    %eq3A_75 = arith.cmpi eq, %iota3A, %eq3A_74 : vector<256x1024xi32>
    %jit3A_76 = arith.constant 0x7F800000 : f32
    %broadcast_in_dim3A_77 = vector.broadcast %jit3A_76 : f32 to vector<256x1024xf32>
    %select_n3A_78 = arith.select %eq3A_75, %broadcast_in_dim3A_77, %select_n3A_62 : vector<256x1024xi1>, vector<256x1024xf32>
    %reduce_min3A_79 = arith.constant dense<0x7F800000> : vector<256xf32>
    %reduce_min3A_80 = vector.multi_reduction <minimumf>, %select_n3A_78, %reduce_min3A_79 [1] : vector<256x1024xf32> to vector<256xf32>
    %broadcast_in_dim3A_81 = vector.shape_cast %reduce_min3A_80 : vector<256xf32> to vector<256x1xf32>
    %le3A_82 = vector.broadcast %broadcast_in_dim3A_81 : vector<256x1xf32> to vector<256x1024xf32>
    %le3A_83 = arith.cmpf ole, %select_n3A_78, %le3A_82 : vector<256x1024xf32>
    %jit3A_84 = arith.constant 1024 : i32
    %broadcast_in_dim3A_85 = vector.broadcast %jit3A_84 : i32 to vector<256x1024xi32>
    %select_n3A_86 = arith.select %le3A_83, %iota3A, %broadcast_in_dim3A_85 : vector<256x1024xi1>, vector<256x1024xi32>
    %reduce_min3A_87 = arith.constant dense<2147483647> : vector<256xi32>
    %reduce_min3A_88 = vector.multi_reduction <minsi>, %select_n3A_86, %reduce_min3A_87 [1] : vector<256x1024xi32> to vector<256xi32>
    %broadcast_in_dim3A_89 = vector.shape_cast %reduce_min3A_88 : vector<256xi32> to vector<256x1xi32>
    %eq3A_90 = vector.broadcast %broadcast_in_dim3A_89 : vector<256x1xi32> to vector<256x1024xi32>
    %eq3A_91 = arith.cmpi eq, %iota3A, %eq3A_90 : vector<256x1024xi32>
    %jit3A_92 = arith.constant 0x7F800000 : f32
    %broadcast_in_dim3A_93 = vector.broadcast %jit3A_92 : f32 to vector<256x1024xf32>
    %select_n3A_94 = arith.select %eq3A_91, %broadcast_in_dim3A_93, %select_n3A_78 : vector<256x1024xi1>, vector<256x1024xf32>
    %reduce_min3A_95 = arith.constant dense<0x7F800000> : vector<256xf32>
    %reduce_min3A_96 = vector.multi_reduction <minimumf>, %select_n3A_94, %reduce_min3A_95 [1] : vector<256x1024xf32> to vector<256xf32>
    %broadcast_in_dim3A_97 = vector.shape_cast %reduce_min3A_96 : vector<256xf32> to vector<256x1xf32>
    %le3A_98 = vector.broadcast %broadcast_in_dim3A_97 : vector<256x1xf32> to vector<256x1024xf32>
    %le3A_99 = arith.cmpf ole, %select_n3A_94, %le3A_98 : vector<256x1024xf32>
    %jit3A_100 = arith.constant 1024 : i32
    %broadcast_in_dim3A_101 = vector.broadcast %jit3A_100 : i32 to vector<256x1024xi32>
    %select_n3A_102 = arith.select %le3A_99, %iota3A, %broadcast_in_dim3A_101 : vector<256x1024xi1>, vector<256x1024xi32>
    %reduce_min3A_103 = arith.constant dense<2147483647> : vector<256xi32>
    %reduce_min3A_104 = vector.multi_reduction <minsi>, %select_n3A_102, %reduce_min3A_103 [1] : vector<256x1024xi32> to vector<256xi32>
    %broadcast_in_dim3A_105 = vector.shape_cast %reduce_min3A_104 : vector<256xi32> to vector<256x1xi32>
    %eq3A_106 = vector.broadcast %broadcast_in_dim3A_105 : vector<256x1xi32> to vector<256x1024xi32>
    %eq3A_107 = arith.cmpi eq, %iota3A, %eq3A_106 : vector<256x1024xi32>
    %jit3A_108 = arith.constant 0x7F800000 : f32
    %broadcast_in_dim3A_109 = vector.broadcast %jit3A_108 : f32 to vector<256x1024xf32>
    %select_n3A_110 = arith.select %eq3A_107, %broadcast_in_dim3A_109, %select_n3A_94 : vector<256x1024xi1>, vector<256x1024xf32>
    %reduce_min3A_111 = arith.constant dense<0x7F800000> : vector<256xf32>
    %reduce_min3A_112 = vector.multi_reduction <minimumf>, %select_n3A_110, %reduce_min3A_111 [1] : vector<256x1024xf32> to vector<256xf32>
    %broadcast_in_dim3A_113 = vector.shape_cast %reduce_min3A_112 : vector<256xf32> to vector<256x1xf32>
    %le3A_114 = vector.broadcast %broadcast_in_dim3A_113 : vector<256x1xf32> to vector<256x1024xf32>
    %le3A_115 = arith.cmpf ole, %select_n3A_110, %le3A_114 : vector<256x1024xf32>
    %jit3A_116 = arith.constant 1024 : i32
    %broadcast_in_dim3A_117 = vector.broadcast %jit3A_116 : i32 to vector<256x1024xi32>
    %select_n3A_118 = arith.select %le3A_115, %iota3A, %broadcast_in_dim3A_117 : vector<256x1024xi1>, vector<256x1024xi32>
    %reduce_min3A_119 = arith.constant dense<2147483647> : vector<256xi32>
    %reduce_min3A_120 = vector.multi_reduction <minsi>, %select_n3A_118, %reduce_min3A_119 [1] : vector<256x1024xi32> to vector<256xi32>
    %broadcast_in_dim3A_121 = vector.shape_cast %reduce_min3A_120 : vector<256xi32> to vector<256x1xi32>
    %eq3A_122 = vector.broadcast %broadcast_in_dim3A_121 : vector<256x1xi32> to vector<256x1024xi32>
    %eq3A_123 = arith.cmpi eq, %iota3A, %eq3A_122 : vector<256x1024xi32>
    %jit3A_124 = arith.constant 0x7F800000 : f32
    %broadcast_in_dim3A_125 = vector.broadcast %jit3A_124 : f32 to vector<256x1024xf32>
    %select_n3A_126 = arith.select %eq3A_123, %broadcast_in_dim3A_125, %select_n3A_110 : vector<256x1024xi1>, vector<256x1024xf32>
    %reduce_min3A_127 = arith.constant dense<0x7F800000> : vector<256xf32>
    %reduce_min3A_128 = vector.multi_reduction <minimumf>, %select_n3A_126, %reduce_min3A_127 [1] : vector<256x1024xf32> to vector<256xf32>
    %broadcast_in_dim3A_129 = vector.shape_cast %reduce_min3A_128 : vector<256xf32> to vector<256x1xf32>
    %le3A_130 = vector.broadcast %broadcast_in_dim3A_129 : vector<256x1xf32> to vector<256x1024xf32>
    %le3A_131 = arith.cmpf ole, %select_n3A_126, %le3A_130 : vector<256x1024xf32>
    %jit3A_132 = arith.constant 1024 : i32
    %broadcast_in_dim3A_133 = vector.broadcast %jit3A_132 : i32 to vector<256x1024xi32>
    %select_n3A_134 = arith.select %le3A_131, %iota3A, %broadcast_in_dim3A_133 : vector<256x1024xi1>, vector<256x1024xi32>
    %reduce_min3A_135 = arith.constant dense<2147483647> : vector<256xi32>
    %reduce_min3A_136 = vector.multi_reduction <minsi>, %select_n3A_134, %reduce_min3A_135 [1] : vector<256x1024xi32> to vector<256xi32>
    %broadcast_in_dim3A_137 = vector.shape_cast %reduce_min3A_136 : vector<256xi32> to vector<256x1xi32>
    %eq3A_138 = vector.broadcast %broadcast_in_dim3A_137 : vector<256x1xi32> to vector<256x1024xi32>
    %eq3A_139 = arith.cmpi eq, %iota3A, %eq3A_138 : vector<256x1024xi32>
    %jit3A_140 = arith.constant 0x7F800000 : f32
    %broadcast_in_dim3A_141 = vector.broadcast %jit3A_140 : f32 to vector<256x1024xf32>
    %select_n3A_142 = arith.select %eq3A_139, %broadcast_in_dim3A_141, %select_n3A_126 : vector<256x1024xi1>, vector<256x1024xf32>
    %reduce_min3A_143 = arith.constant dense<0x7F800000> : vector<256xf32>
    %reduce_min3A_144 = vector.multi_reduction <minimumf>, %select_n3A_142, %reduce_min3A_143 [1] : vector<256x1024xf32> to vector<256xf32>
    %broadcast_in_dim3A_145 = vector.shape_cast %reduce_min3A_144 : vector<256xf32> to vector<256x1xf32>
    %le3A_146 = vector.broadcast %broadcast_in_dim3A_145 : vector<256x1xf32> to vector<256x1024xf32>
    %le3A_147 = arith.cmpf ole, %select_n3A_142, %le3A_146 : vector<256x1024xf32>
    %jit3A_148 = arith.constant 1024 : i32
    %broadcast_in_dim3A_149 = vector.broadcast %jit3A_148 : i32 to vector<256x1024xi32>
    %select_n3A_150 = arith.select %le3A_147, %iota3A, %broadcast_in_dim3A_149 : vector<256x1024xi1>, vector<256x1024xi32>
    %reduce_min3A_151 = arith.constant dense<2147483647> : vector<256xi32>
    %reduce_min3A_152 = vector.multi_reduction <minsi>, %select_n3A_150, %reduce_min3A_151 [1] : vector<256x1024xi32> to vector<256xi32>
    %broadcast_in_dim3A_153 = vector.shape_cast %reduce_min3A_152 : vector<256xi32> to vector<256x1xi32>
    %eq3A_154 = vector.broadcast %broadcast_in_dim3A_153 : vector<256x1xi32> to vector<256x1024xi32>
    %eq3A_155 = arith.cmpi eq, %iota3A, %eq3A_154 : vector<256x1024xi32>
    %jit3A_156 = arith.constant 0x7F800000 : f32
    %broadcast_in_dim3A_157 = vector.broadcast %jit3A_156 : f32 to vector<256x1024xf32>
    %select_n3A_158 = arith.select %eq3A_155, %broadcast_in_dim3A_157, %select_n3A_142 : vector<256x1024xi1>, vector<256x1024xf32>
    %reduce_min3A_159 = arith.constant dense<0x7F800000> : vector<256xf32>
    %reduce_min3A_160 = vector.multi_reduction <minimumf>, %select_n3A_158, %reduce_min3A_159 [1] : vector<256x1024xf32> to vector<256xf32>
    %broadcast_in_dim3A_161 = vector.shape_cast %reduce_min3A_160 : vector<256xf32> to vector<256x1xf32>
    %le3A_162 = vector.broadcast %broadcast_in_dim3A_161 : vector<256x1xf32> to vector<256x1024xf32>
    %le3A_163 = arith.cmpf ole, %select_n3A_158, %le3A_162 : vector<256x1024xf32>
    %jit3A_164 = arith.constant 1024 : i32
    %broadcast_in_dim3A_165 = vector.broadcast %jit3A_164 : i32 to vector<256x1024xi32>
    %select_n3A_166 = arith.select %le3A_163, %iota3A, %broadcast_in_dim3A_165 : vector<256x1024xi1>, vector<256x1024xi32>
    %reduce_min3A_167 = arith.constant dense<2147483647> : vector<256xi32>
    %reduce_min3A_168 = vector.multi_reduction <minsi>, %select_n3A_166, %reduce_min3A_167 [1] : vector<256x1024xi32> to vector<256xi32>
    %broadcast_in_dim3A_169 = vector.shape_cast %reduce_min3A_168 : vector<256xi32> to vector<256x1xi32>
    %eq3A_170 = vector.broadcast %broadcast_in_dim3A_169 : vector<256x1xi32> to vector<256x1024xi32>
    %eq3A_171 = arith.cmpi eq, %iota3A, %eq3A_170 : vector<256x1024xi32>
    %jit3A_172 = arith.constant 0x7F800000 : f32
    %broadcast_in_dim3A_173 = vector.broadcast %jit3A_172 : f32 to vector<256x1024xf32>
    %select_n3A_174 = arith.select %eq3A_171, %broadcast_in_dim3A_173, %select_n3A_158 : vector<256x1024xi1>, vector<256x1024xf32>
    %reduce_min3A_175 = arith.constant dense<0x7F800000> : vector<256xf32>
    %reduce_min3A_176 = vector.multi_reduction <minimumf>, %select_n3A_174, %reduce_min3A_175 [1] : vector<256x1024xf32> to vector<256xf32>
    %broadcast_in_dim3A_177 = vector.shape_cast %reduce_min3A_176 : vector<256xf32> to vector<256x1xf32>
    %le3A_178 = vector.broadcast %broadcast_in_dim3A_177 : vector<256x1xf32> to vector<256x1024xf32>
    %le3A_179 = arith.cmpf ole, %select_n3A_174, %le3A_178 : vector<256x1024xf32>
    %jit3A_180 = arith.constant 1024 : i32
    %broadcast_in_dim3A_181 = vector.broadcast %jit3A_180 : i32 to vector<256x1024xi32>
    %select_n3A_182 = arith.select %le3A_179, %iota3A, %broadcast_in_dim3A_181 : vector<256x1024xi1>, vector<256x1024xi32>
    %reduce_min3A_183 = arith.constant dense<2147483647> : vector<256xi32>
    %reduce_min3A_184 = vector.multi_reduction <minsi>, %select_n3A_182, %reduce_min3A_183 [1] : vector<256x1024xi32> to vector<256xi32>
    %broadcast_in_dim3A_185 = vector.shape_cast %reduce_min3A_184 : vector<256xi32> to vector<256x1xi32>
    %eq3A_186 = vector.broadcast %broadcast_in_dim3A_185 : vector<256x1xi32> to vector<256x1024xi32>
    %eq3A_187 = arith.cmpi eq, %iota3A, %eq3A_186 : vector<256x1024xi32>
    %jit3A_188 = arith.constant 0x7F800000 : f32
    %broadcast_in_dim3A_189 = vector.broadcast %jit3A_188 : f32 to vector<256x1024xf32>
    %select_n3A_190 = arith.select %eq3A_187, %broadcast_in_dim3A_189, %select_n3A_174 : vector<256x1024xi1>, vector<256x1024xf32>
    %reduce_min3A_191 = arith.constant dense<0x7F800000> : vector<256xf32>
    %reduce_min3A_192 = vector.multi_reduction <minimumf>, %select_n3A_190, %reduce_min3A_191 [1] : vector<256x1024xf32> to vector<256xf32>
    %broadcast_in_dim3A_193 = vector.shape_cast %reduce_min3A_192 : vector<256xf32> to vector<256x1xf32>
    %le3A_194 = vector.broadcast %broadcast_in_dim3A_193 : vector<256x1xf32> to vector<256x1024xf32>
    %le3A_195 = arith.cmpf ole, %select_n3A_190, %le3A_194 : vector<256x1024xf32>
    %jit3A_196 = arith.constant 1024 : i32
    %broadcast_in_dim3A_197 = vector.broadcast %jit3A_196 : i32 to vector<256x1024xi32>
    %select_n3A_198 = arith.select %le3A_195, %iota3A, %broadcast_in_dim3A_197 : vector<256x1024xi1>, vector<256x1024xi32>
    %reduce_min3A_199 = arith.constant dense<2147483647> : vector<256xi32>
    %reduce_min3A_200 = vector.multi_reduction <minsi>, %select_n3A_198, %reduce_min3A_199 [1] : vector<256x1024xi32> to vector<256xi32>
    %broadcast_in_dim3A_201 = vector.shape_cast %reduce_min3A_200 : vector<256xi32> to vector<256x1xi32>
    %eq3A_202 = vector.broadcast %broadcast_in_dim3A_201 : vector<256x1xi32> to vector<256x1024xi32>
    %eq3A_203 = arith.cmpi eq, %iota3A, %eq3A_202 : vector<256x1024xi32>
    %jit3A_204 = arith.constant 0x7F800000 : f32
    %broadcast_in_dim3A_205 = vector.broadcast %jit3A_204 : f32 to vector<256x1024xf32>
    %select_n3A_206 = arith.select %eq3A_203, %broadcast_in_dim3A_205, %select_n3A_190 : vector<256x1024xi1>, vector<256x1024xf32>
    %reduce_min3A_207 = arith.constant dense<0x7F800000> : vector<256xf32>
    %reduce_min3A_208 = vector.multi_reduction <minimumf>, %select_n3A_206, %reduce_min3A_207 [1] : vector<256x1024xf32> to vector<256xf32>
    %broadcast_in_dim3A_209 = vector.shape_cast %reduce_min3A_208 : vector<256xf32> to vector<256x1xf32>
    %le3A_210 = vector.broadcast %broadcast_in_dim3A_209 : vector<256x1xf32> to vector<256x1024xf32>
    %le3A_211 = arith.cmpf ole, %select_n3A_206, %le3A_210 : vector<256x1024xf32>
    %jit3A_212 = arith.constant 1024 : i32
    %broadcast_in_dim3A_213 = vector.broadcast %jit3A_212 : i32 to vector<256x1024xi32>
    %select_n3A_214 = arith.select %le3A_211, %iota3A, %broadcast_in_dim3A_213 : vector<256x1024xi1>, vector<256x1024xi32>
    %reduce_min3A_215 = arith.constant dense<2147483647> : vector<256xi32>
    %reduce_min3A_216 = vector.multi_reduction <minsi>, %select_n3A_214, %reduce_min3A_215 [1] : vector<256x1024xi32> to vector<256xi32>
    %broadcast_in_dim3A_217 = vector.shape_cast %reduce_min3A_216 : vector<256xi32> to vector<256x1xi32>
    %eq3A_218 = vector.broadcast %broadcast_in_dim3A_217 : vector<256x1xi32> to vector<256x1024xi32>
    %eq3A_219 = arith.cmpi eq, %iota3A, %eq3A_218 : vector<256x1024xi32>
    %jit3A_220 = arith.constant 0x7F800000 : f32
    %broadcast_in_dim3A_221 = vector.broadcast %jit3A_220 : f32 to vector<256x1024xf32>
    %select_n3A_222 = arith.select %eq3A_219, %broadcast_in_dim3A_221, %select_n3A_206 : vector<256x1024xi1>, vector<256x1024xf32>
    %reduce_min3A_223 = arith.constant dense<0x7F800000> : vector<256xf32>
    %reduce_min3A_224 = vector.multi_reduction <minimumf>, %select_n3A_222, %reduce_min3A_223 [1] : vector<256x1024xf32> to vector<256xf32>
    %broadcast_in_dim3A_225 = vector.shape_cast %reduce_min3A_224 : vector<256xf32> to vector<256x1xf32>
    %le3A_226 = vector.broadcast %broadcast_in_dim3A_225 : vector<256x1xf32> to vector<256x1024xf32>
    %le3A_227 = arith.cmpf ole, %select_n3A_222, %le3A_226 : vector<256x1024xf32>
    %jit3A_228 = arith.constant 1024 : i32
    %broadcast_in_dim3A_229 = vector.broadcast %jit3A_228 : i32 to vector<256x1024xi32>
    %select_n3A_230 = arith.select %le3A_227, %iota3A, %broadcast_in_dim3A_229 : vector<256x1024xi1>, vector<256x1024xi32>
    %reduce_min3A_231 = arith.constant dense<2147483647> : vector<256xi32>
    %reduce_min3A_232 = vector.multi_reduction <minsi>, %select_n3A_230, %reduce_min3A_231 [1] : vector<256x1024xi32> to vector<256xi32>
    %broadcast_in_dim3A_233 = vector.shape_cast %reduce_min3A_232 : vector<256xi32> to vector<256x1xi32>
    %eq3A_234 = vector.broadcast %broadcast_in_dim3A_233 : vector<256x1xi32> to vector<256x1024xi32>
    %eq3A_235 = arith.cmpi eq, %iota3A, %eq3A_234 : vector<256x1024xi32>
    %jit3A_236 = arith.constant 0x7F800000 : f32
    %broadcast_in_dim3A_237 = vector.broadcast %jit3A_236 : f32 to vector<256x1024xf32>
    %select_n3A_238 = arith.select %eq3A_235, %broadcast_in_dim3A_237, %select_n3A_222 : vector<256x1024xi1>, vector<256x1024xf32>
    %reduce_min3A_239 = arith.constant dense<0x7F800000> : vector<256xf32>
    %reduce_min3A_240 = vector.multi_reduction <minimumf>, %select_n3A_238, %reduce_min3A_239 [1] : vector<256x1024xf32> to vector<256xf32>
    %broadcast_in_dim3A_241 = vector.shape_cast %reduce_min3A_240 : vector<256xf32> to vector<256x1xf32>
    %le3A_242 = vector.broadcast %broadcast_in_dim3A_241 : vector<256x1xf32> to vector<256x1024xf32>
    %le3A_243 = arith.cmpf ole, %select_n3A_238, %le3A_242 : vector<256x1024xf32>
    %jit3A_244 = arith.constant 1024 : i32
    %broadcast_in_dim3A_245 = vector.broadcast %jit3A_244 : i32 to vector<256x1024xi32>
    %select_n3A_246 = arith.select %le3A_243, %iota3A, %broadcast_in_dim3A_245 : vector<256x1024xi1>, vector<256x1024xi32>
    %reduce_min3A_247 = arith.constant dense<2147483647> : vector<256xi32>
    %reduce_min3A_248 = vector.multi_reduction <minsi>, %select_n3A_246, %reduce_min3A_247 [1] : vector<256x1024xi32> to vector<256xi32>
    %broadcast_in_dim3A_249 = vector.shape_cast %reduce_min3A_248 : vector<256xi32> to vector<256x1xi32>
    %eq3A_250 = vector.broadcast %broadcast_in_dim3A_249 : vector<256x1xi32> to vector<256x1024xi32>
    %eq3A_251 = arith.cmpi eq, %iota3A, %eq3A_250 : vector<256x1024xi32>
    %jit3A_252 = arith.constant 0x7F800000 : f32
    %broadcast_in_dim3A_253 = vector.broadcast %jit3A_252 : f32 to vector<256x1024xf32>
    %select_n3A_254 = arith.select %eq3A_251, %broadcast_in_dim3A_253, %select_n3A_238 : vector<256x1024xi1>, vector<256x1024xf32>
    %reduce_min3A_255 = arith.constant dense<0x7F800000> : vector<256xf32>
    %reduce_min3A_256 = vector.multi_reduction <minimumf>, %select_n3A_254, %reduce_min3A_255 [1] : vector<256x1024xf32> to vector<256xf32>
    %broadcast_in_dim3A_257 = vector.shape_cast %reduce_min3A_256 : vector<256xf32> to vector<256x1xf32>
    %le3A_258 = vector.broadcast %broadcast_in_dim3A_257 : vector<256x1xf32> to vector<256x1024xf32>
    %le3A_259 = arith.cmpf ole, %select_n3A_254, %le3A_258 : vector<256x1024xf32>
    %jit3A_260 = arith.constant 1024 : i32
    %broadcast_in_dim3A_261 = vector.broadcast %jit3A_260 : i32 to vector<256x1024xi32>
    %select_n3A_262 = arith.select %le3A_259, %iota3A, %broadcast_in_dim3A_261 : vector<256x1024xi1>, vector<256x1024xi32>
    %reduce_min3A_263 = arith.constant dense<2147483647> : vector<256xi32>
    %reduce_min3A_264 = vector.multi_reduction <minsi>, %select_n3A_262, %reduce_min3A_263 [1] : vector<256x1024xi32> to vector<256xi32>
    %broadcast_in_dim3A_265 = vector.shape_cast %reduce_min3A_264 : vector<256xi32> to vector<256x1xi32>
    %mul3A_266 = arith.constant 1024 : i32
    %mul3A_267 = arith.muli %arg0, %mul3A_266 : i32
    %concatenate3A = tpu.concatenate %add3A_29, %broadcast_in_dim3A_41, %broadcast_in_dim3A_57, %broadcast_in_dim3A_73, %broadcast_in_dim3A_89, %broadcast_in_dim3A_105, %broadcast_in_dim3A_121, %broadcast_in_dim3A_137, %broadcast_in_dim3A_153, %broadcast_in_dim3A_169, %broadcast_in_dim3A_185, %broadcast_in_dim3A_201, %broadcast_in_dim3A_217, %broadcast_in_dim3A_233, %broadcast_in_dim3A_249, %broadcast_in_dim3A_265 in 1 : vector<256x1xi32>, vector<256x1xi32>, vector<256x1xi32>, vector<256x1xi32>, vector<256x1xi32>, vector<256x1xi32>, vector<256x1xi32>, vector<256x1xi32>, vector<256x1xi32>, vector<256x1xi32>, vector<256x1xi32>, vector<256x1xi32>, vector<256x1xi32>, vector<256x1xi32>, vector<256x1xi32>, vector<256x1xi32> -> vector<256x16xi32>
    %add3A_268 = vector.broadcast %mul3A_267 : i32 to vector<256x16xi32>
    %add3A_269 = arith.addi %concatenate3A, %add3A_268 : vector<256x16xi32>
    %swap3A = arith.constant 0 : index
    %swap3A_270 = arith.constant 0 : index
    %swap3A_271 = arith.constant 0 : index
    %swap3A_272 = vector.load %arg4[%swap3A, %swap3A_270, %swap3A_271] : memref<1x256x16xi32, #tpu.memory_space<vmem>>, vector<1x256x16xi32>
    %swap3A_273 = vector.shape_cast %swap3A_272 : vector<1x256x16xi32> to vector<256x16xi32>
    %swap3A_274 = vector.shape_cast %add3A_269 : vector<256x16xi32> to vector<1x256x16xi32>
    tpu.vector_store %arg4[%swap3A, %swap3A_270, %swap3A_271], %swap3A_274 {strides = array<i32>} : memref<1x256x16xi32, #tpu.memory_space<vmem>>, vector<1x256x16xi32>,
    return
  }
  func.func @transform_0(%arg0: i32, %arg1: i32) -> (i32, i32, i32) {
    %c0_i32 = arith.constant 0 : i32
    %c0_i32_0 = arith.constant 0 : i32
    %c0_i32_1 = arith.constant 0 : i32
    return %arg0, %c0_i32, %c0_i32_0 : i32, i32, i32
  }
  func.func @transform_1(%arg0: i32, %arg1: i32) -> (i32, i32, i32) {
    %c0_i32 = arith.constant 0 : i32
    %c0_i32_0 = arith.constant 0 : i32
    return %arg0, %arg1, %c0_i32 : i32, i32, i32
  }
  func.func @transform_2(%arg0: i32, %arg1: i32) -> (i32, i32, i32) {
    %c0_i32 = arith.constant 0 : i32
    %c0_i32_0 = arith.constant 0 : i32
    return %arg0, %arg1, %c0_i32 : i32, i32, i32
  }
}

module attributes {stable_mosaic.version = 14 : i64} {
  func.func @_edge_body(%arg0: i32, %arg1: i32, %arg2: memref<1x256x3xf32, #tpu.memory_space<vmem>>, %arg3: memref<1x4096x16xf32, #tpu.memory_space<vmem>>, %arg4: memref<1x4096x16xf32, #tpu.memory_space<vmem>>, %arg5: memref<3x64xf32, #tpu.memory_space<vmem>>, %arg6: memref<64x64xf32, #tpu.memory_space<vmem>>, %arg7: memref<1x3x256x64xf32, #tpu.memory_space<vmem>>) attributes {dimension_semantics = [#tpu.dimension_semantics<arbitrary>, #tpu.dimension_semantics<arbitrary>], iteration_bounds = array<i64: 4, 4>, scalar_prefetch = 0 : i64, scratch_operands = 0 : i64, tpu.core_type = #tpu.core_type<tc>, window_params = [{transform_indices = @transform_0, window_bounds = array<i64: 1, 256, 3>}, {transform_indices = @transform_1, window_bounds = array<i64: 1, 4096, 16>}, {transform_indices = @transform_2, window_bounds = array<i64: 1, 4096, 16>}, {pipeline_mode = #tpu.pipeline_mode<synchronous>, transform_indices = @transform_3, window_bounds = array<i64: 3, 64>}, {pipeline_mode = #tpu.pipeline_mode<synchronous>, transform_indices = @transform_4, window_bounds = array<i64: 64, 64>}, {transform_indices = @transform_5, window_bounds = array<i64: 1, 3, 256, 64>}]} {
    %get3A = arith.constant 0 : index
    %get3A_0 = arith.constant 0 : index
    %get3A_1 = arith.constant 0 : index
    %get3A_2 = vector.load %arg3[%get3A, %get3A_0, %get3A_1] : memref<1x4096x16xf32, #tpu.memory_space<vmem>>, vector<1x4096x16xf32>
    %get3A_3 = vector.shape_cast %get3A_2 : vector<1x4096x16xf32> to vector<4096x16xf32>
    %get3A_4 = arith.constant 0 : index
    %get3A_5 = arith.constant 0 : index
    %get3A_6 = arith.constant 0 : index
    %get3A_7 = vector.load %arg4[%get3A_4, %get3A_5, %get3A_6] : memref<1x4096x16xf32, #tpu.memory_space<vmem>>, vector<1x4096x16xf32>
    %get3A_8 = vector.shape_cast %get3A_7 : vector<1x4096x16xf32> to vector<4096x16xf32>
    %slice3A = vector.extract_strided_slice %get3A_3 {offsets = [0, 0], sizes = [4096, 1], strides = [1, 1]} : vector<4096x16xf32> to vector<4096x1xf32>
    %slice3A_9 = vector.extract_strided_slice %get3A_3 {offsets = [0, 1], sizes = [4096, 1], strides = [1, 1]} : vector<4096x16xf32> to vector<4096x1xf32>
    %slice3A_10 = vector.extract_strided_slice %get3A_3 {offsets = [0, 2], sizes = [4096, 1], strides = [1, 1]} : vector<4096x16xf32> to vector<4096x1xf32>
    %slice3A_11 = vector.extract_strided_slice %get3A_8 {offsets = [0, 0], sizes = [4096, 1], strides = [1, 1]} : vector<4096x16xf32> to vector<4096x1xf32>
    %slice3A_12 = vector.extract_strided_slice %get3A_8 {offsets = [0, 1], sizes = [4096, 1], strides = [1, 1]} : vector<4096x16xf32> to vector<4096x1xf32>
    %slice3A_13 = vector.extract_strided_slice %get3A_8 {offsets = [0, 2], sizes = [4096, 1], strides = [1, 1]} : vector<4096x16xf32> to vector<4096x1xf32>
    %mul3A = arith.mulf %slice3A_11, %slice3A_11 : vector<4096x1xf32>
    %mul3A_14 = arith.mulf %slice3A_12, %slice3A_12 : vector<4096x1xf32>
    %add3A = arith.addf %mul3A, %mul3A_14 : vector<4096x1xf32>
    %mul3A_15 = arith.mulf %slice3A_13, %slice3A_13 : vector<4096x1xf32>
    %add3A_16 = arith.addf %add3A, %mul3A_15 : vector<4096x1xf32>
    %sqrt3A = math.sqrt %add3A_16 : vector<4096x1xf32>
    %max3A = arith.constant 9.99999996E-13 : f32
    %max3A_17 = vector.broadcast %max3A : f32 to vector<4096x1xf32>
    %max3A_18 = arith.maximumf %sqrt3A, %max3A_17 : vector<4096x1xf32>
    %div3A = arith.divf %slice3A_11, %max3A_18 : vector<4096x1xf32>
    %div3A_19 = arith.divf %slice3A_12, %max3A_18 : vector<4096x1xf32>
    %div3A_20 = arith.divf %slice3A_13, %max3A_18 : vector<4096x1xf32>
    %sub3A = arith.subf %slice3A, %slice3A_11 : vector<4096x1xf32>
    %sub3A_21 = arith.subf %slice3A_9, %slice3A_12 : vector<4096x1xf32>
    %sub3A_22 = arith.subf %slice3A_10, %slice3A_13 : vector<4096x1xf32>
    %mul3A_23 = arith.mulf %div3A_19, %slice3A_10 : vector<4096x1xf32>
    %mul3A_24 = arith.mulf %div3A_20, %slice3A_9 : vector<4096x1xf32>
    %sub3A_25 = arith.subf %mul3A_23, %mul3A_24 : vector<4096x1xf32>
    %mul3A_26 = arith.mulf %div3A_20, %slice3A : vector<4096x1xf32>
    %mul3A_27 = arith.mulf %div3A, %slice3A_10 : vector<4096x1xf32>
    %sub3A_28 = arith.subf %mul3A_26, %mul3A_27 : vector<4096x1xf32>
    %mul3A_29 = arith.mulf %div3A, %slice3A_9 : vector<4096x1xf32>
    %mul3A_30 = arith.mulf %div3A_19, %slice3A : vector<4096x1xf32>
    %sub3A_31 = arith.subf %mul3A_29, %mul3A_30 : vector<4096x1xf32>
    %get3A_32 = arith.constant 0 : index
    %get3A_33 = arith.constant 0 : index
    %get3A_34 = vector.load %arg5[%get3A_32, %get3A_33] : memref<3x64xf32, #tpu.memory_space<vmem>>, vector<3x64xf32>
    %get3A_35 = arith.constant 0 : index
    %get3A_36 = arith.constant 0 : index
    %get3A_37 = vector.load %arg6[%get3A_35, %get3A_36] : memref<64x64xf32, #tpu.memory_space<vmem>>, vector<64x64xf32>
    %concatenate3A = tpu.concatenate %sub3A_25, %sub3A, %slice3A_11 in 1 : vector<4096x1xf32>, vector<4096x1xf32>, vector<4096x1xf32> -> vector<4096x3xf32>
    %convert_element_type3A = arith.truncf %concatenate3A : vector<4096x3xf32> to vector<4096x3xbf16>
    %convert_element_type3A_38 = arith.truncf %get3A_34 : vector<3x64xf32> to vector<3x64xbf16>
    %dot_general3A = arith.constant dense<0.000000e+00> : vector<4096x64xf32>
    %dot_general3A_39 = tpu.matmul %convert_element_type3A, %convert_element_type3A_38, %dot_general3A {dimension_numbers = #tpu.dot_dimension_numbers<[1], [0], [0], [1], [0, 0, 1, 1], [], []>, transpose_lhs_hint = false} : vector<4096x3xbf16>, vector<3x64xbf16>, vector<4096x64xf32> -> vector<4096x64xf32>
    %convert_element_type3A_40 = arith.truncf %dot_general3A_39 : vector<4096x64xf32> to vector<4096x64xbf16>
    %convert_element_type3A_41 = arith.truncf %get3A_37 : vector<64x64xf32> to vector<64x64xbf16>
    %dot_general3A_42 = arith.constant dense<0.000000e+00> : vector<4096x64xf32>
    %dot_general3A_43 = tpu.matmul %convert_element_type3A_40, %convert_element_type3A_41, %dot_general3A_42 {dimension_numbers = #tpu.dot_dimension_numbers<[1], [0], [0], [1], [0, 0, 1, 1], [], []>, transpose_lhs_hint = false} : vector<4096x64xbf16>, vector<64x64xbf16>, vector<4096x64xf32> -> vector<4096x64xf32>
    %concatenate3A_44 = tpu.concatenate %sub3A_28, %sub3A_21, %slice3A_12 in 1 : vector<4096x1xf32>, vector<4096x1xf32>, vector<4096x1xf32> -> vector<4096x3xf32>
    %convert_element_type3A_45 = arith.truncf %concatenate3A_44 : vector<4096x3xf32> to vector<4096x3xbf16>
    %convert_element_type3A_46 = arith.truncf %get3A_34 : vector<3x64xf32> to vector<3x64xbf16>
    %dot_general3A_47 = arith.constant dense<0.000000e+00> : vector<4096x64xf32>
    %dot_general3A_48 = tpu.matmul %convert_element_type3A_45, %convert_element_type3A_46, %dot_general3A_47 {dimension_numbers = #tpu.dot_dimension_numbers<[1], [0], [0], [1], [0, 0, 1, 1], [], []>, transpose_lhs_hint = false} : vector<4096x3xbf16>, vector<3x64xbf16>, vector<4096x64xf32> -> vector<4096x64xf32>
    %convert_element_type3A_49 = arith.truncf %dot_general3A_48 : vector<4096x64xf32> to vector<4096x64xbf16>
    %convert_element_type3A_50 = arith.truncf %get3A_37 : vector<64x64xf32> to vector<64x64xbf16>
    %dot_general3A_51 = arith.constant dense<0.000000e+00> : vector<4096x64xf32>
    %dot_general3A_52 = tpu.matmul %convert_element_type3A_49, %convert_element_type3A_50, %dot_general3A_51 {dimension_numbers = #tpu.dot_dimension_numbers<[1], [0], [0], [1], [0, 0, 1, 1], [], []>, transpose_lhs_hint = false} : vector<4096x64xbf16>, vector<64x64xbf16>, vector<4096x64xf32> -> vector<4096x64xf32>
    %concatenate3A_53 = tpu.concatenate %sub3A_31, %sub3A_22, %slice3A_13 in 1 : vector<4096x1xf32>, vector<4096x1xf32>, vector<4096x1xf32> -> vector<4096x3xf32>
    %convert_element_type3A_54 = arith.truncf %concatenate3A_53 : vector<4096x3xf32> to vector<4096x3xbf16>
    %convert_element_type3A_55 = arith.truncf %get3A_34 : vector<3x64xf32> to vector<3x64xbf16>
    %dot_general3A_56 = arith.constant dense<0.000000e+00> : vector<4096x64xf32>
    %dot_general3A_57 = tpu.matmul %convert_element_type3A_54, %convert_element_type3A_55, %dot_general3A_56 {dimension_numbers = #tpu.dot_dimension_numbers<[1], [0], [0], [1], [0, 0, 1, 1], [], []>, transpose_lhs_hint = false} : vector<4096x3xbf16>, vector<3x64xbf16>, vector<4096x64xf32> -> vector<4096x64xf32>
    %convert_element_type3A_58 = arith.truncf %dot_general3A_57 : vector<4096x64xf32> to vector<4096x64xbf16>
    %convert_element_type3A_59 = arith.truncf %get3A_37 : vector<64x64xf32> to vector<64x64xbf16>
    %dot_general3A_60 = arith.constant dense<0.000000e+00> : vector<4096x64xf32>
    %dot_general3A_61 = tpu.matmul %convert_element_type3A_58, %convert_element_type3A_59, %dot_general3A_60 {dimension_numbers = #tpu.dot_dimension_numbers<[1], [0], [0], [1], [0, 0, 1, 1], [], []>, transpose_lhs_hint = false} : vector<4096x64xbf16>, vector<64x64xbf16>, vector<4096x64xf32> -> vector<4096x64xf32>
    %mul3A_62 = arith.mulf %dot_general3A_43, %dot_general3A_43 : vector<4096x64xf32>
    %mul3A_63 = arith.mulf %dot_general3A_52, %dot_general3A_52 : vector<4096x64xf32>
    %add3A_64 = arith.addf %mul3A_62, %mul3A_63 : vector<4096x64xf32>
    %mul3A_65 = arith.mulf %dot_general3A_61, %dot_general3A_61 : vector<4096x64xf32>
    %add3A_66 = arith.addf %add3A_64, %mul3A_65 : vector<4096x64xf32>
    %sqrt3A_67 = math.sqrt %add3A_66 : vector<4096x64xf32>
    %add3A_68 = arith.constant 9.99999997E-7 : f32
    %add3A_69 = vector.broadcast %add3A_68 : f32 to vector<4096x64xf32>
    %add3A_70 = arith.addf %sqrt3A_67, %add3A_69 : vector<4096x64xf32>
    %div3A_71 = arith.divf %dot_general3A_43, %add3A_70 : vector<4096x64xf32>
    %div3A_72 = arith.divf %dot_general3A_52, %add3A_70 : vector<4096x64xf32>
    %div3A_73 = arith.divf %dot_general3A_61, %add3A_70 : vector<4096x64xf32>
    %mul3A_74 = arith.mulf %dot_general3A_39, %div3A_71 : vector<4096x64xf32>
    %mul3A_75 = arith.mulf %dot_general3A_48, %div3A_72 : vector<4096x64xf32>
    %add3A_76 = arith.addf %mul3A_74, %mul3A_75 : vector<4096x64xf32>
    %mul3A_77 = arith.mulf %dot_general3A_57, %div3A_73 : vector<4096x64xf32>
    %add3A_78 = arith.addf %add3A_76, %mul3A_77 : vector<4096x64xf32>
    %min3A = arith.constant 0.000000e+00 : f32
    %min3A_79 = vector.broadcast %min3A : f32 to vector<4096x64xf32>
    %min3A_80 = arith.minimumf %add3A_78, %min3A_79 : vector<4096x64xf32>
    %mul3A_81 = arith.mulf %min3A_80, %div3A_71 : vector<4096x64xf32>
    %sub3A_82 = arith.subf %dot_general3A_39, %mul3A_81 : vector<4096x64xf32>
    %mul3A_83 = arith.mulf %min3A_80, %div3A_72 : vector<4096x64xf32>
    %sub3A_84 = arith.subf %dot_general3A_48, %mul3A_83 : vector<4096x64xf32>
    %mul3A_85 = arith.mulf %min3A_80, %div3A_73 : vector<4096x64xf32>
    %sub3A_86 = arith.subf %dot_general3A_57, %mul3A_85 : vector<4096x64xf32>
    %reshape3A = vector.shape_cast %sub3A_82 : vector<4096x64xf32> to vector<256x16x64xf32>
    %reduce_sum3A = arith.constant dense<0.000000e+00> : vector<256x64xf32>
    %reduce_sum3A_87 = vector.multi_reduction <add>, %reshape3A, %reduce_sum3A [1] : vector<256x16x64xf32> to vector<256x64xf32>
    %div3A_88 = arith.constant 1.600000e+01 : f32
    %div3A_89 = vector.broadcast %div3A_88 : f32 to vector<256x64xf32>
    %div3A_90 = arith.divf %reduce_sum3A_87, %div3A_89 : vector<256x64xf32>
    %swap3A = arith.constant 0 : index
    %swap3A_91 = arith.constant 0 : index
    %swap3A_92 = arith.constant 0 : index
    %swap3A_93 = arith.constant 0 : index
    %swap3A_94 = vector.load %arg7[%swap3A, %swap3A_91, %swap3A_92, %swap3A_93] : memref<1x3x256x64xf32, #tpu.memory_space<vmem>>, vector<1x1x256x64xf32>
    %swap3A_95 = vector.shape_cast %swap3A_94 : vector<1x1x256x64xf32> to vector<256x64xf32>
    %swap3A_96 = vector.shape_cast %div3A_90 : vector<256x64xf32> to vector<1x1x256x64xf32>
    tpu.vector_store %arg7[%swap3A, %swap3A_91, %swap3A_92, %swap3A_93], %swap3A_96 {strides = array<i32>} : memref<1x3x256x64xf32, #tpu.memory_space<vmem>>, vector<1x1x256x64xf32>,
    %reshape3A_97 = vector.shape_cast %sub3A_84 : vector<4096x64xf32> to vector<256x16x64xf32>
    %reduce_sum3A_98 = arith.constant dense<0.000000e+00> : vector<256x64xf32>
    %reduce_sum3A_99 = vector.multi_reduction <add>, %reshape3A_97, %reduce_sum3A_98 [1] : vector<256x16x64xf32> to vector<256x64xf32>
    %div3A_100 = arith.constant 1.600000e+01 : f32
    %div3A_101 = vector.broadcast %div3A_100 : f32 to vector<256x64xf32>
    %div3A_102 = arith.divf %reduce_sum3A_99, %div3A_101 : vector<256x64xf32>
    %swap3A_103 = arith.constant 0 : index
    %swap3A_104 = arith.constant 1 : index
    %swap3A_105 = arith.constant 0 : index
    %swap3A_106 = arith.constant 0 : index
    %swap3A_107 = vector.load %arg7[%swap3A_103, %swap3A_104, %swap3A_105, %swap3A_106] : memref<1x3x256x64xf32, #tpu.memory_space<vmem>>, vector<1x1x256x64xf32>
    %swap3A_108 = vector.shape_cast %swap3A_107 : vector<1x1x256x64xf32> to vector<256x64xf32>
    %swap3A_109 = vector.shape_cast %div3A_102 : vector<256x64xf32> to vector<1x1x256x64xf32>
    tpu.vector_store %arg7[%swap3A_103, %swap3A_104, %swap3A_105, %swap3A_106], %swap3A_109 {strides = array<i32>} : memref<1x3x256x64xf32, #tpu.memory_space<vmem>>, vector<1x1x256x64xf32>,
    %reshape3A_110 = vector.shape_cast %sub3A_86 : vector<4096x64xf32> to vector<256x16x64xf32>
    %reduce_sum3A_111 = arith.constant dense<0.000000e+00> : vector<256x64xf32>
    %reduce_sum3A_112 = vector.multi_reduction <add>, %reshape3A_110, %reduce_sum3A_111 [1] : vector<256x16x64xf32> to vector<256x64xf32>
    %div3A_113 = arith.constant 1.600000e+01 : f32
    %div3A_114 = vector.broadcast %div3A_113 : f32 to vector<256x64xf32>
    %div3A_115 = arith.divf %reduce_sum3A_112, %div3A_114 : vector<256x64xf32>
    %swap3A_116 = arith.constant 0 : index
    %swap3A_117 = arith.constant 2 : index
    %swap3A_118 = arith.constant 0 : index
    %swap3A_119 = arith.constant 0 : index
    %swap3A_120 = vector.load %arg7[%swap3A_116, %swap3A_117, %swap3A_118, %swap3A_119] : memref<1x3x256x64xf32, #tpu.memory_space<vmem>>, vector<1x1x256x64xf32>
    %swap3A_121 = vector.shape_cast %swap3A_120 : vector<1x1x256x64xf32> to vector<256x64xf32>
    %swap3A_122 = vector.shape_cast %div3A_115 : vector<256x64xf32> to vector<1x1x256x64xf32>
    tpu.vector_store %arg7[%swap3A_116, %swap3A_117, %swap3A_118, %swap3A_119], %swap3A_122 {strides = array<i32>} : memref<1x3x256x64xf32, #tpu.memory_space<vmem>>, vector<1x1x256x64xf32>,
    return
  }
  func.func @transform_0(%arg0: i32, %arg1: i32) -> (i32, i32, i32) {
    %c0_i32 = arith.constant 0 : i32
    %c0_i32_0 = arith.constant 0 : i32
    return %arg0, %arg1, %c0_i32 : i32, i32, i32
  }
  func.func @transform_1(%arg0: i32, %arg1: i32) -> (i32, i32, i32) {
    %c0_i32 = arith.constant 0 : i32
    %c0_i32_0 = arith.constant 0 : i32
    return %arg0, %arg1, %c0_i32 : i32, i32, i32
  }
  func.func @transform_2(%arg0: i32, %arg1: i32) -> (i32, i32, i32) {
    %c0_i32 = arith.constant 0 : i32
    %c0_i32_0 = arith.constant 0 : i32
    return %arg0, %arg1, %c0_i32 : i32, i32, i32
  }
  func.func @transform_3(%arg0: i32, %arg1: i32) -> (i32, i32) {
    %c0_i32 = arith.constant 0 : i32
    %c0_i32_0 = arith.constant 0 : i32
    %c0_i32_1 = arith.constant 0 : i32
    return %c0_i32, %c0_i32_0 : i32, i32
  }
  func.func @transform_4(%arg0: i32, %arg1: i32) -> (i32, i32) {
    %c0_i32 = arith.constant 0 : i32
    %c0_i32_0 = arith.constant 0 : i32
    %c0_i32_1 = arith.constant 0 : i32
    return %c0_i32, %c0_i32_0 : i32, i32
  }
  func.func @transform_5(%arg0: i32, %arg1: i32) -> (i32, i32, i32, i32) {
    %c0_i32 = arith.constant 0 : i32
    %c0_i32_0 = arith.constant 0 : i32
    %c0_i32_1 = arith.constant 0 : i32
    return %arg0, %c0_i32, %arg1, %c0_i32_0 : i32, i32, i32, i32
  }
}

module attributes {stable_mosaic.version = 14 : i64} {
  func.func @_stage2_body(%arg0: i32, %arg1: memref<1x3x1024x64xf32, #tpu.memory_space<vmem>>, %arg2: memref<4x64x64xf32, #tpu.memory_space<vmem>>, %arg3: memref<4x64x64xf32, #tpu.memory_space<vmem>>, %arg4: memref<4x128x64xf32, #tpu.memory_space<vmem>>, %arg5: memref<4x64x64xf32, #tpu.memory_space<vmem>>, %arg6: memref<256x64xf32, #tpu.memory_space<vmem>>, %arg7: memref<1x3x1024x64xf32, #tpu.memory_space<vmem>>, %arg8: memref<1x3x1x64xf32, #tpu.memory_space<vmem>>) attributes {dimension_semantics = [#tpu.dimension_semantics<arbitrary>], iteration_bounds = array<i64: 4>, scalar_prefetch = 0 : i64, scratch_operands = 0 : i64, tpu.core_type = #tpu.core_type<tc>, window_params = [{transform_indices = @transform_0, window_bounds = array<i64: 1, 3, 1024, 64>}, {pipeline_mode = #tpu.pipeline_mode<synchronous>, transform_indices = @transform_1, window_bounds = array<i64: 4, 64, 64>}, {pipeline_mode = #tpu.pipeline_mode<synchronous>, transform_indices = @transform_2, window_bounds = array<i64: 4, 64, 64>}, {pipeline_mode = #tpu.pipeline_mode<synchronous>, transform_indices = @transform_3, window_bounds = array<i64: 4, 128, 64>}, {pipeline_mode = #tpu.pipeline_mode<synchronous>, transform_indices = @transform_4, window_bounds = array<i64: 4, 64, 64>}, {pipeline_mode = #tpu.pipeline_mode<synchronous>, transform_indices = @transform_5, window_bounds = array<i64: 256, 64>}, {transform_indices = @transform_6, window_bounds = array<i64: 1, 3, 1024, 64>}, {transform_indices = @transform_7, window_bounds = array<i64: 1, 3, 1, 64>}]} {
    %get3A = arith.constant 0 : index
    %get3A_0 = arith.constant 0 : index
    %get3A_1 = arith.constant 0 : index
    %get3A_2 = arith.constant 0 : index
    %get3A_3 = vector.load %arg1[%get3A, %get3A_0, %get3A_1, %get3A_2] : memref<1x3x1024x64xf32, #tpu.memory_space<vmem>>, vector<1x1x1024x64xf32>
    %get3A_4 = vector.shape_cast %get3A_3 : vector<1x1x1024x64xf32> to vector<1024x64xf32>
    %get3A_5 = arith.constant 0 : index
    %get3A_6 = arith.constant 1 : index
    %get3A_7 = arith.constant 0 : index
    %get3A_8 = arith.constant 0 : index
    %get3A_9 = vector.load %arg1[%get3A_5, %get3A_6, %get3A_7, %get3A_8] : memref<1x3x1024x64xf32, #tpu.memory_space<vmem>>, vector<1x1x1024x64xf32>
    %get3A_10 = vector.shape_cast %get3A_9 : vector<1x1x1024x64xf32> to vector<1024x64xf32>
    %get3A_11 = arith.constant 0 : index
    %get3A_12 = arith.constant 2 : index
    %get3A_13 = arith.constant 0 : index
    %get3A_14 = arith.constant 0 : index
    %get3A_15 = vector.load %arg1[%get3A_11, %get3A_12, %get3A_13, %get3A_14] : memref<1x3x1024x64xf32, #tpu.memory_space<vmem>>, vector<1x1x1024x64xf32>
    %get3A_16 = vector.shape_cast %get3A_15 : vector<1x1x1024x64xf32> to vector<1024x64xf32>
    %get3A_17 = arith.constant 0 : index
    %get3A_18 = arith.constant 0 : index
    %get3A_19 = arith.constant 0 : index
    %get3A_20 = vector.load %arg2[%get3A_17, %get3A_18, %get3A_19] : memref<4x64x64xf32, #tpu.memory_space<vmem>>, vector<1x64x64xf32>
    %get3A_21 = vector.shape_cast %get3A_20 : vector<1x64x64xf32> to vector<64x64xf32>
    %convert_element_type3A = arith.truncf %get3A_4 : vector<1024x64xf32> to vector<1024x64xbf16>
    %convert_element_type3A_22 = arith.truncf %get3A_21 : vector<64x64xf32> to vector<64x64xbf16>
    %dot_general3A = arith.constant dense<0.000000e+00> : vector<1024x64xf32>
    %dot_general3A_23 = tpu.matmul %convert_element_type3A, %convert_element_type3A_22, %dot_general3A {dimension_numbers = #tpu.dot_dimension_numbers<[1], [0], [0], [1], [0, 0, 1, 1], [], []>, transpose_lhs_hint = false} : vector<1024x64xbf16>, vector<64x64xbf16>, vector<1024x64xf32> -> vector<1024x64xf32>
    %get3A_24 = arith.constant 0 : index
    %get3A_25 = arith.constant 0 : index
    %get3A_26 = arith.constant 0 : index
    %get3A_27 = vector.load %arg2[%get3A_24, %get3A_25, %get3A_26] : memref<4x64x64xf32, #tpu.memory_space<vmem>>, vector<1x64x64xf32>
    %get3A_28 = vector.shape_cast %get3A_27 : vector<1x64x64xf32> to vector<64x64xf32>
    %convert_element_type3A_29 = arith.truncf %get3A_10 : vector<1024x64xf32> to vector<1024x64xbf16>
    %convert_element_type3A_30 = arith.truncf %get3A_28 : vector<64x64xf32> to vector<64x64xbf16>
    %dot_general3A_31 = arith.constant dense<0.000000e+00> : vector<1024x64xf32>
    %dot_general3A_32 = tpu.matmul %convert_element_type3A_29, %convert_element_type3A_30, %dot_general3A_31 {dimension_numbers = #tpu.dot_dimension_numbers<[1], [0], [0], [1], [0, 0, 1, 1], [], []>, transpose_lhs_hint = false} : vector<1024x64xbf16>, vector<64x64xbf16>, vector<1024x64xf32> -> vector<1024x64xf32>
    %get3A_33 = arith.constant 0 : index
    %get3A_34 = arith.constant 0 : index
    %get3A_35 = arith.constant 0 : index
    %get3A_36 = vector.load %arg2[%get3A_33, %get3A_34, %get3A_35] : memref<4x64x64xf32, #tpu.memory_space<vmem>>, vector<1x64x64xf32>
    %get3A_37 = vector.shape_cast %get3A_36 : vector<1x64x64xf32> to vector<64x64xf32>
    %convert_element_type3A_38 = arith.truncf %get3A_16 : vector<1024x64xf32> to vector<1024x64xbf16>
    %convert_element_type3A_39 = arith.truncf %get3A_37 : vector<64x64xf32> to vector<64x64xbf16>
    %dot_general3A_40 = arith.constant dense<0.000000e+00> : vector<1024x64xf32>
    %dot_general3A_41 = tpu.matmul %convert_element_type3A_38, %convert_element_type3A_39, %dot_general3A_40 {dimension_numbers = #tpu.dot_dimension_numbers<[1], [0], [0], [1], [0, 0, 1, 1], [], []>, transpose_lhs_hint = false} : vector<1024x64xbf16>, vector<64x64xbf16>, vector<1024x64xf32> -> vector<1024x64xf32>
    %get3A_42 = arith.constant 0 : index
    %get3A_43 = arith.constant 0 : index
    %get3A_44 = arith.constant 0 : index
    %get3A_45 = vector.load %arg3[%get3A_42, %get3A_43, %get3A_44] : memref<4x64x64xf32, #tpu.memory_space<vmem>>, vector<1x64x64xf32>
    %get3A_46 = vector.shape_cast %get3A_45 : vector<1x64x64xf32> to vector<64x64xf32>
    %convert_element_type3A_47 = arith.truncf %dot_general3A_23 : vector<1024x64xf32> to vector<1024x64xbf16>
    %convert_element_type3A_48 = arith.truncf %get3A_46 : vector<64x64xf32> to vector<64x64xbf16>
    %dot_general3A_49 = arith.constant dense<0.000000e+00> : vector<1024x64xf32>
    %dot_general3A_50 = tpu.matmul %convert_element_type3A_47, %convert_element_type3A_48, %dot_general3A_49 {dimension_numbers = #tpu.dot_dimension_numbers<[1], [0], [0], [1], [0, 0, 1, 1], [], []>, transpose_lhs_hint = false} : vector<1024x64xbf16>, vector<64x64xbf16>, vector<1024x64xf32> -> vector<1024x64xf32>
    %get3A_51 = arith.constant 0 : index
    %get3A_52 = arith.constant 0 : index
    %get3A_53 = arith.constant 0 : index
    %get3A_54 = vector.load %arg3[%get3A_51, %get3A_52, %get3A_53] : memref<4x64x64xf32, #tpu.memory_space<vmem>>, vector<1x64x64xf32>
    %get3A_55 = vector.shape_cast %get3A_54 : vector<1x64x64xf32> to vector<64x64xf32>
    %convert_element_type3A_56 = arith.truncf %dot_general3A_32 : vector<1024x64xf32> to vector<1024x64xbf16>
    %convert_element_type3A_57 = arith.truncf %get3A_55 : vector<64x64xf32> to vector<64x64xbf16>
    %dot_general3A_58 = arith.constant dense<0.000000e+00> : vector<1024x64xf32>
    %dot_general3A_59 = tpu.matmul %convert_element_type3A_56, %convert_element_type3A_57, %dot_general3A_58 {dimension_numbers = #tpu.dot_dimension_numbers<[1], [0], [0], [1], [0, 0, 1, 1], [], []>, transpose_lhs_hint = false} : vector<1024x64xbf16>, vector<64x64xbf16>, vector<1024x64xf32> -> vector<1024x64xf32>
    %get3A_60 = arith.constant 0 : index
    %get3A_61 = arith.constant 0 : index
    %get3A_62 = arith.constant 0 : index
    %get3A_63 = vector.load %arg3[%get3A_60, %get3A_61, %get3A_62] : memref<4x64x64xf32, #tpu.memory_space<vmem>>, vector<1x64x64xf32>
    %get3A_64 = vector.shape_cast %get3A_63 : vector<1x64x64xf32> to vector<64x64xf32>
    %convert_element_type3A_65 = arith.truncf %dot_general3A_41 : vector<1024x64xf32> to vector<1024x64xbf16>
    %convert_element_type3A_66 = arith.truncf %get3A_64 : vector<64x64xf32> to vector<64x64xbf16>
    %dot_general3A_67 = arith.constant dense<0.000000e+00> : vector<1024x64xf32>
    %dot_general3A_68 = tpu.matmul %convert_element_type3A_65, %convert_element_type3A_66, %dot_general3A_67 {dimension_numbers = #tpu.dot_dimension_numbers<[1], [0], [0], [1], [0, 0, 1, 1], [], []>, transpose_lhs_hint = false} : vector<1024x64xbf16>, vector<64x64xbf16>, vector<1024x64xf32> -> vector<1024x64xf32>
    %mul3A = arith.mulf %dot_general3A_50, %dot_general3A_50 : vector<1024x64xf32>
    %mul3A_69 = arith.mulf %dot_general3A_59, %dot_general3A_59 : vector<1024x64xf32>
    %add3A = arith.addf %mul3A, %mul3A_69 : vector<1024x64xf32>
    %mul3A_70 = arith.mulf %dot_general3A_68, %dot_general3A_68 : vector<1024x64xf32>
    %add3A_71 = arith.addf %add3A, %mul3A_70 : vector<1024x64xf32>
    %sqrt3A = math.sqrt %add3A_71 : vector<1024x64xf32>
    %add3A_72 = arith.constant 9.99999997E-7 : f32
    %add3A_73 = vector.broadcast %add3A_72 : f32 to vector<1024x64xf32>
    %add3A_74 = arith.addf %sqrt3A, %add3A_73 : vector<1024x64xf32>
    %div3A = arith.divf %dot_general3A_50, %add3A_74 : vector<1024x64xf32>
    %div3A_75 = arith.divf %dot_general3A_59, %add3A_74 : vector<1024x64xf32>
    %div3A_76 = arith.divf %dot_general3A_68, %add3A_74 : vector<1024x64xf32>
    %mul3A_77 = arith.mulf %dot_general3A_23, %div3A : vector<1024x64xf32>
    %mul3A_78 = arith.mulf %dot_general3A_32, %div3A_75 : vector<1024x64xf32>
    %add3A_79 = arith.addf %mul3A_77, %mul3A_78 : vector<1024x64xf32>
    %mul3A_80 = arith.mulf %dot_general3A_41, %div3A_76 : vector<1024x64xf32>
    %add3A_81 = arith.addf %add3A_79, %mul3A_80 : vector<1024x64xf32>
    %min3A = arith.constant 0.000000e+00 : f32
    %min3A_82 = vector.broadcast %min3A : f32 to vector<1024x64xf32>
    %min3A_83 = arith.minimumf %add3A_81, %min3A_82 : vector<1024x64xf32>
    %mul3A_84 = arith.mulf %min3A_83, %div3A : vector<1024x64xf32>
    %sub3A = arith.subf %dot_general3A_23, %mul3A_84 : vector<1024x64xf32>
    %mul3A_85 = arith.mulf %min3A_83, %div3A_75 : vector<1024x64xf32>
    %sub3A_86 = arith.subf %dot_general3A_32, %mul3A_85 : vector<1024x64xf32>
    %mul3A_87 = arith.mulf %min3A_83, %div3A_76 : vector<1024x64xf32>
    %sub3A_88 = arith.subf %dot_general3A_41, %mul3A_87 : vector<1024x64xf32>
    %reduce_sum3A = arith.constant dense<0.000000e+00> : vector<64xf32>
    %reduce_sum3A_89 = vector.multi_reduction <add>, %sub3A, %reduce_sum3A [0] : vector<1024x64xf32> to vector<64xf32>
    %broadcast_in_dim3A = vector.shape_cast %reduce_sum3A_89 : vector<64xf32> to vector<1x64xf32>
    %div3A_90 = arith.constant 1.024000e+03 : f32
    %div3A_91 = vector.broadcast %div3A_90 : f32 to vector<1x64xf32>
    %div3A_92 = arith.divf %broadcast_in_dim3A, %div3A_91 : vector<1x64xf32>
    %reduce_sum3A_93 = arith.constant dense<0.000000e+00> : vector<64xf32>
    %reduce_sum3A_94 = vector.multi_reduction <add>, %sub3A_86, %reduce_sum3A_93 [0] : vector<1024x64xf32> to vector<64xf32>
    %broadcast_in_dim3A_95 = vector.shape_cast %reduce_sum3A_94 : vector<64xf32> to vector<1x64xf32>
    %div3A_96 = arith.constant 1.024000e+03 : f32
    %div3A_97 = vector.broadcast %div3A_96 : f32 to vector<1x64xf32>
    %div3A_98 = arith.divf %broadcast_in_dim3A_95, %div3A_97 : vector<1x64xf32>
    %reduce_sum3A_99 = arith.constant dense<0.000000e+00> : vector<64xf32>
    %reduce_sum3A_100 = vector.multi_reduction <add>, %sub3A_88, %reduce_sum3A_99 [0] : vector<1024x64xf32> to vector<64xf32>
    %broadcast_in_dim3A_101 = vector.shape_cast %reduce_sum3A_100 : vector<64xf32> to vector<1x64xf32>
    %div3A_102 = arith.constant 1.024000e+03 : f32
    %div3A_103 = vector.broadcast %div3A_102 : f32 to vector<1x64xf32>
    %div3A_104 = arith.divf %broadcast_in_dim3A_101, %div3A_103 : vector<1x64xf32>
    %broadcast_in_dim3A_105 = vector.shape_cast %div3A_92 : vector<1x64xf32> to vector<1x64xf32>
    %broadcast_in_dim3A_106 = vector.broadcast %broadcast_in_dim3A_105 : vector<1x64xf32> to vector<1024x64xf32>
    %concatenate3A = tpu.concatenate %sub3A, %broadcast_in_dim3A_106 in 1 : vector<1024x64xf32>, vector<1024x64xf32> -> vector<1024x128xf32>
    %broadcast_in_dim3A_107 = vector.shape_cast %div3A_98 : vector<1x64xf32> to vector<1x64xf32>
    %broadcast_in_dim3A_108 = vector.broadcast %broadcast_in_dim3A_107 : vector<1x64xf32> to vector<1024x64xf32>
    %concatenate3A_109 = tpu.concatenate %sub3A_86, %broadcast_in_dim3A_108 in 1 : vector<1024x64xf32>, vector<1024x64xf32> -> vector<1024x128xf32>
    %broadcast_in_dim3A_110 = vector.shape_cast %div3A_104 : vector<1x64xf32> to vector<1x64xf32>
    %broadcast_in_dim3A_111 = vector.broadcast %broadcast_in_dim3A_110 : vector<1x64xf32> to vector<1024x64xf32>
    %concatenate3A_112 = tpu.concatenate %sub3A_88, %broadcast_in_dim3A_111 in 1 : vector<1024x64xf32>, vector<1024x64xf32> -> vector<1024x128xf32>
    %get3A_113 = arith.constant 0 : index
    %get3A_114 = arith.constant 0 : index
    %get3A_115 = arith.constant 0 : index
    %get3A_116 = vector.load %arg4[%get3A_113, %get3A_114, %get3A_115] : memref<4x128x64xf32, #tpu.memory_space<vmem>>, vector<1x128x64xf32>
    %get3A_117 = vector.shape_cast %get3A_116 : vector<1x128x64xf32> to vector<128x64xf32>
    %convert_element_type3A_118 = arith.truncf %concatenate3A : vector<1024x128xf32> to vector<1024x128xbf16>
    %convert_element_type3A_119 = arith.truncf %get3A_117 : vector<128x64xf32> to vector<128x64xbf16>
    %dot_general3A_120 = arith.constant dense<0.000000e+00> : vector<1024x64xf32>
    %dot_general3A_121 = tpu.matmul %convert_element_type3A_118, %convert_element_type3A_119, %dot_general3A_120 {dimension_numbers = #tpu.dot_dimension_numbers<[1], [0], [0], [1], [0, 0, 1, 1], [], []>, transpose_lhs_hint = false} : vector<1024x128xbf16>, vector<128x64xbf16>, vector<1024x64xf32> -> vector<1024x64xf32>
    %get3A_122 = arith.constant 0 : index
    %get3A_123 = arith.constant 0 : index
    %get3A_124 = arith.constant 0 : index
    %get3A_125 = vector.load %arg4[%get3A_122, %get3A_123, %get3A_124] : memref<4x128x64xf32, #tpu.memory_space<vmem>>, vector<1x128x64xf32>
    %get3A_126 = vector.shape_cast %get3A_125 : vector<1x128x64xf32> to vector<128x64xf32>
    %convert_element_type3A_127 = arith.truncf %concatenate3A_109 : vector<1024x128xf32> to vector<1024x128xbf16>
    %convert_element_type3A_128 = arith.truncf %get3A_126 : vector<128x64xf32> to vector<128x64xbf16>
    %dot_general3A_129 = arith.constant dense<0.000000e+00> : vector<1024x64xf32>
    %dot_general3A_130 = tpu.matmul %convert_element_type3A_127, %convert_element_type3A_128, %dot_general3A_129 {dimension_numbers = #tpu.dot_dimension_numbers<[1], [0], [0], [1], [0, 0, 1, 1], [], []>, transpose_lhs_hint = false} : vector<1024x128xbf16>, vector<128x64xbf16>, vector<1024x64xf32> -> vector<1024x64xf32>
    %get3A_131 = arith.constant 0 : index
    %get3A_132 = arith.constant 0 : index
    %get3A_133 = arith.constant 0 : index
    %get3A_134 = vector.load %arg4[%get3A_131, %get3A_132, %get3A_133] : memref<4x128x64xf32, #tpu.memory_space<vmem>>, vector<1x128x64xf32>
    %get3A_135 = vector.shape_cast %get3A_134 : vector<1x128x64xf32> to vector<128x64xf32>
    %convert_element_type3A_136 = arith.truncf %concatenate3A_112 : vector<1024x128xf32> to vector<1024x128xbf16>
    %convert_element_type3A_137 = arith.truncf %get3A_135 : vector<128x64xf32> to vector<128x64xbf16>
    %dot_general3A_138 = arith.constant dense<0.000000e+00> : vector<1024x64xf32>
    %dot_general3A_139 = tpu.matmul %convert_element_type3A_136, %convert_element_type3A_137, %dot_general3A_138 {dimension_numbers = #tpu.dot_dimension_numbers<[1], [0], [0], [1], [0, 0, 1, 1], [], []>, transpose_lhs_hint = false} : vector<1024x128xbf16>, vector<128x64xbf16>, vector<1024x64xf32> -> vector<1024x64xf32>
    %get3A_140 = arith.constant 0 : index
    %get3A_141 = arith.constant 0 : index
    %get3A_142 = arith.constant 0 : index
    %get3A_143 = vector.load %arg5[%get3A_140, %get3A_141, %get3A_142] : memref<4x64x64xf32, #tpu.memory_space<vmem>>, vector<1x64x64xf32>
    %get3A_144 = vector.shape_cast %get3A_143 : vector<1x64x64xf32> to vector<64x64xf32>
    %convert_element_type3A_145 = arith.truncf %dot_general3A_121 : vector<1024x64xf32> to vector<1024x64xbf16>
    %convert_element_type3A_146 = arith.truncf %get3A_144 : vector<64x64xf32> to vector<64x64xbf16>
    %dot_general3A_147 = arith.constant dense<0.000000e+00> : vector<1024x64xf32>
    %dot_general3A_148 = tpu.matmul %convert_element_type3A_145, %convert_element_type3A_146, %dot_general3A_147 {dimension_numbers = #tpu.dot_dimension_numbers<[1], [0], [0], [1], [0, 0, 1, 1], [], []>, transpose_lhs_hint = false} : vector<1024x64xbf16>, vector<64x64xbf16>, vector<1024x64xf32> -> vector<1024x64xf32>
    %get3A_149 = arith.constant 0 : index
    %get3A_150 = arith.constant 0 : index
    %get3A_151 = arith.constant 0 : index
    %get3A_152 = vector.load %arg5[%get3A_149, %get3A_150, %get3A_151] : memref<4x64x64xf32, #tpu.memory_space<vmem>>, vector<1x64x64xf32>
    %get3A_153 = vector.shape_cast %get3A_152 : vector<1x64x64xf32> to vector<64x64xf32>
    %convert_element_type3A_154 = arith.truncf %dot_general3A_130 : vector<1024x64xf32> to vector<1024x64xbf16>
    %convert_element_type3A_155 = arith.truncf %get3A_153 : vector<64x64xf32> to vector<64x64xbf16>
    %dot_general3A_156 = arith.constant dense<0.000000e+00> : vector<1024x64xf32>
    %dot_general3A_157 = tpu.matmul %convert_element_type3A_154, %convert_element_type3A_155, %dot_general3A_156 {dimension_numbers = #tpu.dot_dimension_numbers<[1], [0], [0], [1], [0, 0, 1, 1], [], []>, transpose_lhs_hint = false} : vector<1024x64xbf16>, vector<64x64xbf16>, vector<1024x64xf32> -> vector<1024x64xf32>
    %get3A_158 = arith.constant 0 : index
    %get3A_159 = arith.constant 0 : index
    %get3A_160 = arith.constant 0 : index
    %get3A_161 = vector.load %arg5[%get3A_158, %get3A_159, %get3A_160] : memref<4x64x64xf32, #tpu.memory_space<vmem>>, vector<1x64x64xf32>
    %get3A_162 = vector.shape_cast %get3A_161 : vector<1x64x64xf32> to vector<64x64xf32>
    %convert_element_type3A_163 = arith.truncf %dot_general3A_139 : vector<1024x64xf32> to vector<1024x64xbf16>
    %convert_element_type3A_164 = arith.truncf %get3A_162 : vector<64x64xf32> to vector<64x64xbf16>
    %dot_general3A_165 = arith.constant dense<0.000000e+00> : vector<1024x64xf32>
    %dot_general3A_166 = tpu.matmul %convert_element_type3A_163, %convert_element_type3A_164, %dot_general3A_165 {dimension_numbers = #tpu.dot_dimension_numbers<[1], [0], [0], [1], [0, 0, 1, 1], [], []>, transpose_lhs_hint = false} : vector<1024x64xbf16>, vector<64x64xbf16>, vector<1024x64xf32> -> vector<1024x64xf32>
    %mul3A_167 = arith.mulf %dot_general3A_148, %dot_general3A_148 : vector<1024x64xf32>
    %mul3A_168 = arith.mulf %dot_general3A_157, %dot_general3A_157 : vector<1024x64xf32>
    %add3A_169 = arith.addf %mul3A_167, %mul3A_168 : vector<1024x64xf32>
    %mul3A_170 = arith.mulf %dot_general3A_166, %dot_general3A_166 : vector<1024x64xf32>
    %add3A_171 = arith.addf %add3A_169, %mul3A_170 : vector<1024x64xf32>
    %sqrt3A_172 = math.sqrt %add3A_171 : vector<1024x64xf32>
    %add3A_173 = arith.constant 9.99999997E-7 : f32
    %add3A_174 = vector.broadcast %add3A_173 : f32 to vector<1024x64xf32>
    %add3A_175 = arith.addf %sqrt3A_172, %add3A_174 : vector<1024x64xf32>
    %div3A_176 = arith.divf %dot_general3A_148, %add3A_175 : vector<1024x64xf32>
    %div3A_177 = arith.divf %dot_general3A_157, %add3A_175 : vector<1024x64xf32>
    %div3A_178 = arith.divf %dot_general3A_166, %add3A_175 : vector<1024x64xf32>
    %mul3A_179 = arith.mulf %dot_general3A_121, %div3A_176 : vector<1024x64xf32>
    %mul3A_180 = arith.mulf %dot_general3A_130, %div3A_177 : vector<1024x64xf32>
    %add3A_181 = arith.addf %mul3A_179, %mul3A_180 : vector<1024x64xf32>
    %mul3A_182 = arith.mulf %dot_general3A_139, %div3A_178 : vector<1024x64xf32>
    %add3A_183 = arith.addf %add3A_181, %mul3A_182 : vector<1024x64xf32>
    %min3A_184 = arith.constant 0.000000e+00 : f32
    %min3A_185 = vector.broadcast %min3A_184 : f32 to vector<1024x64xf32>
    %min3A_186 = arith.minimumf %add3A_183, %min3A_185 : vector<1024x64xf32>
    %mul3A_187 = arith.mulf %min3A_186, %div3A_176 : vector<1024x64xf32>
    %sub3A_188 = arith.subf %dot_general3A_121, %mul3A_187 : vector<1024x64xf32>
    %mul3A_189 = arith.mulf %min3A_186, %div3A_177 : vector<1024x64xf32>
    %sub3A_190 = arith.subf %dot_general3A_130, %mul3A_189 : vector<1024x64xf32>
    %mul3A_191 = arith.mulf %min3A_186, %div3A_178 : vector<1024x64xf32>
    %sub3A_192 = arith.subf %dot_general3A_139, %mul3A_191 : vector<1024x64xf32>
    %get3A_193 = arith.constant 1 : index
    %get3A_194 = arith.constant 0 : index
    %get3A_195 = arith.constant 0 : index
    %get3A_196 = vector.load %arg2[%get3A_193, %get3A_194, %get3A_195] : memref<4x64x64xf32, #tpu.memory_space<vmem>>, vector<1x64x64xf32>
    %get3A_197 = vector.shape_cast %get3A_196 : vector<1x64x64xf32> to vector<64x64xf32>
    %convert_element_type3A_198 = arith.truncf %sub3A_188 : vector<1024x64xf32> to vector<1024x64xbf16>
    %convert_element_type3A_199 = arith.truncf %get3A_197 : vector<64x64xf32> to vector<64x64xbf16>
    %dot_general3A_200 = arith.constant dense<0.000000e+00> : vector<1024x64xf32>
    %dot_general3A_201 = tpu.matmul %convert_element_type3A_198, %convert_element_type3A_199, %dot_general3A_200 {dimension_numbers = #tpu.dot_dimension_numbers<[1], [0], [0], [1], [0, 0, 1, 1], [], []>, transpose_lhs_hint = false} : vector<1024x64xbf16>, vector<64x64xbf16>, vector<1024x64xf32> -> vector<1024x64xf32>
    %get3A_202 = arith.constant 1 : index
    %get3A_203 = arith.constant 0 : index
    %get3A_204 = arith.constant 0 : index
    %get3A_205 = vector.load %arg2[%get3A_202, %get3A_203, %get3A_204] : memref<4x64x64xf32, #tpu.memory_space<vmem>>, vector<1x64x64xf32>
    %get3A_206 = vector.shape_cast %get3A_205 : vector<1x64x64xf32> to vector<64x64xf32>
    %convert_element_type3A_207 = arith.truncf %sub3A_190 : vector<1024x64xf32> to vector<1024x64xbf16>
    %convert_element_type3A_208 = arith.truncf %get3A_206 : vector<64x64xf32> to vector<64x64xbf16>
    %dot_general3A_209 = arith.constant dense<0.000000e+00> : vector<1024x64xf32>
    %dot_general3A_210 = tpu.matmul %convert_element_type3A_207, %convert_element_type3A_208, %dot_general3A_209 {dimension_numbers = #tpu.dot_dimension_numbers<[1], [0], [0], [1], [0, 0, 1, 1], [], []>, transpose_lhs_hint = false} : vector<1024x64xbf16>, vector<64x64xbf16>, vector<1024x64xf32> -> vector<1024x64xf32>
    %get3A_211 = arith.constant 1 : index
    %get3A_212 = arith.constant 0 : index
    %get3A_213 = arith.constant 0 : index
    %get3A_214 = vector.load %arg2[%get3A_211, %get3A_212, %get3A_213] : memref<4x64x64xf32, #tpu.memory_space<vmem>>, vector<1x64x64xf32>
    %get3A_215 = vector.shape_cast %get3A_214 : vector<1x64x64xf32> to vector<64x64xf32>
    %convert_element_type3A_216 = arith.truncf %sub3A_192 : vector<1024x64xf32> to vector<1024x64xbf16>
    %convert_element_type3A_217 = arith.truncf %get3A_215 : vector<64x64xf32> to vector<64x64xbf16>
    %dot_general3A_218 = arith.constant dense<0.000000e+00> : vector<1024x64xf32>
    %dot_general3A_219 = tpu.matmul %convert_element_type3A_216, %convert_element_type3A_217, %dot_general3A_218 {dimension_numbers = #tpu.dot_dimension_numbers<[1], [0], [0], [1], [0, 0, 1, 1], [], []>, transpose_lhs_hint = false} : vector<1024x64xbf16>, vector<64x64xbf16>, vector<1024x64xf32> -> vector<1024x64xf32>
    %get3A_220 = arith.constant 1 : index
    %get3A_221 = arith.constant 0 : index
    %get3A_222 = arith.constant 0 : index
    %get3A_223 = vector.load %arg3[%get3A_220, %get3A_221, %get3A_222] : memref<4x64x64xf32, #tpu.memory_space<vmem>>, vector<1x64x64xf32>
    %get3A_224 = vector.shape_cast %get3A_223 : vector<1x64x64xf32> to vector<64x64xf32>
    %convert_element_type3A_225 = arith.truncf %dot_general3A_201 : vector<1024x64xf32> to vector<1024x64xbf16>
    %convert_element_type3A_226 = arith.truncf %get3A_224 : vector<64x64xf32> to vector<64x64xbf16>
    %dot_general3A_227 = arith.constant dense<0.000000e+00> : vector<1024x64xf32>
    %dot_general3A_228 = tpu.matmul %convert_element_type3A_225, %convert_element_type3A_226, %dot_general3A_227 {dimension_numbers = #tpu.dot_dimension_numbers<[1], [0], [0], [1], [0, 0, 1, 1], [], []>, transpose_lhs_hint = false} : vector<1024x64xbf16>, vector<64x64xbf16>, vector<1024x64xf32> -> vector<1024x64xf32>
    %get3A_229 = arith.constant 1 : index
    %get3A_230 = arith.constant 0 : index
    %get3A_231 = arith.constant 0 : index
    %get3A_232 = vector.load %arg3[%get3A_229, %get3A_230, %get3A_231] : memref<4x64x64xf32, #tpu.memory_space<vmem>>, vector<1x64x64xf32>
    %get3A_233 = vector.shape_cast %get3A_232 : vector<1x64x64xf32> to vector<64x64xf32>
    %convert_element_type3A_234 = arith.truncf %dot_general3A_210 : vector<1024x64xf32> to vector<1024x64xbf16>
    %convert_element_type3A_235 = arith.truncf %get3A_233 : vector<64x64xf32> to vector<64x64xbf16>
    %dot_general3A_236 = arith.constant dense<0.000000e+00> : vector<1024x64xf32>
    %dot_general3A_237 = tpu.matmul %convert_element_type3A_234, %convert_element_type3A_235, %dot_general3A_236 {dimension_numbers = #tpu.dot_dimension_numbers<[1], [0], [0], [1], [0, 0, 1, 1], [], []>, transpose_lhs_hint = false} : vector<1024x64xbf16>, vector<64x64xbf16>, vector<1024x64xf32> -> vector<1024x64xf32>
    %get3A_238 = arith.constant 1 : index
    %get3A_239 = arith.constant 0 : index
    %get3A_240 = arith.constant 0 : index
    %get3A_241 = vector.load %arg3[%get3A_238, %get3A_239, %get3A_240] : memref<4x64x64xf32, #tpu.memory_space<vmem>>, vector<1x64x64xf32>
    %get3A_242 = vector.shape_cast %get3A_241 : vector<1x64x64xf32> to vector<64x64xf32>
    %convert_element_type3A_243 = arith.truncf %dot_general3A_219 : vector<1024x64xf32> to vector<1024x64xbf16>
    %convert_element_type3A_244 = arith.truncf %get3A_242 : vector<64x64xf32> to vector<64x64xbf16>
    %dot_general3A_245 = arith.constant dense<0.000000e+00> : vector<1024x64xf32>
    %dot_general3A_246 = tpu.matmul %convert_element_type3A_243, %convert_element_type3A_244, %dot_general3A_245 {dimension_numbers = #tpu.dot_dimension_numbers<[1], [0], [0], [1], [0, 0, 1, 1], [], []>, transpose_lhs_hint = false} : vector<1024x64xbf16>, vector<64x64xbf16>, vector<1024x64xf32> -> vector<1024x64xf32>
    %mul3A_247 = arith.mulf %dot_general3A_228, %dot_general3A_228 : vector<1024x64xf32>
    %mul3A_248 = arith.mulf %dot_general3A_237, %dot_general3A_237 : vector<1024x64xf32>
    %add3A_249 = arith.addf %mul3A_247, %mul3A_248 : vector<1024x64xf32>
    %mul3A_250 = arith.mulf %dot_general3A_246, %dot_general3A_246 : vector<1024x64xf32>
    %add3A_251 = arith.addf %add3A_249, %mul3A_250 : vector<1024x64xf32>
    %sqrt3A_252 = math.sqrt %add3A_251 : vector<1024x64xf32>
    %add3A_253 = arith.constant 9.99999997E-7 : f32
    %add3A_254 = vector.broadcast %add3A_253 : f32 to vector<1024x64xf32>
    %add3A_255 = arith.addf %sqrt3A_252, %add3A_254 : vector<1024x64xf32>
    %div3A_256 = arith.divf %dot_general3A_228, %add3A_255 : vector<1024x64xf32>
    %div3A_257 = arith.divf %dot_general3A_237, %add3A_255 : vector<1024x64xf32>
    %div3A_258 = arith.divf %dot_general3A_246, %add3A_255 : vector<1024x64xf32>
    %mul3A_259 = arith.mulf %dot_general3A_201, %div3A_256 : vector<1024x64xf32>
    %mul3A_260 = arith.mulf %dot_general3A_210, %div3A_257 : vector<1024x64xf32>
    %add3A_261 = arith.addf %mul3A_259, %mul3A_260 : vector<1024x64xf32>
    %mul3A_262 = arith.mulf %dot_general3A_219, %div3A_258 : vector<1024x64xf32>
    %add3A_263 = arith.addf %add3A_261, %mul3A_262 : vector<1024x64xf32>
    %min3A_264 = arith.constant 0.000000e+00 : f32
    %min3A_265 = vector.broadcast %min3A_264 : f32 to vector<1024x64xf32>
    %min3A_266 = arith.minimumf %add3A_263, %min3A_265 : vector<1024x64xf32>
    %mul3A_267 = arith.mulf %min3A_266, %div3A_256 : vector<1024x64xf32>
    %sub3A_268 = arith.subf %dot_general3A_201, %mul3A_267 : vector<1024x64xf32>
    %mul3A_269 = arith.mulf %min3A_266, %div3A_257 : vector<1024x64xf32>
    %sub3A_270 = arith.subf %dot_general3A_210, %mul3A_269 : vector<1024x64xf32>
    %mul3A_271 = arith.mulf %min3A_266, %div3A_258 : vector<1024x64xf32>
    %sub3A_272 = arith.subf %dot_general3A_219, %mul3A_271 : vector<1024x64xf32>
    %reduce_sum3A_273 = arith.constant dense<0.000000e+00> : vector<64xf32>
    %reduce_sum3A_274 = vector.multi_reduction <add>, %sub3A_268, %reduce_sum3A_273 [0] : vector<1024x64xf32> to vector<64xf32>
    %broadcast_in_dim3A_275 = vector.shape_cast %reduce_sum3A_274 : vector<64xf32> to vector<1x64xf32>
    %div3A_276 = arith.constant 1.024000e+03 : f32
    %div3A_277 = vector.broadcast %div3A_276 : f32 to vector<1x64xf32>
    %div3A_278 = arith.divf %broadcast_in_dim3A_275, %div3A_277 : vector<1x64xf32>
    %reduce_sum3A_279 = arith.constant dense<0.000000e+00> : vector<64xf32>
    %reduce_sum3A_280 = vector.multi_reduction <add>, %sub3A_270, %reduce_sum3A_279 [0] : vector<1024x64xf32> to vector<64xf32>
    %broadcast_in_dim3A_281 = vector.shape_cast %reduce_sum3A_280 : vector<64xf32> to vector<1x64xf32>
    %div3A_282 = arith.constant 1.024000e+03 : f32
    %div3A_283 = vector.broadcast %div3A_282 : f32 to vector<1x64xf32>
    %div3A_284 = arith.divf %broadcast_in_dim3A_281, %div3A_283 : vector<1x64xf32>
    %reduce_sum3A_285 = arith.constant dense<0.000000e+00> : vector<64xf32>
    %reduce_sum3A_286 = vector.multi_reduction <add>, %sub3A_272, %reduce_sum3A_285 [0] : vector<1024x64xf32> to vector<64xf32>
    %broadcast_in_dim3A_287 = vector.shape_cast %reduce_sum3A_286 : vector<64xf32> to vector<1x64xf32>
    %div3A_288 = arith.constant 1.024000e+03 : f32
    %div3A_289 = vector.broadcast %div3A_288 : f32 to vector<1x64xf32>
    %div3A_290 = arith.divf %broadcast_in_dim3A_287, %div3A_289 : vector<1x64xf32>
    %broadcast_in_dim3A_291 = vector.shape_cast %div3A_278 : vector<1x64xf32> to vector<1x64xf32>
    %broadcast_in_dim3A_292 = vector.broadcast %broadcast_in_dim3A_291 : vector<1x64xf32> to vector<1024x64xf32>
    %concatenate3A_293 = tpu.concatenate %sub3A_268, %broadcast_in_dim3A_292 in 1 : vector<1024x64xf32>, vector<1024x64xf32> -> vector<1024x128xf32>
    %broadcast_in_dim3A_294 = vector.shape_cast %div3A_284 : vector<1x64xf32> to vector<1x64xf32>
    %broadcast_in_dim3A_295 = vector.broadcast %broadcast_in_dim3A_294 : vector<1x64xf32> to vector<1024x64xf32>
    %concatenate3A_296 = tpu.concatenate %sub3A_270, %broadcast_in_dim3A_295 in 1 : vector<1024x64xf32>, vector<1024x64xf32> -> vector<1024x128xf32>
    %broadcast_in_dim3A_297 = vector.shape_cast %div3A_290 : vector<1x64xf32> to vector<1x64xf32>
    %broadcast_in_dim3A_298 = vector.broadcast %broadcast_in_dim3A_297 : vector<1x64xf32> to vector<1024x64xf32>
    %concatenate3A_299 = tpu.concatenate %sub3A_272, %broadcast_in_dim3A_298 in 1 : vector<1024x64xf32>, vector<1024x64xf32> -> vector<1024x128xf32>
    %get3A_300 = arith.constant 1 : index
    %get3A_301 = arith.constant 0 : index
    %get3A_302 = arith.constant 0 : index
    %get3A_303 = vector.load %arg4[%get3A_300, %get3A_301, %get3A_302] : memref<4x128x64xf32, #tpu.memory_space<vmem>>, vector<1x128x64xf32>
    %get3A_304 = vector.shape_cast %get3A_303 : vector<1x128x64xf32> to vector<128x64xf32>
    %convert_element_type3A_305 = arith.truncf %concatenate3A_293 : vector<1024x128xf32> to vector<1024x128xbf16>
    %convert_element_type3A_306 = arith.truncf %get3A_304 : vector<128x64xf32> to vector<128x64xbf16>
    %dot_general3A_307 = arith.constant dense<0.000000e+00> : vector<1024x64xf32>
    %dot_general3A_308 = tpu.matmul %convert_element_type3A_305, %convert_element_type3A_306, %dot_general3A_307 {dimension_numbers = #tpu.dot_dimension_numbers<[1], [0], [0], [1], [0, 0, 1, 1], [], []>, transpose_lhs_hint = false} : vector<1024x128xbf16>, vector<128x64xbf16>, vector<1024x64xf32> -> vector<1024x64xf32>
    %get3A_309 = arith.constant 1 : index
    %get3A_310 = arith.constant 0 : index
    %get3A_311 = arith.constant 0 : index
    %get3A_312 = vector.load %arg4[%get3A_309, %get3A_310, %get3A_311] : memref<4x128x64xf32, #tpu.memory_space<vmem>>, vector<1x128x64xf32>
    %get3A_313 = vector.shape_cast %get3A_312 : vector<1x128x64xf32> to vector<128x64xf32>
    %convert_element_type3A_314 = arith.truncf %concatenate3A_296 : vector<1024x128xf32> to vector<1024x128xbf16>
    %convert_element_type3A_315 = arith.truncf %get3A_313 : vector<128x64xf32> to vector<128x64xbf16>
    %dot_general3A_316 = arith.constant dense<0.000000e+00> : vector<1024x64xf32>
    %dot_general3A_317 = tpu.matmul %convert_element_type3A_314, %convert_element_type3A_315, %dot_general3A_316 {dimension_numbers = #tpu.dot_dimension_numbers<[1], [0], [0], [1], [0, 0, 1, 1], [], []>, transpose_lhs_hint = false} : vector<1024x128xbf16>, vector<128x64xbf16>, vector<1024x64xf32> -> vector<1024x64xf32>
    %get3A_318 = arith.constant 1 : index
    %get3A_319 = arith.constant 0 : index
    %get3A_320 = arith.constant 0 : index
    %get3A_321 = vector.load %arg4[%get3A_318, %get3A_319, %get3A_320] : memref<4x128x64xf32, #tpu.memory_space<vmem>>, vector<1x128x64xf32>
    %get3A_322 = vector.shape_cast %get3A_321 : vector<1x128x64xf32> to vector<128x64xf32>
    %convert_element_type3A_323 = arith.truncf %concatenate3A_299 : vector<1024x128xf32> to vector<1024x128xbf16>
    %convert_element_type3A_324 = arith.truncf %get3A_322 : vector<128x64xf32> to vector<128x64xbf16>
    %dot_general3A_325 = arith.constant dense<0.000000e+00> : vector<1024x64xf32>
    %dot_general3A_326 = tpu.matmul %convert_element_type3A_323, %convert_element_type3A_324, %dot_general3A_325 {dimension_numbers = #tpu.dot_dimension_numbers<[1], [0], [0], [1], [0, 0, 1, 1], [], []>, transpose_lhs_hint = false} : vector<1024x128xbf16>, vector<128x64xbf16>, vector<1024x64xf32> -> vector<1024x64xf32>
    %get3A_327 = arith.constant 1 : index
    %get3A_328 = arith.constant 0 : index
    %get3A_329 = arith.constant 0 : index
    %get3A_330 = vector.load %arg5[%get3A_327, %get3A_328, %get3A_329] : memref<4x64x64xf32, #tpu.memory_space<vmem>>, vector<1x64x64xf32>
    %get3A_331 = vector.shape_cast %get3A_330 : vector<1x64x64xf32> to vector<64x64xf32>
    %convert_element_type3A_332 = arith.truncf %dot_general3A_308 : vector<1024x64xf32> to vector<1024x64xbf16>
    %convert_element_type3A_333 = arith.truncf %get3A_331 : vector<64x64xf32> to vector<64x64xbf16>
    %dot_general3A_334 = arith.constant dense<0.000000e+00> : vector<1024x64xf32>
    %dot_general3A_335 = tpu.matmul %convert_element_type3A_332, %convert_element_type3A_333, %dot_general3A_334 {dimension_numbers = #tpu.dot_dimension_numbers<[1], [0], [0], [1], [0, 0, 1, 1], [], []>, transpose_lhs_hint = false} : vector<1024x64xbf16>, vector<64x64xbf16>, vector<1024x64xf32> -> vector<1024x64xf32>
    %get3A_336 = arith.constant 1 : index
    %get3A_337 = arith.constant 0 : index
    %get3A_338 = arith.constant 0 : index
    %get3A_339 = vector.load %arg5[%get3A_336, %get3A_337, %get3A_338] : memref<4x64x64xf32, #tpu.memory_space<vmem>>, vector<1x64x64xf32>
    %get3A_340 = vector.shape_cast %get3A_339 : vector<1x64x64xf32> to vector<64x64xf32>
    %convert_element_type3A_341 = arith.truncf %dot_general3A_317 : vector<1024x64xf32> to vector<1024x64xbf16>
    %convert_element_type3A_342 = arith.truncf %get3A_340 : vector<64x64xf32> to vector<64x64xbf16>
    %dot_general3A_343 = arith.constant dense<0.000000e+00> : vector<1024x64xf32>
    %dot_general3A_344 = tpu.matmul %convert_element_type3A_341, %convert_element_type3A_342, %dot_general3A_343 {dimension_numbers = #tpu.dot_dimension_numbers<[1], [0], [0], [1], [0, 0, 1, 1], [], []>, transpose_lhs_hint = false} : vector<1024x64xbf16>, vector<64x64xbf16>, vector<1024x64xf32> -> vector<1024x64xf32>
    %get3A_345 = arith.constant 1 : index
    %get3A_346 = arith.constant 0 : index
    %get3A_347 = arith.constant 0 : index
    %get3A_348 = vector.load %arg5[%get3A_345, %get3A_346, %get3A_347] : memref<4x64x64xf32, #tpu.memory_space<vmem>>, vector<1x64x64xf32>
    %get3A_349 = vector.shape_cast %get3A_348 : vector<1x64x64xf32> to vector<64x64xf32>
    %convert_element_type3A_350 = arith.truncf %dot_general3A_326 : vector<1024x64xf32> to vector<1024x64xbf16>
    %convert_element_type3A_351 = arith.truncf %get3A_349 : vector<64x64xf32> to vector<64x64xbf16>
    %dot_general3A_352 = arith.constant dense<0.000000e+00> : vector<1024x64xf32>
    %dot_general3A_353 = tpu.matmul %convert_element_type3A_350, %convert_element_type3A_351, %dot_general3A_352 {dimension_numbers = #tpu.dot_dimension_numbers<[1], [0], [0], [1], [0, 0, 1, 1], [], []>, transpose_lhs_hint = false} : vector<1024x64xbf16>, vector<64x64xbf16>, vector<1024x64xf32> -> vector<1024x64xf32>
    %mul3A_354 = arith.mulf %dot_general3A_335, %dot_general3A_335 : vector<1024x64xf32>
    %mul3A_355 = arith.mulf %dot_general3A_344, %dot_general3A_344 : vector<1024x64xf32>
    %add3A_356 = arith.addf %mul3A_354, %mul3A_355 : vector<1024x64xf32>
    %mul3A_357 = arith.mulf %dot_general3A_353, %dot_general3A_353 : vector<1024x64xf32>
    %add3A_358 = arith.addf %add3A_356, %mul3A_357 : vector<1024x64xf32>
    %sqrt3A_359 = math.sqrt %add3A_358 : vector<1024x64xf32>
    %add3A_360 = arith.constant 9.99999997E-7 : f32
    %add3A_361 = vector.broadcast %add3A_360 : f32 to vector<1024x64xf32>
    %add3A_362 = arith.addf %sqrt3A_359, %add3A_361 : vector<1024x64xf32>
    %div3A_363 = arith.divf %dot_general3A_335, %add3A_362 : vector<1024x64xf32>
    %div3A_364 = arith.divf %dot_general3A_344, %add3A_362 : vector<1024x64xf32>
    %div3A_365 = arith.divf %dot_general3A_353, %add3A_362 : vector<1024x64xf32>
    %mul3A_366 = arith.mulf %dot_general3A_308, %div3A_363 : vector<1024x64xf32>
    %mul3A_367 = arith.mulf %dot_general3A_317, %div3A_364 : vector<1024x64xf32>
    %add3A_368 = arith.addf %mul3A_366, %mul3A_367 : vector<1024x64xf32>
    %mul3A_369 = arith.mulf %dot_general3A_326, %div3A_365 : vector<1024x64xf32>
    %add3A_370 = arith.addf %add3A_368, %mul3A_369 : vector<1024x64xf32>
    %min3A_371 = arith.constant 0.000000e+00 : f32
    %min3A_372 = vector.broadcast %min3A_371 : f32 to vector<1024x64xf32>
    %min3A_373 = arith.minimumf %add3A_370, %min3A_372 : vector<1024x64xf32>
    %mul3A_374 = arith.mulf %min3A_373, %div3A_363 : vector<1024x64xf32>
    %sub3A_375 = arith.subf %dot_general3A_308, %mul3A_374 : vector<1024x64xf32>
    %mul3A_376 = arith.mulf %min3A_373, %div3A_364 : vector<1024x64xf32>
    %sub3A_377 = arith.subf %dot_general3A_317, %mul3A_376 : vector<1024x64xf32>
    %mul3A_378 = arith.mulf %min3A_373, %div3A_365 : vector<1024x64xf32>
    %sub3A_379 = arith.subf %dot_general3A_326, %mul3A_378 : vector<1024x64xf32>
    %get3A_380 = arith.constant 2 : index
    %get3A_381 = arith.constant 0 : index
    %get3A_382 = arith.constant 0 : index
    %get3A_383 = vector.load %arg2[%get3A_380, %get3A_381, %get3A_382] : memref<4x64x64xf32, #tpu.memory_space<vmem>>, vector<1x64x64xf32>
    %get3A_384 = vector.shape_cast %get3A_383 : vector<1x64x64xf32> to vector<64x64xf32>
    %convert_element_type3A_385 = arith.truncf %sub3A_375 : vector<1024x64xf32> to vector<1024x64xbf16>
    %convert_element_type3A_386 = arith.truncf %get3A_384 : vector<64x64xf32> to vector<64x64xbf16>
    %dot_general3A_387 = arith.constant dense<0.000000e+00> : vector<1024x64xf32>
    %dot_general3A_388 = tpu.matmul %convert_element_type3A_385, %convert_element_type3A_386, %dot_general3A_387 {dimension_numbers = #tpu.dot_dimension_numbers<[1], [0], [0], [1], [0, 0, 1, 1], [], []>, transpose_lhs_hint = false} : vector<1024x64xbf16>, vector<64x64xbf16>, vector<1024x64xf32> -> vector<1024x64xf32>
    %get3A_389 = arith.constant 2 : index
    %get3A_390 = arith.constant 0 : index
    %get3A_391 = arith.constant 0 : index
    %get3A_392 = vector.load %arg2[%get3A_389, %get3A_390, %get3A_391] : memref<4x64x64xf32, #tpu.memory_space<vmem>>, vector<1x64x64xf32>
    %get3A_393 = vector.shape_cast %get3A_392 : vector<1x64x64xf32> to vector<64x64xf32>
    %convert_element_type3A_394 = arith.truncf %sub3A_377 : vector<1024x64xf32> to vector<1024x64xbf16>
    %convert_element_type3A_395 = arith.truncf %get3A_393 : vector<64x64xf32> to vector<64x64xbf16>
    %dot_general3A_396 = arith.constant dense<0.000000e+00> : vector<1024x64xf32>
    %dot_general3A_397 = tpu.matmul %convert_element_type3A_394, %convert_element_type3A_395, %dot_general3A_396 {dimension_numbers = #tpu.dot_dimension_numbers<[1], [0], [0], [1], [0, 0, 1, 1], [], []>, transpose_lhs_hint = false} : vector<1024x64xbf16>, vector<64x64xbf16>, vector<1024x64xf32> -> vector<1024x64xf32>
    %get3A_398 = arith.constant 2 : index
    %get3A_399 = arith.constant 0 : index
    %get3A_400 = arith.constant 0 : index
    %get3A_401 = vector.load %arg2[%get3A_398, %get3A_399, %get3A_400] : memref<4x64x64xf32, #tpu.memory_space<vmem>>, vector<1x64x64xf32>
    %get3A_402 = vector.shape_cast %get3A_401 : vector<1x64x64xf32> to vector<64x64xf32>
    %convert_element_type3A_403 = arith.truncf %sub3A_379 : vector<1024x64xf32> to vector<1024x64xbf16>
    %convert_element_type3A_404 = arith.truncf %get3A_402 : vector<64x64xf32> to vector<64x64xbf16>
    %dot_general3A_405 = arith.constant dense<0.000000e+00> : vector<1024x64xf32>
    %dot_general3A_406 = tpu.matmul %convert_element_type3A_403, %convert_element_type3A_404, %dot_general3A_405 {dimension_numbers = #tpu.dot_dimension_numbers<[1], [0], [0], [1], [0, 0, 1, 1], [], []>, transpose_lhs_hint = false} : vector<1024x64xbf16>, vector<64x64xbf16>, vector<1024x64xf32> -> vector<1024x64xf32>
    %get3A_407 = arith.constant 2 : index
    %get3A_408 = arith.constant 0 : index
    %get3A_409 = arith.constant 0 : index
    %get3A_410 = vector.load %arg3[%get3A_407, %get3A_408, %get3A_409] : memref<4x64x64xf32, #tpu.memory_space<vmem>>, vector<1x64x64xf32>
    %get3A_411 = vector.shape_cast %get3A_410 : vector<1x64x64xf32> to vector<64x64xf32>
    %convert_element_type3A_412 = arith.truncf %dot_general3A_388 : vector<1024x64xf32> to vector<1024x64xbf16>
    %convert_element_type3A_413 = arith.truncf %get3A_411 : vector<64x64xf32> to vector<64x64xbf16>
    %dot_general3A_414 = arith.constant dense<0.000000e+00> : vector<1024x64xf32>
    %dot_general3A_415 = tpu.matmul %convert_element_type3A_412, %convert_element_type3A_413, %dot_general3A_414 {dimension_numbers = #tpu.dot_dimension_numbers<[1], [0], [0], [1], [0, 0, 1, 1], [], []>, transpose_lhs_hint = false} : vector<1024x64xbf16>, vector<64x64xbf16>, vector<1024x64xf32> -> vector<1024x64xf32>
    %get3A_416 = arith.constant 2 : index
    %get3A_417 = arith.constant 0 : index
    %get3A_418 = arith.constant 0 : index
    %get3A_419 = vector.load %arg3[%get3A_416, %get3A_417, %get3A_418] : memref<4x64x64xf32, #tpu.memory_space<vmem>>, vector<1x64x64xf32>
    %get3A_420 = vector.shape_cast %get3A_419 : vector<1x64x64xf32> to vector<64x64xf32>
    %convert_element_type3A_421 = arith.truncf %dot_general3A_397 : vector<1024x64xf32> to vector<1024x64xbf16>
    %convert_element_type3A_422 = arith.truncf %get3A_420 : vector<64x64xf32> to vector<64x64xbf16>
    %dot_general3A_423 = arith.constant dense<0.000000e+00> : vector<1024x64xf32>
    %dot_general3A_424 = tpu.matmul %convert_element_type3A_421, %convert_element_type3A_422, %dot_general3A_423 {dimension_numbers = #tpu.dot_dimension_numbers<[1], [0], [0], [1], [0, 0, 1, 1], [], []>, transpose_lhs_hint = false} : vector<1024x64xbf16>, vector<64x64xbf16>, vector<1024x64xf32> -> vector<1024x64xf32>
    %get3A_425 = arith.constant 2 : index
    %get3A_426 = arith.constant 0 : index
    %get3A_427 = arith.constant 0 : index
    %get3A_428 = vector.load %arg3[%get3A_425, %get3A_426, %get3A_427] : memref<4x64x64xf32, #tpu.memory_space<vmem>>, vector<1x64x64xf32>
    %get3A_429 = vector.shape_cast %get3A_428 : vector<1x64x64xf32> to vector<64x64xf32>
    %convert_element_type3A_430 = arith.truncf %dot_general3A_406 : vector<1024x64xf32> to vector<1024x64xbf16>
    %convert_element_type3A_431 = arith.truncf %get3A_429 : vector<64x64xf32> to vector<64x64xbf16>
    %dot_general3A_432 = arith.constant dense<0.000000e+00> : vector<1024x64xf32>
    %dot_general3A_433 = tpu.matmul %convert_element_type3A_430, %convert_element_type3A_431, %dot_general3A_432 {dimension_numbers = #tpu.dot_dimension_numbers<[1], [0], [0], [1], [0, 0, 1, 1], [], []>, transpose_lhs_hint = false} : vector<1024x64xbf16>, vector<64x64xbf16>, vector<1024x64xf32> -> vector<1024x64xf32>
    %mul3A_434 = arith.mulf %dot_general3A_415, %dot_general3A_415 : vector<1024x64xf32>
    %mul3A_435 = arith.mulf %dot_general3A_424, %dot_general3A_424 : vector<1024x64xf32>
    %add3A_436 = arith.addf %mul3A_434, %mul3A_435 : vector<1024x64xf32>
    %mul3A_437 = arith.mulf %dot_general3A_433, %dot_general3A_433 : vector<1024x64xf32>
    %add3A_438 = arith.addf %add3A_436, %mul3A_437 : vector<1024x64xf32>
    %sqrt3A_439 = math.sqrt %add3A_438 : vector<1024x64xf32>
    %add3A_440 = arith.constant 9.99999997E-7 : f32
    %add3A_441 = vector.broadcast %add3A_440 : f32 to vector<1024x64xf32>
    %add3A_442 = arith.addf %sqrt3A_439, %add3A_441 : vector<1024x64xf32>
    %div3A_443 = arith.divf %dot_general3A_415, %add3A_442 : vector<1024x64xf32>
    %div3A_444 = arith.divf %dot_general3A_424, %add3A_442 : vector<1024x64xf32>
    %div3A_445 = arith.divf %dot_general3A_433, %add3A_442 : vector<1024x64xf32>
    %mul3A_446 = arith.mulf %dot_general3A_388, %div3A_443 : vector<1024x64xf32>
    %mul3A_447 = arith.mulf %dot_general3A_397, %div3A_444 : vector<1024x64xf32>
    %add3A_448 = arith.addf %mul3A_446, %mul3A_447 : vector<1024x64xf32>
    %mul3A_449 = arith.mulf %dot_general3A_406, %div3A_445 : vector<1024x64xf32>
    %add3A_450 = arith.addf %add3A_448, %mul3A_449 : vector<1024x64xf32>
    %min3A_451 = arith.constant 0.000000e+00 : f32
    %min3A_452 = vector.broadcast %min3A_451 : f32 to vector<1024x64xf32>
    %min3A_453 = arith.minimumf %add3A_450, %min3A_452 : vector<1024x64xf32>
    %mul3A_454 = arith.mulf %min3A_453, %div3A_443 : vector<1024x64xf32>
    %sub3A_455 = arith.subf %dot_general3A_388, %mul3A_454 : vector<1024x64xf32>
    %mul3A_456 = arith.mulf %min3A_453, %div3A_444 : vector<1024x64xf32>
    %sub3A_457 = arith.subf %dot_general3A_397, %mul3A_456 : vector<1024x64xf32>
    %mul3A_458 = arith.mulf %min3A_453, %div3A_445 : vector<1024x64xf32>
    %sub3A_459 = arith.subf %dot_general3A_406, %mul3A_458 : vector<1024x64xf32>
    %reduce_sum3A_460 = arith.constant dense<0.000000e+00> : vector<64xf32>
    %reduce_sum3A_461 = vector.multi_reduction <add>, %sub3A_455, %reduce_sum3A_460 [0] : vector<1024x64xf32> to vector<64xf32>
    %broadcast_in_dim3A_462 = vector.shape_cast %reduce_sum3A_461 : vector<64xf32> to vector<1x64xf32>
    %div3A_463 = arith.constant 1.024000e+03 : f32
    %div3A_464 = vector.broadcast %div3A_463 : f32 to vector<1x64xf32>
    %div3A_465 = arith.divf %broadcast_in_dim3A_462, %div3A_464 : vector<1x64xf32>
    %reduce_sum3A_466 = arith.constant dense<0.000000e+00> : vector<64xf32>
    %reduce_sum3A_467 = vector.multi_reduction <add>, %sub3A_457, %reduce_sum3A_466 [0] : vector<1024x64xf32> to vector<64xf32>
    %broadcast_in_dim3A_468 = vector.shape_cast %reduce_sum3A_467 : vector<64xf32> to vector<1x64xf32>
    %div3A_469 = arith.constant 1.024000e+03 : f32
    %div3A_470 = vector.broadcast %div3A_469 : f32 to vector<1x64xf32>
    %div3A_471 = arith.divf %broadcast_in_dim3A_468, %div3A_470 : vector<1x64xf32>
    %reduce_sum3A_472 = arith.constant dense<0.000000e+00> : vector<64xf32>
    %reduce_sum3A_473 = vector.multi_reduction <add>, %sub3A_459, %reduce_sum3A_472 [0] : vector<1024x64xf32> to vector<64xf32>
    %broadcast_in_dim3A_474 = vector.shape_cast %reduce_sum3A_473 : vector<64xf32> to vector<1x64xf32>
    %div3A_475 = arith.constant 1.024000e+03 : f32
    %div3A_476 = vector.broadcast %div3A_475 : f32 to vector<1x64xf32>
    %div3A_477 = arith.divf %broadcast_in_dim3A_474, %div3A_476 : vector<1x64xf32>
    %broadcast_in_dim3A_478 = vector.shape_cast %div3A_465 : vector<1x64xf32> to vector<1x64xf32>
    %broadcast_in_dim3A_479 = vector.broadcast %broadcast_in_dim3A_478 : vector<1x64xf32> to vector<1024x64xf32>
    %concatenate3A_480 = tpu.concatenate %sub3A_455, %broadcast_in_dim3A_479 in 1 : vector<1024x64xf32>, vector<1024x64xf32> -> vector<1024x128xf32>
    %broadcast_in_dim3A_481 = vector.shape_cast %div3A_471 : vector<1x64xf32> to vector<1x64xf32>
    %broadcast_in_dim3A_482 = vector.broadcast %broadcast_in_dim3A_481 : vector<1x64xf32> to vector<1024x64xf32>
    %concatenate3A_483 = tpu.concatenate %sub3A_457, %broadcast_in_dim3A_482 in 1 : vector<1024x64xf32>, vector<1024x64xf32> -> vector<1024x128xf32>
    %broadcast_in_dim3A_484 = vector.shape_cast %div3A_477 : vector<1x64xf32> to vector<1x64xf32>
    %broadcast_in_dim3A_485 = vector.broadcast %broadcast_in_dim3A_484 : vector<1x64xf32> to vector<1024x64xf32>
    %concatenate3A_486 = tpu.concatenate %sub3A_459, %broadcast_in_dim3A_485 in 1 : vector<1024x64xf32>, vector<1024x64xf32> -> vector<1024x128xf32>
    %get3A_487 = arith.constant 2 : index
    %get3A_488 = arith.constant 0 : index
    %get3A_489 = arith.constant 0 : index
    %get3A_490 = vector.load %arg4[%get3A_487, %get3A_488, %get3A_489] : memref<4x128x64xf32, #tpu.memory_space<vmem>>, vector<1x128x64xf32>
    %get3A_491 = vector.shape_cast %get3A_490 : vector<1x128x64xf32> to vector<128x64xf32>
    %convert_element_type3A_492 = arith.truncf %concatenate3A_480 : vector<1024x128xf32> to vector<1024x128xbf16>
    %convert_element_type3A_493 = arith.truncf %get3A_491 : vector<128x64xf32> to vector<128x64xbf16>
    %dot_general3A_494 = arith.constant dense<0.000000e+00> : vector<1024x64xf32>
    %dot_general3A_495 = tpu.matmul %convert_element_type3A_492, %convert_element_type3A_493, %dot_general3A_494 {dimension_numbers = #tpu.dot_dimension_numbers<[1], [0], [0], [1], [0, 0, 1, 1], [], []>, transpose_lhs_hint = false} : vector<1024x128xbf16>, vector<128x64xbf16>, vector<1024x64xf32> -> vector<1024x64xf32>
    %get3A_496 = arith.constant 2 : index
    %get3A_497 = arith.constant 0 : index
    %get3A_498 = arith.constant 0 : index
    %get3A_499 = vector.load %arg4[%get3A_496, %get3A_497, %get3A_498] : memref<4x128x64xf32, #tpu.memory_space<vmem>>, vector<1x128x64xf32>
    %get3A_500 = vector.shape_cast %get3A_499 : vector<1x128x64xf32> to vector<128x64xf32>
    %convert_element_type3A_501 = arith.truncf %concatenate3A_483 : vector<1024x128xf32> to vector<1024x128xbf16>
    %convert_element_type3A_502 = arith.truncf %get3A_500 : vector<128x64xf32> to vector<128x64xbf16>
    %dot_general3A_503 = arith.constant dense<0.000000e+00> : vector<1024x64xf32>
    %dot_general3A_504 = tpu.matmul %convert_element_type3A_501, %convert_element_type3A_502, %dot_general3A_503 {dimension_numbers = #tpu.dot_dimension_numbers<[1], [0], [0], [1], [0, 0, 1, 1], [], []>, transpose_lhs_hint = false} : vector<1024x128xbf16>, vector<128x64xbf16>, vector<1024x64xf32> -> vector<1024x64xf32>
    %get3A_505 = arith.constant 2 : index
    %get3A_506 = arith.constant 0 : index
    %get3A_507 = arith.constant 0 : index
    %get3A_508 = vector.load %arg4[%get3A_505, %get3A_506, %get3A_507] : memref<4x128x64xf32, #tpu.memory_space<vmem>>, vector<1x128x64xf32>
    %get3A_509 = vector.shape_cast %get3A_508 : vector<1x128x64xf32> to vector<128x64xf32>
    %convert_element_type3A_510 = arith.truncf %concatenate3A_486 : vector<1024x128xf32> to vector<1024x128xbf16>
    %convert_element_type3A_511 = arith.truncf %get3A_509 : vector<128x64xf32> to vector<128x64xbf16>
    %dot_general3A_512 = arith.constant dense<0.000000e+00> : vector<1024x64xf32>
    %dot_general3A_513 = tpu.matmul %convert_element_type3A_510, %convert_element_type3A_511, %dot_general3A_512 {dimension_numbers = #tpu.dot_dimension_numbers<[1], [0], [0], [1], [0, 0, 1, 1], [], []>, transpose_lhs_hint = false} : vector<1024x128xbf16>, vector<128x64xbf16>, vector<1024x64xf32> -> vector<1024x64xf32>
    %get3A_514 = arith.constant 2 : index
    %get3A_515 = arith.constant 0 : index
    %get3A_516 = arith.constant 0 : index
    %get3A_517 = vector.load %arg5[%get3A_514, %get3A_515, %get3A_516] : memref<4x64x64xf32, #tpu.memory_space<vmem>>, vector<1x64x64xf32>
    %get3A_518 = vector.shape_cast %get3A_517 : vector<1x64x64xf32> to vector<64x64xf32>
    %convert_element_type3A_519 = arith.truncf %dot_general3A_495 : vector<1024x64xf32> to vector<1024x64xbf16>
    %convert_element_type3A_520 = arith.truncf %get3A_518 : vector<64x64xf32> to vector<64x64xbf16>
    %dot_general3A_521 = arith.constant dense<0.000000e+00> : vector<1024x64xf32>
    %dot_general3A_522 = tpu.matmul %convert_element_type3A_519, %convert_element_type3A_520, %dot_general3A_521 {dimension_numbers = #tpu.dot_dimension_numbers<[1], [0], [0], [1], [0, 0, 1, 1], [], []>, transpose_lhs_hint = false} : vector<1024x64xbf16>, vector<64x64xbf16>, vector<1024x64xf32> -> vector<1024x64xf32>
    %get3A_523 = arith.constant 2 : index
    %get3A_524 = arith.constant 0 : index
    %get3A_525 = arith.constant 0 : index
    %get3A_526 = vector.load %arg5[%get3A_523, %get3A_524, %get3A_525] : memref<4x64x64xf32, #tpu.memory_space<vmem>>, vector<1x64x64xf32>
    %get3A_527 = vector.shape_cast %get3A_526 : vector<1x64x64xf32> to vector<64x64xf32>
    %convert_element_type3A_528 = arith.truncf %dot_general3A_504 : vector<1024x64xf32> to vector<1024x64xbf16>
    %convert_element_type3A_529 = arith.truncf %get3A_527 : vector<64x64xf32> to vector<64x64xbf16>
    %dot_general3A_530 = arith.constant dense<0.000000e+00> : vector<1024x64xf32>
    %dot_general3A_531 = tpu.matmul %convert_element_type3A_528, %convert_element_type3A_529, %dot_general3A_530 {dimension_numbers = #tpu.dot_dimension_numbers<[1], [0], [0], [1], [0, 0, 1, 1], [], []>, transpose_lhs_hint = false} : vector<1024x64xbf16>, vector<64x64xbf16>, vector<1024x64xf32> -> vector<1024x64xf32>
    %get3A_532 = arith.constant 2 : index
    %get3A_533 = arith.constant 0 : index
    %get3A_534 = arith.constant 0 : index
    %get3A_535 = vector.load %arg5[%get3A_532, %get3A_533, %get3A_534] : memref<4x64x64xf32, #tpu.memory_space<vmem>>, vector<1x64x64xf32>
    %get3A_536 = vector.shape_cast %get3A_535 : vector<1x64x64xf32> to vector<64x64xf32>
    %convert_element_type3A_537 = arith.truncf %dot_general3A_513 : vector<1024x64xf32> to vector<1024x64xbf16>
    %convert_element_type3A_538 = arith.truncf %get3A_536 : vector<64x64xf32> to vector<64x64xbf16>
    %dot_general3A_539 = arith.constant dense<0.000000e+00> : vector<1024x64xf32>
    %dot_general3A_540 = tpu.matmul %convert_element_type3A_537, %convert_element_type3A_538, %dot_general3A_539 {dimension_numbers = #tpu.dot_dimension_numbers<[1], [0], [0], [1], [0, 0, 1, 1], [], []>, transpose_lhs_hint = false} : vector<1024x64xbf16>, vector<64x64xbf16>, vector<1024x64xf32> -> vector<1024x64xf32>
    %mul3A_541 = arith.mulf %dot_general3A_522, %dot_general3A_522 : vector<1024x64xf32>
    %mul3A_542 = arith.mulf %dot_general3A_531, %dot_general3A_531 : vector<1024x64xf32>
    %add3A_543 = arith.addf %mul3A_541, %mul3A_542 : vector<1024x64xf32>
    %mul3A_544 = arith.mulf %dot_general3A_540, %dot_general3A_540 : vector<1024x64xf32>
    %add3A_545 = arith.addf %add3A_543, %mul3A_544 : vector<1024x64xf32>
    %sqrt3A_546 = math.sqrt %add3A_545 : vector<1024x64xf32>
    %add3A_547 = arith.constant 9.99999997E-7 : f32
    %add3A_548 = vector.broadcast %add3A_547 : f32 to vector<1024x64xf32>
    %add3A_549 = arith.addf %sqrt3A_546, %add3A_548 : vector<1024x64xf32>
    %div3A_550 = arith.divf %dot_general3A_522, %add3A_549 : vector<1024x64xf32>
    %div3A_551 = arith.divf %dot_general3A_531, %add3A_549 : vector<1024x64xf32>
    %div3A_552 = arith.divf %dot_general3A_540, %add3A_549 : vector<1024x64xf32>
    %mul3A_553 = arith.mulf %dot_general3A_495, %div3A_550 : vector<1024x64xf32>
    %mul3A_554 = arith.mulf %dot_general3A_504, %div3A_551 : vector<1024x64xf32>
    %add3A_555 = arith.addf %mul3A_553, %mul3A_554 : vector<1024x64xf32>
    %mul3A_556 = arith.mulf %dot_general3A_513, %div3A_552 : vector<1024x64xf32>
    %add3A_557 = arith.addf %add3A_555, %mul3A_556 : vector<1024x64xf32>
    %min3A_558 = arith.constant 0.000000e+00 : f32
    %min3A_559 = vector.broadcast %min3A_558 : f32 to vector<1024x64xf32>
    %min3A_560 = arith.minimumf %add3A_557, %min3A_559 : vector<1024x64xf32>
    %mul3A_561 = arith.mulf %min3A_560, %div3A_550 : vector<1024x64xf32>
    %sub3A_562 = arith.subf %dot_general3A_495, %mul3A_561 : vector<1024x64xf32>
    %mul3A_563 = arith.mulf %min3A_560, %div3A_551 : vector<1024x64xf32>
    %sub3A_564 = arith.subf %dot_general3A_504, %mul3A_563 : vector<1024x64xf32>
    %mul3A_565 = arith.mulf %min3A_560, %div3A_552 : vector<1024x64xf32>
    %sub3A_566 = arith.subf %dot_general3A_513, %mul3A_565 : vector<1024x64xf32>
    %get3A_567 = arith.constant 3 : index
    %get3A_568 = arith.constant 0 : index
    %get3A_569 = arith.constant 0 : index
    %get3A_570 = vector.load %arg2[%get3A_567, %get3A_568, %get3A_569] : memref<4x64x64xf32, #tpu.memory_space<vmem>>, vector<1x64x64xf32>
    %get3A_571 = vector.shape_cast %get3A_570 : vector<1x64x64xf32> to vector<64x64xf32>
    %convert_element_type3A_572 = arith.truncf %sub3A_562 : vector<1024x64xf32> to vector<1024x64xbf16>
    %convert_element_type3A_573 = arith.truncf %get3A_571 : vector<64x64xf32> to vector<64x64xbf16>
    %dot_general3A_574 = arith.constant dense<0.000000e+00> : vector<1024x64xf32>
    %dot_general3A_575 = tpu.matmul %convert_element_type3A_572, %convert_element_type3A_573, %dot_general3A_574 {dimension_numbers = #tpu.dot_dimension_numbers<[1], [0], [0], [1], [0, 0, 1, 1], [], []>, transpose_lhs_hint = false} : vector<1024x64xbf16>, vector<64x64xbf16>, vector<1024x64xf32> -> vector<1024x64xf32>
    %get3A_576 = arith.constant 3 : index
    %get3A_577 = arith.constant 0 : index
    %get3A_578 = arith.constant 0 : index
    %get3A_579 = vector.load %arg2[%get3A_576, %get3A_577, %get3A_578] : memref<4x64x64xf32, #tpu.memory_space<vmem>>, vector<1x64x64xf32>
    %get3A_580 = vector.shape_cast %get3A_579 : vector<1x64x64xf32> to vector<64x64xf32>
    %convert_element_type3A_581 = arith.truncf %sub3A_564 : vector<1024x64xf32> to vector<1024x64xbf16>
    %convert_element_type3A_582 = arith.truncf %get3A_580 : vector<64x64xf32> to vector<64x64xbf16>
    %dot_general3A_583 = arith.constant dense<0.000000e+00> : vector<1024x64xf32>
    %dot_general3A_584 = tpu.matmul %convert_element_type3A_581, %convert_element_type3A_582, %dot_general3A_583 {dimension_numbers = #tpu.dot_dimension_numbers<[1], [0], [0], [1], [0, 0, 1, 1], [], []>, transpose_lhs_hint = false} : vector<1024x64xbf16>, vector<64x64xbf16>, vector<1024x64xf32> -> vector<1024x64xf32>
    %get3A_585 = arith.constant 3 : index
    %get3A_586 = arith.constant 0 : index
    %get3A_587 = arith.constant 0 : index
    %get3A_588 = vector.load %arg2[%get3A_585, %get3A_586, %get3A_587] : memref<4x64x64xf32, #tpu.memory_space<vmem>>, vector<1x64x64xf32>
    %get3A_589 = vector.shape_cast %get3A_588 : vector<1x64x64xf32> to vector<64x64xf32>
    %convert_element_type3A_590 = arith.truncf %sub3A_566 : vector<1024x64xf32> to vector<1024x64xbf16>
    %convert_element_type3A_591 = arith.truncf %get3A_589 : vector<64x64xf32> to vector<64x64xbf16>
    %dot_general3A_592 = arith.constant dense<0.000000e+00> : vector<1024x64xf32>
    %dot_general3A_593 = tpu.matmul %convert_element_type3A_590, %convert_element_type3A_591, %dot_general3A_592 {dimension_numbers = #tpu.dot_dimension_numbers<[1], [0], [0], [1], [0, 0, 1, 1], [], []>, transpose_lhs_hint = false} : vector<1024x64xbf16>, vector<64x64xbf16>, vector<1024x64xf32> -> vector<1024x64xf32>
    %get3A_594 = arith.constant 3 : index
    %get3A_595 = arith.constant 0 : index
    %get3A_596 = arith.constant 0 : index
    %get3A_597 = vector.load %arg3[%get3A_594, %get3A_595, %get3A_596] : memref<4x64x64xf32, #tpu.memory_space<vmem>>, vector<1x64x64xf32>
    %get3A_598 = vector.shape_cast %get3A_597 : vector<1x64x64xf32> to vector<64x64xf32>
    %convert_element_type3A_599 = arith.truncf %dot_general3A_575 : vector<1024x64xf32> to vector<1024x64xbf16>
    %convert_element_type3A_600 = arith.truncf %get3A_598 : vector<64x64xf32> to vector<64x64xbf16>
    %dot_general3A_601 = arith.constant dense<0.000000e+00> : vector<1024x64xf32>
    %dot_general3A_602 = tpu.matmul %convert_element_type3A_599, %convert_element_type3A_600, %dot_general3A_601 {dimension_numbers = #tpu.dot_dimension_numbers<[1], [0], [0], [1], [0, 0, 1, 1], [], []>, transpose_lhs_hint = false} : vector<1024x64xbf16>, vector<64x64xbf16>, vector<1024x64xf32> -> vector<1024x64xf32>
    %get3A_603 = arith.constant 3 : index
    %get3A_604 = arith.constant 0 : index
    %get3A_605 = arith.constant 0 : index
    %get3A_606 = vector.load %arg3[%get3A_603, %get3A_604, %get3A_605] : memref<4x64x64xf32, #tpu.memory_space<vmem>>, vector<1x64x64xf32>
    %get3A_607 = vector.shape_cast %get3A_606 : vector<1x64x64xf32> to vector<64x64xf32>
    %convert_element_type3A_608 = arith.truncf %dot_general3A_584 : vector<1024x64xf32> to vector<1024x64xbf16>
    %convert_element_type3A_609 = arith.truncf %get3A_607 : vector<64x64xf32> to vector<64x64xbf16>
    %dot_general3A_610 = arith.constant dense<0.000000e+00> : vector<1024x64xf32>
    %dot_general3A_611 = tpu.matmul %convert_element_type3A_608, %convert_element_type3A_609, %dot_general3A_610 {dimension_numbers = #tpu.dot_dimension_numbers<[1], [0], [0], [1], [0, 0, 1, 1], [], []>, transpose_lhs_hint = false} : vector<1024x64xbf16>, vector<64x64xbf16>, vector<1024x64xf32> -> vector<1024x64xf32>
    %get3A_612 = arith.constant 3 : index
    %get3A_613 = arith.constant 0 : index
    %get3A_614 = arith.constant 0 : index
    %get3A_615 = vector.load %arg3[%get3A_612, %get3A_613, %get3A_614] : memref<4x64x64xf32, #tpu.memory_space<vmem>>, vector<1x64x64xf32>
    %get3A_616 = vector.shape_cast %get3A_615 : vector<1x64x64xf32> to vector<64x64xf32>
    %convert_element_type3A_617 = arith.truncf %dot_general3A_593 : vector<1024x64xf32> to vector<1024x64xbf16>
    %convert_element_type3A_618 = arith.truncf %get3A_616 : vector<64x64xf32> to vector<64x64xbf16>
    %dot_general3A_619 = arith.constant dense<0.000000e+00> : vector<1024x64xf32>
    %dot_general3A_620 = tpu.matmul %convert_element_type3A_617, %convert_element_type3A_618, %dot_general3A_619 {dimension_numbers = #tpu.dot_dimension_numbers<[1], [0], [0], [1], [0, 0, 1, 1], [], []>, transpose_lhs_hint = false} : vector<1024x64xbf16>, vector<64x64xbf16>, vector<1024x64xf32> -> vector<1024x64xf32>
    %mul3A_621 = arith.mulf %dot_general3A_602, %dot_general3A_602 : vector<1024x64xf32>
    %mul3A_622 = arith.mulf %dot_general3A_611, %dot_general3A_611 : vector<1024x64xf32>
    %add3A_623 = arith.addf %mul3A_621, %mul3A_622 : vector<1024x64xf32>
    %mul3A_624 = arith.mulf %dot_general3A_620, %dot_general3A_620 : vector<1024x64xf32>
    %add3A_625 = arith.addf %add3A_623, %mul3A_624 : vector<1024x64xf32>
    %sqrt3A_626 = math.sqrt %add3A_625 : vector<1024x64xf32>
    %add3A_627 = arith.constant 9.99999997E-7 : f32
    %add3A_628 = vector.broadcast %add3A_627 : f32 to vector<1024x64xf32>
    %add3A_629 = arith.addf %sqrt3A_626, %add3A_628 : vector<1024x64xf32>
    %div3A_630 = arith.divf %dot_general3A_602, %add3A_629 : vector<1024x64xf32>
    %div3A_631 = arith.divf %dot_general3A_611, %add3A_629 : vector<1024x64xf32>
    %div3A_632 = arith.divf %dot_general3A_620, %add3A_629 : vector<1024x64xf32>
    %mul3A_633 = arith.mulf %dot_general3A_575, %div3A_630 : vector<1024x64xf32>
    %mul3A_634 = arith.mulf %dot_general3A_584, %div3A_631 : vector<1024x64xf32>
    %add3A_635 = arith.addf %mul3A_633, %mul3A_634 : vector<1024x64xf32>
    %mul3A_636 = arith.mulf %dot_general3A_593, %div3A_632 : vector<1024x64xf32>
    %add3A_637 = arith.addf %add3A_635, %mul3A_636 : vector<1024x64xf32>
    %min3A_638 = arith.constant 0.000000e+00 : f32
    %min3A_639 = vector.broadcast %min3A_638 : f32 to vector<1024x64xf32>
    %min3A_640 = arith.minimumf %add3A_637, %min3A_639 : vector<1024x64xf32>
    %mul3A_641 = arith.mulf %min3A_640, %div3A_630 : vector<1024x64xf32>
    %sub3A_642 = arith.subf %dot_general3A_575, %mul3A_641 : vector<1024x64xf32>
    %mul3A_643 = arith.mulf %min3A_640, %div3A_631 : vector<1024x64xf32>
    %sub3A_644 = arith.subf %dot_general3A_584, %mul3A_643 : vector<1024x64xf32>
    %mul3A_645 = arith.mulf %min3A_640, %div3A_632 : vector<1024x64xf32>
    %sub3A_646 = arith.subf %dot_general3A_593, %mul3A_645 : vector<1024x64xf32>
    %reduce_sum3A_647 = arith.constant dense<0.000000e+00> : vector<64xf32>
    %reduce_sum3A_648 = vector.multi_reduction <add>, %sub3A_642, %reduce_sum3A_647 [0] : vector<1024x64xf32> to vector<64xf32>
    %broadcast_in_dim3A_649 = vector.shape_cast %reduce_sum3A_648 : vector<64xf32> to vector<1x64xf32>
    %div3A_650 = arith.constant 1.024000e+03 : f32
    %div3A_651 = vector.broadcast %div3A_650 : f32 to vector<1x64xf32>
    %div3A_652 = arith.divf %broadcast_in_dim3A_649, %div3A_651 : vector<1x64xf32>
    %reduce_sum3A_653 = arith.constant dense<0.000000e+00> : vector<64xf32>
    %reduce_sum3A_654 = vector.multi_reduction <add>, %sub3A_644, %reduce_sum3A_653 [0] : vector<1024x64xf32> to vector<64xf32>
    %broadcast_in_dim3A_655 = vector.shape_cast %reduce_sum3A_654 : vector<64xf32> to vector<1x64xf32>
    %div3A_656 = arith.constant 1.024000e+03 : f32
    %div3A_657 = vector.broadcast %div3A_656 : f32 to vector<1x64xf32>
    %div3A_658 = arith.divf %broadcast_in_dim3A_655, %div3A_657 : vector<1x64xf32>
    %reduce_sum3A_659 = arith.constant dense<0.000000e+00> : vector<64xf32>
    %reduce_sum3A_660 = vector.multi_reduction <add>, %sub3A_646, %reduce_sum3A_659 [0] : vector<1024x64xf32> to vector<64xf32>
    %broadcast_in_dim3A_661 = vector.shape_cast %reduce_sum3A_660 : vector<64xf32> to vector<1x64xf32>
    %div3A_662 = arith.constant 1.024000e+03 : f32
    %div3A_663 = vector.broadcast %div3A_662 : f32 to vector<1x64xf32>
    %div3A_664 = arith.divf %broadcast_in_dim3A_661, %div3A_663 : vector<1x64xf32>
    %broadcast_in_dim3A_665 = vector.shape_cast %div3A_652 : vector<1x64xf32> to vector<1x64xf32>
    %broadcast_in_dim3A_666 = vector.broadcast %broadcast_in_dim3A_665 : vector<1x64xf32> to vector<1024x64xf32>
    %concatenate3A_667 = tpu.concatenate %sub3A_642, %broadcast_in_dim3A_666 in 1 : vector<1024x64xf32>, vector<1024x64xf32> -> vector<1024x128xf32>
    %broadcast_in_dim3A_668 = vector.shape_cast %div3A_658 : vector<1x64xf32> to vector<1x64xf32>
    %broadcast_in_dim3A_669 = vector.broadcast %broadcast_in_dim3A_668 : vector<1x64xf32> to vector<1024x64xf32>
    %concatenate3A_670 = tpu.concatenate %sub3A_644, %broadcast_in_dim3A_669 in 1 : vector<1024x64xf32>, vector<1024x64xf32> -> vector<1024x128xf32>
    %broadcast_in_dim3A_671 = vector.shape_cast %div3A_664 : vector<1x64xf32> to vector<1x64xf32>
    %broadcast_in_dim3A_672 = vector.broadcast %broadcast_in_dim3A_671 : vector<1x64xf32> to vector<1024x64xf32>
    %concatenate3A_673 = tpu.concatenate %sub3A_646, %broadcast_in_dim3A_672 in 1 : vector<1024x64xf32>, vector<1024x64xf32> -> vector<1024x128xf32>
    %get3A_674 = arith.constant 3 : index
    %get3A_675 = arith.constant 0 : index
    %get3A_676 = arith.constant 0 : index
    %get3A_677 = vector.load %arg4[%get3A_674, %get3A_675, %get3A_676] : memref<4x128x64xf32, #tpu.memory_space<vmem>>, vector<1x128x64xf32>
    %get3A_678 = vector.shape_cast %get3A_677 : vector<1x128x64xf32> to vector<128x64xf32>
    %convert_element_type3A_679 = arith.truncf %concatenate3A_667 : vector<1024x128xf32> to vector<1024x128xbf16>
    %convert_element_type3A_680 = arith.truncf %get3A_678 : vector<128x64xf32> to vector<128x64xbf16>
    %dot_general3A_681 = arith.constant dense<0.000000e+00> : vector<1024x64xf32>
    %dot_general3A_682 = tpu.matmul %convert_element_type3A_679, %convert_element_type3A_680, %dot_general3A_681 {dimension_numbers = #tpu.dot_dimension_numbers<[1], [0], [0], [1], [0, 0, 1, 1], [], []>, transpose_lhs_hint = false} : vector<1024x128xbf16>, vector<128x64xbf16>, vector<1024x64xf32> -> vector<1024x64xf32>
    %get3A_683 = arith.constant 3 : index
    %get3A_684 = arith.constant 0 : index
    %get3A_685 = arith.constant 0 : index
    %get3A_686 = vector.load %arg4[%get3A_683, %get3A_684, %get3A_685] : memref<4x128x64xf32, #tpu.memory_space<vmem>>, vector<1x128x64xf32>
    %get3A_687 = vector.shape_cast %get3A_686 : vector<1x128x64xf32> to vector<128x64xf32>
    %convert_element_type3A_688 = arith.truncf %concatenate3A_670 : vector<1024x128xf32> to vector<1024x128xbf16>
    %convert_element_type3A_689 = arith.truncf %get3A_687 : vector<128x64xf32> to vector<128x64xbf16>
    %dot_general3A_690 = arith.constant dense<0.000000e+00> : vector<1024x64xf32>
    %dot_general3A_691 = tpu.matmul %convert_element_type3A_688, %convert_element_type3A_689, %dot_general3A_690 {dimension_numbers = #tpu.dot_dimension_numbers<[1], [0], [0], [1], [0, 0, 1, 1], [], []>, transpose_lhs_hint = false} : vector<1024x128xbf16>, vector<128x64xbf16>, vector<1024x64xf32> -> vector<1024x64xf32>
    %get3A_692 = arith.constant 3 : index
    %get3A_693 = arith.constant 0 : index
    %get3A_694 = arith.constant 0 : index
    %get3A_695 = vector.load %arg4[%get3A_692, %get3A_693, %get3A_694] : memref<4x128x64xf32, #tpu.memory_space<vmem>>, vector<1x128x64xf32>
    %get3A_696 = vector.shape_cast %get3A_695 : vector<1x128x64xf32> to vector<128x64xf32>
    %convert_element_type3A_697 = arith.truncf %concatenate3A_673 : vector<1024x128xf32> to vector<1024x128xbf16>
    %convert_element_type3A_698 = arith.truncf %get3A_696 : vector<128x64xf32> to vector<128x64xbf16>
    %dot_general3A_699 = arith.constant dense<0.000000e+00> : vector<1024x64xf32>
    %dot_general3A_700 = tpu.matmul %convert_element_type3A_697, %convert_element_type3A_698, %dot_general3A_699 {dimension_numbers = #tpu.dot_dimension_numbers<[1], [0], [0], [1], [0, 0, 1, 1], [], []>, transpose_lhs_hint = false} : vector<1024x128xbf16>, vector<128x64xbf16>, vector<1024x64xf32> -> vector<1024x64xf32>
    %get3A_701 = arith.constant 3 : index
    %get3A_702 = arith.constant 0 : index
    %get3A_703 = arith.constant 0 : index
    %get3A_704 = vector.load %arg5[%get3A_701, %get3A_702, %get3A_703] : memref<4x64x64xf32, #tpu.memory_space<vmem>>, vector<1x64x64xf32>
    %get3A_705 = vector.shape_cast %get3A_704 : vector<1x64x64xf32> to vector<64x64xf32>
    %convert_element_type3A_706 = arith.truncf %dot_general3A_682 : vector<1024x64xf32> to vector<1024x64xbf16>
    %convert_element_type3A_707 = arith.truncf %get3A_705 : vector<64x64xf32> to vector<64x64xbf16>
    %dot_general3A_708 = arith.constant dense<0.000000e+00> : vector<1024x64xf32>
    %dot_general3A_709 = tpu.matmul %convert_element_type3A_706, %convert_element_type3A_707, %dot_general3A_708 {dimension_numbers = #tpu.dot_dimension_numbers<[1], [0], [0], [1], [0, 0, 1, 1], [], []>, transpose_lhs_hint = false} : vector<1024x64xbf16>, vector<64x64xbf16>, vector<1024x64xf32> -> vector<1024x64xf32>
    %get3A_710 = arith.constant 3 : index
    %get3A_711 = arith.constant 0 : index
    %get3A_712 = arith.constant 0 : index
    %get3A_713 = vector.load %arg5[%get3A_710, %get3A_711, %get3A_712] : memref<4x64x64xf32, #tpu.memory_space<vmem>>, vector<1x64x64xf32>
    %get3A_714 = vector.shape_cast %get3A_713 : vector<1x64x64xf32> to vector<64x64xf32>
    %convert_element_type3A_715 = arith.truncf %dot_general3A_691 : vector<1024x64xf32> to vector<1024x64xbf16>
    %convert_element_type3A_716 = arith.truncf %get3A_714 : vector<64x64xf32> to vector<64x64xbf16>
    %dot_general3A_717 = arith.constant dense<0.000000e+00> : vector<1024x64xf32>
    %dot_general3A_718 = tpu.matmul %convert_element_type3A_715, %convert_element_type3A_716, %dot_general3A_717 {dimension_numbers = #tpu.dot_dimension_numbers<[1], [0], [0], [1], [0, 0, 1, 1], [], []>, transpose_lhs_hint = false} : vector<1024x64xbf16>, vector<64x64xbf16>, vector<1024x64xf32> -> vector<1024x64xf32>
    %get3A_719 = arith.constant 3 : index
    %get3A_720 = arith.constant 0 : index
    %get3A_721 = arith.constant 0 : index
    %get3A_722 = vector.load %arg5[%get3A_719, %get3A_720, %get3A_721] : memref<4x64x64xf32, #tpu.memory_space<vmem>>, vector<1x64x64xf32>
    %get3A_723 = vector.shape_cast %get3A_722 : vector<1x64x64xf32> to vector<64x64xf32>
    %convert_element_type3A_724 = arith.truncf %dot_general3A_700 : vector<1024x64xf32> to vector<1024x64xbf16>
    %convert_element_type3A_725 = arith.truncf %get3A_723 : vector<64x64xf32> to vector<64x64xbf16>
    %dot_general3A_726 = arith.constant dense<0.000000e+00> : vector<1024x64xf32>
    %dot_general3A_727 = tpu.matmul %convert_element_type3A_724, %convert_element_type3A_725, %dot_general3A_726 {dimension_numbers = #tpu.dot_dimension_numbers<[1], [0], [0], [1], [0, 0, 1, 1], [], []>, transpose_lhs_hint = false} : vector<1024x64xbf16>, vector<64x64xbf16>, vector<1024x64xf32> -> vector<1024x64xf32>
    %mul3A_728 = arith.mulf %dot_general3A_709, %dot_general3A_709 : vector<1024x64xf32>
    %mul3A_729 = arith.mulf %dot_general3A_718, %dot_general3A_718 : vector<1024x64xf32>
    %add3A_730 = arith.addf %mul3A_728, %mul3A_729 : vector<1024x64xf32>
    %mul3A_731 = arith.mulf %dot_general3A_727, %dot_general3A_727 : vector<1024x64xf32>
    %add3A_732 = arith.addf %add3A_730, %mul3A_731 : vector<1024x64xf32>
    %sqrt3A_733 = math.sqrt %add3A_732 : vector<1024x64xf32>
    %add3A_734 = arith.constant 9.99999997E-7 : f32
    %add3A_735 = vector.broadcast %add3A_734 : f32 to vector<1024x64xf32>
    %add3A_736 = arith.addf %sqrt3A_733, %add3A_735 : vector<1024x64xf32>
    %div3A_737 = arith.divf %dot_general3A_709, %add3A_736 : vector<1024x64xf32>
    %div3A_738 = arith.divf %dot_general3A_718, %add3A_736 : vector<1024x64xf32>
    %div3A_739 = arith.divf %dot_general3A_727, %add3A_736 : vector<1024x64xf32>
    %mul3A_740 = arith.mulf %dot_general3A_682, %div3A_737 : vector<1024x64xf32>
    %mul3A_741 = arith.mulf %dot_general3A_691, %div3A_738 : vector<1024x64xf32>
    %add3A_742 = arith.addf %mul3A_740, %mul3A_741 : vector<1024x64xf32>
    %mul3A_743 = arith.mulf %dot_general3A_700, %div3A_739 : vector<1024x64xf32>
    %add3A_744 = arith.addf %add3A_742, %mul3A_743 : vector<1024x64xf32>
    %min3A_745 = arith.constant 0.000000e+00 : f32
    %min3A_746 = vector.broadcast %min3A_745 : f32 to vector<1024x64xf32>
    %min3A_747 = arith.minimumf %add3A_744, %min3A_746 : vector<1024x64xf32>
    %mul3A_748 = arith.mulf %min3A_747, %div3A_737 : vector<1024x64xf32>
    %sub3A_749 = arith.subf %dot_general3A_682, %mul3A_748 : vector<1024x64xf32>
    %mul3A_750 = arith.mulf %min3A_747, %div3A_738 : vector<1024x64xf32>
    %sub3A_751 = arith.subf %dot_general3A_691, %mul3A_750 : vector<1024x64xf32>
    %mul3A_752 = arith.mulf %min3A_747, %div3A_739 : vector<1024x64xf32>
    %sub3A_753 = arith.subf %dot_general3A_700, %mul3A_752 : vector<1024x64xf32>
    %get3A_754 = arith.constant 0 : index
    %get3A_755 = arith.constant 0 : index
    %get3A_756 = vector.load %arg6[%get3A_754, %get3A_755] : memref<256x64xf32, #tpu.memory_space<vmem>>, vector<256x64xf32>
    %concatenate3A_757 = tpu.concatenate %sub3A_188, %sub3A_375, %sub3A_562, %sub3A_749 in 1 : vector<1024x64xf32>, vector<1024x64xf32>, vector<1024x64xf32>, vector<1024x64xf32> -> vector<1024x256xf32>
    %convert_element_type3A_758 = arith.truncf %concatenate3A_757 : vector<1024x256xf32> to vector<1024x256xbf16>
    %convert_element_type3A_759 = arith.truncf %get3A_756 : vector<256x64xf32> to vector<256x64xbf16>
    %dot_general3A_760 = arith.constant dense<0.000000e+00> : vector<1024x64xf32>
    %dot_general3A_761 = tpu.matmul %convert_element_type3A_758, %convert_element_type3A_759, %dot_general3A_760 {dimension_numbers = #tpu.dot_dimension_numbers<[1], [0], [0], [1], [0, 0, 1, 1], [], []>, transpose_lhs_hint = false} : vector<1024x256xbf16>, vector<256x64xbf16>, vector<1024x64xf32> -> vector<1024x64xf32>
    %swap3A = arith.constant 0 : index
    %swap3A_762 = arith.constant 0 : index
    %swap3A_763 = arith.constant 0 : index
    %swap3A_764 = arith.constant 0 : index
    %swap3A_765 = vector.load %arg7[%swap3A, %swap3A_762, %swap3A_763, %swap3A_764] : memref<1x3x1024x64xf32, #tpu.memory_space<vmem>>, vector<1x1x1024x64xf32>
    %swap3A_766 = vector.shape_cast %swap3A_765 : vector<1x1x1024x64xf32> to vector<1024x64xf32>
    %swap3A_767 = vector.shape_cast %dot_general3A_761 : vector<1024x64xf32> to vector<1x1x1024x64xf32>
    tpu.vector_store %arg7[%swap3A, %swap3A_762, %swap3A_763, %swap3A_764], %swap3A_767 {strides = array<i32>} : memref<1x3x1024x64xf32, #tpu.memory_space<vmem>>, vector<1x1x1024x64xf32>,
    %reduce_sum3A_768 = arith.constant dense<0.000000e+00> : vector<64xf32>
    %reduce_sum3A_769 = vector.multi_reduction <add>, %dot_general3A_761, %reduce_sum3A_768 [0] : vector<1024x64xf32> to vector<64xf32>
    %broadcast_in_dim3A_770 = vector.shape_cast %reduce_sum3A_769 : vector<64xf32> to vector<1x64xf32>
    %div3A_771 = arith.constant 1.024000e+03 : f32
    %div3A_772 = vector.broadcast %div3A_771 : f32 to vector<1x64xf32>
    %div3A_773 = arith.divf %broadcast_in_dim3A_770, %div3A_772 : vector<1x64xf32>
    %swap3A_774 = arith.constant 0 : index
    %swap3A_775 = arith.constant 0 : index
    %swap3A_776 = arith.constant 0 : index
    %swap3A_777 = arith.constant 0 : index
    %swap3A_778 = vector.load %arg8[%swap3A_774, %swap3A_775, %swap3A_776, %swap3A_777] : memref<1x3x1x64xf32, #tpu.memory_space<vmem>>, vector<1x1x1x64xf32>
    %swap3A_779 = vector.shape_cast %swap3A_778 : vector<1x1x1x64xf32> to vector<1x64xf32>
    %swap3A_780 = vector.shape_cast %div3A_773 : vector<1x64xf32> to vector<1x1x1x64xf32>
    tpu.vector_store %arg8[%swap3A_774, %swap3A_775, %swap3A_776, %swap3A_777], %swap3A_780 {strides = array<i32>} : memref<1x3x1x64xf32, #tpu.memory_space<vmem>>, vector<1x1x1x64xf32>,
    %concatenate3A_781 = tpu.concatenate %sub3A_190, %sub3A_377, %sub3A_564, %sub3A_751 in 1 : vector<1024x64xf32>, vector<1024x64xf32>, vector<1024x64xf32>, vector<1024x64xf32> -> vector<1024x256xf32>
    %convert_element_type3A_782 = arith.truncf %concatenate3A_781 : vector<1024x256xf32> to vector<1024x256xbf16>
    %convert_element_type3A_783 = arith.truncf %get3A_756 : vector<256x64xf32> to vector<256x64xbf16>
    %dot_general3A_784 = arith.constant dense<0.000000e+00> : vector<1024x64xf32>
    %dot_general3A_785 = tpu.matmul %convert_element_type3A_782, %convert_element_type3A_783, %dot_general3A_784 {dimension_numbers = #tpu.dot_dimension_numbers<[1], [0], [0], [1], [0, 0, 1, 1], [], []>, transpose_lhs_hint = false} : vector<1024x256xbf16>, vector<256x64xbf16>, vector<1024x64xf32> -> vector<1024x64xf32>
    %swap3A_786 = arith.constant 0 : index
    %swap3A_787 = arith.constant 1 : index
    %swap3A_788 = arith.constant 0 : index
    %swap3A_789 = arith.constant 0 : index
    %swap3A_790 = vector.load %arg7[%swap3A_786, %swap3A_787, %swap3A_788, %swap3A_789] : memref<1x3x1024x64xf32, #tpu.memory_space<vmem>>, vector<1x1x1024x64xf32>
    %swap3A_791 = vector.shape_cast %swap3A_790 : vector<1x1x1024x64xf32> to vector<1024x64xf32>
    %swap3A_792 = vector.shape_cast %dot_general3A_785 : vector<1024x64xf32> to vector<1x1x1024x64xf32>
    tpu.vector_store %arg7[%swap3A_786, %swap3A_787, %swap3A_788, %swap3A_789], %swap3A_792 {strides = array<i32>} : memref<1x3x1024x64xf32, #tpu.memory_space<vmem>>, vector<1x1x1024x64xf32>,
    %reduce_sum3A_793 = arith.constant dense<0.000000e+00> : vector<64xf32>
    %reduce_sum3A_794 = vector.multi_reduction <add>, %dot_general3A_785, %reduce_sum3A_793 [0] : vector<1024x64xf32> to vector<64xf32>
    %broadcast_in_dim3A_795 = vector.shape_cast %reduce_sum3A_794 : vector<64xf32> to vector<1x64xf32>
    %div3A_796 = arith.constant 1.024000e+03 : f32
    %div3A_797 = vector.broadcast %div3A_796 : f32 to vector<1x64xf32>
    %div3A_798 = arith.divf %broadcast_in_dim3A_795, %div3A_797 : vector<1x64xf32>
    %swap3A_799 = arith.constant 0 : index
    %swap3A_800 = arith.constant 1 : index
    %swap3A_801 = arith.constant 0 : index
    %swap3A_802 = arith.constant 0 : index
    %swap3A_803 = vector.load %arg8[%swap3A_799, %swap3A_800, %swap3A_801, %swap3A_802] : memref<1x3x1x64xf32, #tpu.memory_space<vmem>>, vector<1x1x1x64xf32>
    %swap3A_804 = vector.shape_cast %swap3A_803 : vector<1x1x1x64xf32> to vector<1x64xf32>
    %swap3A_805 = vector.shape_cast %div3A_798 : vector<1x64xf32> to vector<1x1x1x64xf32>
    tpu.vector_store %arg8[%swap3A_799, %swap3A_800, %swap3A_801, %swap3A_802], %swap3A_805 {strides = array<i32>} : memref<1x3x1x64xf32, #tpu.memory_space<vmem>>, vector<1x1x1x64xf32>,
    %concatenate3A_806 = tpu.concatenate %sub3A_192, %sub3A_379, %sub3A_566, %sub3A_753 in 1 : vector<1024x64xf32>, vector<1024x64xf32>, vector<1024x64xf32>, vector<1024x64xf32> -> vector<1024x256xf32>
    %convert_element_type3A_807 = arith.truncf %concatenate3A_806 : vector<1024x256xf32> to vector<1024x256xbf16>
    %convert_element_type3A_808 = arith.truncf %get3A_756 : vector<256x64xf32> to vector<256x64xbf16>
    %dot_general3A_809 = arith.constant dense<0.000000e+00> : vector<1024x64xf32>
    %dot_general3A_810 = tpu.matmul %convert_element_type3A_807, %convert_element_type3A_808, %dot_general3A_809 {dimension_numbers = #tpu.dot_dimension_numbers<[1], [0], [0], [1], [0, 0, 1, 1], [], []>, transpose_lhs_hint = false} : vector<1024x256xbf16>, vector<256x64xbf16>, vector<1024x64xf32> -> vector<1024x64xf32>
    %swap3A_811 = arith.constant 0 : index
    %swap3A_812 = arith.constant 2 : index
    %swap3A_813 = arith.constant 0 : index
    %swap3A_814 = arith.constant 0 : index
    %swap3A_815 = vector.load %arg7[%swap3A_811, %swap3A_812, %swap3A_813, %swap3A_814] : memref<1x3x1024x64xf32, #tpu.memory_space<vmem>>, vector<1x1x1024x64xf32>
    %swap3A_816 = vector.shape_cast %swap3A_815 : vector<1x1x1024x64xf32> to vector<1024x64xf32>
    %swap3A_817 = vector.shape_cast %dot_general3A_810 : vector<1024x64xf32> to vector<1x1x1024x64xf32>
    tpu.vector_store %arg7[%swap3A_811, %swap3A_812, %swap3A_813, %swap3A_814], %swap3A_817 {strides = array<i32>} : memref<1x3x1024x64xf32, #tpu.memory_space<vmem>>, vector<1x1x1024x64xf32>,
    %reduce_sum3A_818 = arith.constant dense<0.000000e+00> : vector<64xf32>
    %reduce_sum3A_819 = vector.multi_reduction <add>, %dot_general3A_810, %reduce_sum3A_818 [0] : vector<1024x64xf32> to vector<64xf32>
    %broadcast_in_dim3A_820 = vector.shape_cast %reduce_sum3A_819 : vector<64xf32> to vector<1x64xf32>
    %div3A_821 = arith.constant 1.024000e+03 : f32
    %div3A_822 = vector.broadcast %div3A_821 : f32 to vector<1x64xf32>
    %div3A_823 = arith.divf %broadcast_in_dim3A_820, %div3A_822 : vector<1x64xf32>
    %swap3A_824 = arith.constant 0 : index
    %swap3A_825 = arith.constant 2 : index
    %swap3A_826 = arith.constant 0 : index
    %swap3A_827 = arith.constant 0 : index
    %swap3A_828 = vector.load %arg8[%swap3A_824, %swap3A_825, %swap3A_826, %swap3A_827] : memref<1x3x1x64xf32, #tpu.memory_space<vmem>>, vector<1x1x1x64xf32>
    %swap3A_829 = vector.shape_cast %swap3A_828 : vector<1x1x1x64xf32> to vector<1x64xf32>
    %swap3A_830 = vector.shape_cast %div3A_823 : vector<1x64xf32> to vector<1x1x1x64xf32>
    tpu.vector_store %arg8[%swap3A_824, %swap3A_825, %swap3A_826, %swap3A_827], %swap3A_830 {strides = array<i32>} : memref<1x3x1x64xf32, #tpu.memory_space<vmem>>, vector<1x1x1x64xf32>,
    return
  }
  func.func @transform_0(%arg0: i32) -> (i32, i32, i32, i32) {
    %c0_i32 = arith.constant 0 : i32
    %c0_i32_0 = arith.constant 0 : i32
    %c0_i32_1 = arith.constant 0 : i32
    %c0_i32_2 = arith.constant 0 : i32
    return %arg0, %c0_i32, %c0_i32_0, %c0_i32_1 : i32, i32, i32, i32
  }
  func.func @transform_1(%arg0: i32) -> (i32, i32, i32) {
    %c0_i32 = arith.constant 0 : i32
    %c0_i32_0 = arith.constant 0 : i32
    %c0_i32_1 = arith.constant 0 : i32
    %c0_i32_2 = arith.constant 0 : i32
    return %c0_i32, %c0_i32_0, %c0_i32_1 : i32, i32, i32
  }
  func.func @transform_2(%arg0: i32) -> (i32, i32, i32) {
    %c0_i32 = arith.constant 0 : i32
    %c0_i32_0 = arith.constant 0 : i32
    %c0_i32_1 = arith.constant 0 : i32
    %c0_i32_2 = arith.constant 0 : i32
    return %c0_i32, %c0_i32_0, %c0_i32_1 : i32, i32, i32
  }
  func.func @transform_3(%arg0: i32) -> (i32, i32, i32) {
    %c0_i32 = arith.constant 0 : i32
    %c0_i32_0 = arith.constant 0 : i32
    %c0_i32_1 = arith.constant 0 : i32
    %c0_i32_2 = arith.constant 0 : i32
    return %c0_i32, %c0_i32_0, %c0_i32_1 : i32, i32, i32
  }
  func.func @transform_4(%arg0: i32) -> (i32, i32, i32) {
    %c0_i32 = arith.constant 0 : i32
    %c0_i32_0 = arith.constant 0 : i32
    %c0_i32_1 = arith.constant 0 : i32
    %c0_i32_2 = arith.constant 0 : i32
    return %c0_i32, %c0_i32_0, %c0_i32_1 : i32, i32, i32
  }
  func.func @transform_5(%arg0: i32) -> (i32, i32) {
    %c0_i32 = arith.constant 0 : i32
    %c0_i32_0 = arith.constant 0 : i32
    %c0_i32_1 = arith.constant 0 : i32
    return %c0_i32, %c0_i32_0 : i32, i32
  }
  func.func @transform_6(%arg0: i32) -> (i32, i32, i32, i32) {
    %c0_i32 = arith.constant 0 : i32
    %c0_i32_0 = arith.constant 0 : i32
    %c0_i32_1 = arith.constant 0 : i32
    %c0_i32_2 = arith.constant 0 : i32
    return %arg0, %c0_i32, %c0_i32_0, %c0_i32_1 : i32, i32, i32, i32
  }
  func.func @transform_7(%arg0: i32) -> (i32, i32, i32, i32) {
    %c0_i32 = arith.constant 0 : i32
    %c0_i32_0 = arith.constant 0 : i32
    %c0_i32_1 = arith.constant 0 : i32
    %c0_i32_2 = arith.constant 0 : i32
    return %arg0, %c0_i32, %c0_i32_0, %c0_i32_1 : i32, i32, i32, i32
  }
}

</mosaic_0001>

<sc_bundles>
// kernel: kernel.10.cloned.1.call-start
scs
__scs_entry_jumppad:
0x0: {  	(pc) =	sbr.rel $0x88, $3  }
0x1: {  	(tag) =	ssettag $0x0;
	lr =	simm.s32 $0x1  }
0x2: {  	[smem:$0x3F99] =	sst lr;
	_ =	strace $0xD0000000  }
0x3: {  	_ = 	snop  }
0x4: {  	_ = 	snop  }
0x5: {  	_ = 	snop  }
0x6: {  	_ = 	snop  }
0x7: {  	_ = 	snop  }
__scs_overlays_trampoline_lowered:
0x8: {  	[smem:$0x3FA8] =	sst s0  }
0x9: {  	[smem:$0x3FA9] =	sst s1  }
0xa: {  	[smem:$0x3FAA] =	sst s2  }
0xb: {  	[smem:$0x3FAB] =	sst s3  }
0xc: {  	[smem:$0x3FAC] =	sst s4  }
0xd: {  	[smem:$0x3FAD] =	sst s5  }
0xe: {  	[smem:$0x3FAE] =	sst s6  }
0xf: {  	[smem:$0x3FAF] =	sst s7  }
0x10: {  	[smem:$0x3FB0] =	sst s8  }
0x11: {  	[smem:$0x3FB1] =	sst s9;
	s0 =	simm.s32 @!p0 $0x0  }
0x12: {  	s1 =	sld [smem:$0x3F97];
	s0 =	simm.s32 @p0 $0x1  }
0x13: {  	[smem:$0x3FB2] =	sst s0;
	s0 =	simm.s32 @!p1 $0x0  }
0x14: {  	s2 =	sld [smem:$0x3F96];
	s0 =	simm.s32 @p1 $0x1  }
0x15: {  	[smem:$0x3FB3] =	sst s0;
	s0 =	simm.s32 @!p2 $0x0  }
0x16: {  	s3 =	sld [smem:$0x3FDB];
	s0 =	simm.s32 @p2 $0x1  }
0x17: {  	s4 =	simm.s32 $0x1BF5;
	[smem:$0x3FB5] =	sst s0  }
0x18: {  	s0 =	sld [smem:$0x3F98];
	_ =	swait.ge [sflag:s4], $0x0  }
0x19: {  	s7 =	sld [smem:$0x3F99]  }
0x1a: {  	s8 =	sadd.s32 $0xFFFFE003, lr  }
0x1b: {  	s9 =	sadd.s32 $0xFFFFFEF7, lr;
	s5 =	simm.s32 $0xFFFFFFFF;
	p2 =	slt.u32 s8, $0xFFFFF086  }
0x1c: {  	p1 =	slt.u32 s9, $0xF7A;
	s5 =	simm.s32 @!p2 $0x0  }
0x1d: {  	s5 =	simm.s32 @p1 $0x1;
	p0 =	seq.s32 s7, s2  }
0x1e: {  	s7 =	smul.u32 @!p0 $0xF7A, s2;
	p2 =	seq.s32 @!p0 s5, $0x0  }
0x1f: {  	s9 =	smul.u32 $0xF7A, s1;
	s8 =	simm.s32 @!p0 $0x1BF5;
	p2 =	por !p2, p0  }
0x20: {  	[sflag:s8] =	ssyncset.s32 @!p0 $0xFFFFF086;
	s6 =	sadd.s32 @!p0 s3, s7;
	s7 =	simm.s32 @!p0 $0x108  }
0x21: {  	s3 =	sadd.s32 s3, s9;
	s6 =	sadd.s32 @!p0 $0x88, s6;
	s7 =	simm.s32 @p2 $0x1082  }
0x22: {  	[simem:s7], [sflag:s8] =	dma.local @!p0 [hbm:s6], $0xF7A  }
0x23: {  	s9 =	sor.u32 $0xD0000000, s2;
	s6 =	simm.s32 $0x108;
	_ =	swait.ge @!p0 [sflag:s8], $0x0  }
0x24: {  	s3 =	sadd.s32 $0x88, s3;
	s6 =	simm.s32 @!p1 $0x1082;
	[sflag:s4] =	ssyncset.s32 $0xFFFFF086  }
0x25: {  	[simem:s6], [sflag:s4] =	dma.local [hbm:s3], $0xF7A  }
0x26: {  	[smem:$0x3F99] =	sst s1;
	(tag) =	ssettag s2;
	_ =	strace s9  }
0x27: {  	s1 =	sld [smem:$0x3FA9]  }
0x28: {  	s2 =	sld [smem:$0x3FAA]  }
0x29: {  	s4 =	sld [smem:$0x3FAC]  }
0x2a: {  	p0 =	seq.s32 s5, $0x0;
	s5 =	sld [smem:$0x3FAD]  }
0x2b: {  	s6 =	sld [smem:$0x3FAE]  }
0x2c: {  	s7 =	sld [smem:$0x3FAF]  }
0x2d: {  	s3 =	simm.s32 $0x108;
	s8 =	sld [smem:$0x3FB0]  }
0x2e: {  	s3 =	simm.s32 @!p0 $0x1082;
	s9 =	sld [smem:$0x3FB1]  }
0x2f: {  	lr =	sadd.s32 s0, s3;
	s0 =	sld [smem:$0x3FA8]  }
0x30: {  	s3 =	sld [smem:$0x3FAB]  }
0x31: {  	[smem:$0x3FB4] =	sst s10  }
0x32: {  	s10 =	sld [smem:$0x3FB2];
	_ =	sdelay $0x3  }
0x33: {  	p0 =	seq.s32 s10, $0x1;
	s10 =	sld [smem:$0x3FB4];
	_ =	sdelay $0x3  }
0x34: {  	[smem:$0x3FB4] =	sst s10  }
0x35: {  	s10 =	sld [smem:$0x3FB3];
	_ =	sdelay $0x3  }
0x36: {  	p1 =	seq.s32 s10, $0x1;
	s10 =	sld [smem:$0x3FB4];
	_ =	sdelay $0x3  }
0x37: {  	[smem:$0x3FB4] =	sst s10  }
0x38: {  	s10 =	sld [smem:$0x3FB5]  }
0x39: {  	_ = 	snop;
	(pc) =	sbr.ind lr, $3  }
0x3a: {  	_ = 	snop  }
0x3b: {  	_ = 	snop  }
0x3c: {  	p2 =	seq.s32 s10, $0x1;
	s10 =	sld [smem:$0x3FB4]  }
0x3d: {  	_ =	shalt  }
0x3e: {  	_ =	shalt  }
0x3f: {  	_ =	shalt  }
0x40: {  	_ =	shalt  }
0x41: {  	_ =	shalt  }
0x42: {  	_ =	shalt  }
0x43: {  	_ =	shalt  }
0x44: {  	_ =	shalt  }
0x45: {  	_ =	shalt  }
0x46: {  	_ =	shalt  }
0x47: {  	_ =	shalt  }
0x48: {  	_ =	shalt  }
0x49: {  	_ =	shalt  }
0x4a: {  	_ =	shalt  }
0x4b: {  	_ =	shalt  }
0x4c: {  	_ =	shalt  }
0x4d: {  	_ =	shalt  }
0x4e: {  	_ =	shalt  }
0x4f: {  	_ =	shalt  }
0x50: {  	_ =	shalt  }
0x51: {  	_ =	shalt  }
0x52: {  	_ =	shalt  }
0x53: {  	_ =	shalt  }
0x54: {  	_ =	shalt  }
0x55: {  	_ =	shalt  }
0x56: {  	_ =	shalt  }
0x57: {  	_ =	shalt  }
0x58: {  	_ =	shalt  }
0x59: {  	_ =	shalt  }
0x5a: {  	_ =	shalt  }
0x5b: {  	_ =	shalt  }
0x5c: {  	_ =	shalt  }
0x5d: {  	_ =	shalt  }
0x5e: {  	_ =	shalt  }
0x5f: {  	_ =	shalt  }
0x60: {  	_ =	shalt  }
0x61: {  	_ =	shalt  }
0x62: {  	_ =	shalt  }
0x63: {  	_ =	shalt  }
0x64: {  	_ =	shalt  }
0x65: {  	_ =	shalt  }
0x66: {  	_ =	shalt  }
0x67: {  	_ =	shalt  }
0x68: {  	_ =	shalt  }
0x69: {  	_ =	shalt  }
0x6a: {  	_ =	shalt  }
0x6b: {  	_ =	shalt  }
0x6c: {  	_ =	shalt  }
0x6d: {  	_ =	shalt  }
0x6e: {  	_ =	shalt  }
0x6f: {  	_ =	shalt  }
0x70: {  	_ =	shalt  }
0x71: {  	_ =	shalt  }
0x72: {  	_ =	shalt  }
0x73: {  	_ =	shalt  }
0x74: {  	_ =	shalt  }
0x75: {  	_ =	shalt  }
0x76: {  	_ =	shalt  }
0x77: {  	_ =	shalt  }
0x78: {  	_ =	shalt  }
0x79: {  	_ =	shalt  }
0x7a: {  	_ =	shalt  }
0x7b: {  	_ =	shalt  }
0x7c: {  	_ =	shalt  }
0x7d: {  	_ =	shalt  }
0x7e: {  	_ =	shalt  }
0x7f: {  	_ =	shalt  }
0x80: {  	_ =	shalt  }
0x81: {  	_ =	shalt  }
0x82: {  	_ =	shalt  }
0x83: {  	_ =	shalt  }
0x84: {  	_ =	shalt  }
0x85: {  	_ =	shalt  }
0x86: {  	_ =	shalt  }
0x87: {  	_ =	shalt  }
.Lfunc_end0:
.L_simem_size_0:
called_computation.1_lowered:
.L_overlay_start_0:
0x88: {  	s2 =	sld [smem:$0x3FD9]  }
0x89: {  	s3 =	sld [smem:$0x3FFE];
	_ =	sdelay $0x1  }
0x8a: {  	s1 =	srdreg.scid  }
0x8b: {  	s0 =	sand.u32 $0x1, s1  }
0x8c: {  	s15 =	sshll.u32 s0, $0xA;
	s2 =	sadd.s32 s3, s2  }
0x8d: {  	s2 =	sadd.s32 s2, s15  }
0x8e: {  	[smem:$0x3FC0] =	sst s2  }
0x8f: {  	_ = 	snop  }
0x90: {  	s2 =	sld [smem:$0x3FD0];
	_ =	sdelay $0x2  }
0x91: {  	s16 =	simm.s32 $0xB;
	s4 =	simm.s32 $0x10  }
0x92: {  	[smem:s4], [sflag:s16] =	dma.local [hbm:s2], $0x1  }
0x93: {  	_ =	swait.eq [sflag:s16], $0x1  }
0x94: {  	[sflag:s16] =	ssyncset.done $0x0  }
0x95: {  	[sflag:s16] =	ssyncadd.s32 $0xFFFFFFFF  }
0x96: {  	s17 =	sld [smem:$0x11];
	(tm) =	ssettm $0x1  }
0x97: {  	s18 =	sld [smem:$0x3FFB];
	_ =	sdelay $0x3  }
0x98: {  	_ =	strace s18  }
0x99: {  	s2 =	sld [smem:$0x3FFC];
	_ =	sdelay $0x3  }
0x9a: {  	_ =	strace s2  }
0x9b: {  	s2 =	sld [smem:$0x3FFD];
	_ =	sdelay $0x3  }
0x9c: {  	_ =	strace s2  }
0x9d: {  	_ =	strace $0x8FFFFFFF  }
0x9e: {  	s19 =	sld [smem:$0x3FDB];
	_ =	sdelay $0x1  }
0x9f: {  	s20 =	simm.s32 $_scs_section_size  }
0xa0: {  	s5 =	simm.s32 $_size__tile_overlayer_lowered;
	s6 =	simm.s32 $_tile_overlayer_lowered  }
0xa1: {  	s7 =	simm.s32 $0x1BFF;
	s21 =	sshll.u32 s6, $0x1;
	s4 =	sadd.s32 s20, s19  }
0xa2: {  	s22 =	simm.s32 $0x0;
	s5 =	sshll.u32 s5, $0x1;
	s6 =	sadd.s32 s21, s4  }
0xa3: {  	[timem:s22], [sflag:s7] =	dma.local [hbm:s6], s5  }
0xa4: {  	_ =	swait.ge [sflag:s7], s5  }
0xa5: {  	s5 =	ssub.s32 $0x0, s5;
	[sflag:s7] =	ssyncset.done $0x0  }
0xa6: {  	[sflag:s7] =	ssyncadd.s32 s5;
	_ =	sdelay $0x1  }
0xa7: {  	s23 =	simm.s32 $0x1B8B  }
0xa8: {  	_ =	swait.ge [sflag:s23], $0x1  }
0xa9: {  	[sflag:s23] =	ssyncset.done $0x0  }
0xaa: {  	[sflag:s23] =	ssyncadd.s32 $0xFFFFFFFF  }
0xab: {  	s5 =	sld [smem:$0x0]  }
0xac: {  	s6 =	sand.u32 $0xFFFFFFFE, s1  }
0xad: {  	p0 =	sne.s32 s1, s6  }
0xae: {  	s6 =	sshll.u32 @p0 s6, $0xE  }
0xaf: {  	s6 =	sadd.s32 @p0 $0x11B8D, s6;
	s7 =	sshll.u32 @p0 s5, $0x11  }
0xb0: {  	s6 =	sor.u32 @p0 s7, s6  }
0xb1: {  	[sflag:s6] =	ssyncadd.remote.s32 @p0 $0x1;
	_ =	sdelay $0x1  }
0xb2: {  	s6 =	simm.s32 @p0 $0x1B8D  }
0xb3: {  	_ =	swait.eq @p0 [sflag:s6], $0x1  }
0xb4: {  	[sflag:s6] =	ssyncadd.s32 @p0 $0xFFFFFFFF  }
0xb5: {  	s7 =	sshll.u32 @!p0 s1, $0xE  }
0xb6: {  	s7 =	sor.u32 @!p0 $0x4000, s7;
	s6 =	simm.s32 @!p0 $0x1B8D  }
0xb7: {  	s5 =	sshll.u32 @!p0 s5, $0x11;
	s7 =	sadd.s32 @!p0 $0x11B8D, s7;
	_ =	swait.eq @!p0 [sflag:s6], $0x1  }
0xb8: {  	s5 =	sor.u32 @!p0 s5, s7;
	[sflag:s6] =	ssyncadd.s32 @!p0 $0xFFFFFFFF  }
0xb9: {  	s25 =	simm.s32 $0x1B8E;
	s24 =	sld [smem:$0x3FFE];
	[sflag:s5] =	ssyncadd.remote.s32 @!p0 $0x1  }
0xba: {  	s26 =	simm.s32 $execute0_lowered;
	[smem:$0x3FD2] =	sst s25  }
0xbb: {  	s6 =	sshll.u32 s26, $0x1;
	_ =	strace $0x80000049;
	[dreg:$0x1] =	wrdreg $0xFFFFFFFF  }
0xbc: {  	s28 =	simm.s32 $_size_execute0_lowered;
	s4 =	sadd.s32 s4, s6;
	[dreg:$0x0] =	wrdreg $0x0  }
0xbd: {  	s6 =	sshll.u32 s28, $0x1;
	[dreg:$0x2] =	wrdreg s4  }
0xbe: {  	[dreg:$0x3] =	wrdreg s6  }
0xbf: {  	[dreg:$0x4] =	wrdreg $0xC0  }
0xc0: {  	_ =	task [dreg:s22], $0x5FFFF  }
0xc1: {  	[dreg:$0x1] =	wrdreg $0xFFFFFFFF  }
0xc2: {  	[dreg:$0x0] =	wrdreg $0x60  }
0xc3: {  	[dreg:$0x2] =	wrdreg s17  }
0xc4: {  	[dreg:$0x3] =	wrdreg s24  }
0xc5: {  	[dreg:$0x4] =	wrdreg $0xA  }
0xc6: {  	_ =	task.clear_ibuf [dreg:s22], $0x5FFFF;
	_ =	strace $0x90000049  }
0xc7: {  	s29 =	simm.s32 $0xA;
	_ =	strace $0x8000004B  }
0xc8: {  	_ =	swait.ge [sflag:s29], $0x1  }
0xc9: {  	[sflag:s29] =	ssyncadd.s32 $0xFFFFFFFF  }
0xca: {  	_ =	strace $0x9000004B  }
0xcb: {  	_ =	sfence  }
0xcc: {  	s30 =	sld [smem:$0x0];
	_ =	sdelay $0x2  }
0xcd: {  	s31 =	sshll.u32 s1, $0xD;
	s1 =	sshrl.u32 s1, $0x2  }
0xce: {  	s4 =	sand.u32 $0x4000, s31;
	s1 =	sadd.s32 s1, s30  }
0xcf: {  	s0 =	sor.u32 s4, s0;
	s1 =	sshll.u32 s1, $0x11  }
0xd0: {  	s0 =	sor.u32 s1, s0  }
0xd1: {  	s0 =	sadd.s32 $0x8F2B, s0  }
0xd2: {  	[sflag:s0] =	ssyncadd.remote.s32 $0x1  }
0xd3: {  	_ =	sfence.sel $0xFFFF  }
0xd4: {  	[dreg:$0x0] =	wrdreg $0xFFFFFFFF;
	(pc) =	sbr.abs _section_cstart, $3  }
0xd5: {  	[dreg:$0x1] =	wrdreg $0xFFFFFFFF  }
0xd6: {  	_ =	task.clear_ibuf [dreg:s22], $0x2FFFF;
	_ =	strace $0x9FFFFFFF  }
0xd7: {  	(tm) =	ssettm $0x7FFFFFFF  }
tec
execute0_lowered:
.L_overlay_start_1:
0x0: {  	(tag) =	ssettag $0x1  }
0x1: {  	s1 =	srdreg.scid  }
0x2: {  	s0 =	stileid.u32;
	s5 =	rddreg [dreg:$0x0]  }
0x3: {  	s4 =	rddreg [dreg:$0x1];
	s20 =	simm.s32 $0x1000;
	s21 =	simm.s32 $0x100  }
0x4: {  	s23 =	simm.s32 $0x1800;
	s24 =	simm.s32 $0x180;
	s25 =	simm.s32 $0x2000  }
0x5: {  	s26 =	simm.s32 $0x200;
	s7 =	simm.s32 $0x80;
	s11 =	simm.s32 $0x300  }
0x6: {  	s12 =	simm.s32 $0x3800;
	s13 =	simm.s32 $0x380;
	s14 =	simm.s32 $0x4000  }
0x7: {  	s15 =	simm.s32 $0x400;
	s16 =	simm.s32 $0x4800;
	s17 =	simm.s32 $0x480  }
0x8: {  	s18 =	simm.s32 $0x5000;
	p0 =	por $0x0, $0x0;
	s1 =	sand.u32 $0x1, s1  }
0x9: {  	s28 =	simm.s32 $0x700;
	s2 =	sshll.u32 s0, $0xC;
	s3 =	sshll.u32 s1, $0xB  }
0xa: {  	s29 =	simm.s32 $0x7800;
	s3 =	sor.u32 s3, s2;
	s2 =	simm.s32 $0x0  }
0xb: {  	s30 =	simm.s32 $0x780;
	s31 =	simm.s32 $0x8000;
	[smem:$0x7FF] =	sst s2  }
0xc: {  	s1 =	ssub.s32 $0x2, s1;
	_ =	strace $0x8000004A;
	[dreg:$0x5] =	wrdreg s20  }
0xd: {  	s22 =	sshrl.u32 s1, $0x1;
	s6 =	sshrl.u32 s3, $0x3;
	[dreg:$0x6] =	wrdreg s21  }
0xe: {  	s3 =	sshll.u32 s3, $0x1;
	s1 =	ssub.s32 s1, s22;
	[dreg:$0x7] =	wrdreg s23  }
0xf: {  	s22 =	simm.s32 $0x6000;
	s6 =	sadd.s32 s6, s4;
	[dreg:$0x8] =	wrdreg s24  }
0x10: {  	s3 =	sadd.s32 s3, s4;
	s1 =	smax.u32 s1, $0x1;
	[dreg:$0x9] =	wrdreg s25  }
0x11: {  	s4 =	simm.s32 $0x800;
	[dreg:$0xa] =	wrdreg s26;
	p1 =	sne.s32 s1, $0x1  }
.Ltmp0:
0x12: {  	s20 =	simm.s32 $0x5800;
	s21 =	simm.s32 $0x580;
	(pc) =	sbr.rel @!p1 .LBB2_3-.Ltmp0, $4  }
0x13: {  	s23 =	simm.s32 $0x600;
	s24 =	simm.s32 $0x6800;
	s25 =	simm.s32 $0x680  }
0x14: {  	s26 =	simm.s32 $0x7000;
	s19 =	sadd.s32 $0x23800, s6;
	s3 =	sadd.s32 $0x25800, s3  }
0x15: {  	s8 =	sadd.s32 $0xFFFFFFFF, s1;
	s6 =	simm.s32 $0x1;
	[dreg:$0x3] =	wrdreg s19  }
0x16: {  	[dreg:$0x4] =	wrdreg s3;
	s3 =	simm.s32 $0x2;
	s19 =	simm.s32 $0x500  }
0x17: {  	s0 =	rddreg [dreg:$0x3]  }
0x18: {  	[tilespmem:s2], [sflag:$0x2] =	stream.linear.gather [hbm4b:s0+s2], $0x800, $0x38;
	[tilespmem:$0x8800] =	vst v63  }
0x19: {  	_ =	swait.ge [sflag:s3], $0x800  }
0x1a: {  	s10 =	rddreg [dreg:$0x6]  }
0x1b: {  	s1 =	rddreg [dreg:$0x5]  }
0x1c: {  	s0 =	rddreg [dreg:$0x7]  }
0x1d: {  	[sflag:s3] =	ssyncset.done $0x0;
	[dreg:$0xb] =	wrdreg s10  }
0x1e: {  	[sflag:s3] =	ssyncadd.s32 $0xFFFFF800;
	s10 =	rddreg [dreg:$0x9]  }
0x1f: {  	[tilespmem:s4], [sflag:$0x1] =	stream.indirect.gather [hbm4b:s5+s7], $0x10, s2, s7, $0xb8;
	[tilespmem:$0x8800] =	vst v63  }
0x20: {  	[dreg:$0xc] =	wrdreg s10  }
0x21: {  	s10 =	rddreg [dreg:$0xb]  }
0x22: {  	[tilespmem:s1], [sflag:$0x1] =	stream.indirect.gather [hbm4b:s5+s7], $0x10, s7, s7, $0xb8;
	[tilespmem:$0x8800] =	vst v63  }
0x23: {  	s1 =	rddreg [dreg:$0x8]  }
0x24: {  	[tilespmem:s0], [sflag:$0x1] =	stream.indirect.gather [hbm4b:s5+s7], $0x10, s10, s7, $0xb8;
	[tilespmem:$0x8800] =	vst v63  }
0x25: {  	s10 =	rddreg [dreg:$0xc]  }
0x26: {  	[tilespmem:s10], [sflag:$0x1] =	stream.indirect.gather [hbm4b:s5+s7], $0x10, s1, s7, $0xb8;
	[tilespmem:$0x8800] =	vst v63  }
0x27: {  	s9 =	simm.s32 $0x2800;
	s0 =	rddreg [dreg:$0xa]  }
0x28: {  	[tilespmem:s9], [sflag:$0x1] =	stream.indirect.gather [hbm4b:s5+s7], $0x10, s0, s7, $0xb8;
	[tilespmem:$0x8800] =	vst v63  }
0x29: {  	s1 =	simm.s32 $0x280;
	s9 =	simm.s32 $0x3000  }
0x2a: {  	[tilespmem:s9], [sflag:$0x1] =	stream.indirect.gather [hbm4b:s5+s7], $0x10, s1, s7, $0xb8;
	[tilespmem:$0x8800] =	vst v63  }
0x2b: {  	_ = 	snop  }
0x2c: {  	[tilespmem:s12], [sflag:$0x1] =	stream.indirect.gather [hbm4b:s5+s7], $0x10, s11, s7, $0xb8;
	[tilespmem:$0x8800] =	vst v63  }
0x2d: {  	_ = 	snop  }
0x2e: {  	[tilespmem:s14], [sflag:$0x1] =	stream.indirect.gather [hbm4b:s5+s7], $0x10, s13, s7, $0xb8;
	[tilespmem:$0x8800] =	vst v63  }
0x2f: {  	_ = 	snop  }
0x30: {  	[tilespmem:s16], [sflag:$0x1] =	stream.indirect.gather [hbm4b:s5+s7], $0x10, s15, s7, $0xb8;
	[tilespmem:$0x8800] =	vst v63  }
0x31: {  	_ = 	snop  }
0x32: {  	[tilespmem:s18], [sflag:$0x1] =	stream.indirect.gather [hbm4b:s5+s7], $0x10, s17, s7, $0xb8;
	[tilespmem:$0x8800] =	vst v63  }
0x33: {  	_ = 	snop  }
0x34: {  	[tilespmem:s20], [sflag:$0x1] =	stream.indirect.gather [hbm4b:s5+s7], $0x10, s19, s7, $0xb8;
	[tilespmem:$0x8800] =	vst v63  }
0x35: {  	_ = 	snop  }
0x36: {  	[tilespmem:s22], [sflag:$0x1] =	stream.indirect.gather [hbm4b:s5+s7], $0x10, s21, s7, $0xb8;
	[tilespmem:$0x8800] =	vst v63  }
0x37: {  	_ = 	snop  }
0x38: {  	[tilespmem:s24], [sflag:$0x1] =	stream.indirect.gather [hbm4b:s5+s7], $0x10, s23, s7, $0xb8;
	[tilespmem:$0x8800] =	vst v63  }
0x39: {  	_ = 	snop  }
0x3a: {  	[tilespmem:s26], [sflag:$0x1] =	stream.indirect.gather [hbm4b:s5+s7], $0x10, s25, s7, $0xb8;
	[tilespmem:$0x8800] =	vst v63  }
0x3b: {  	_ = 	snop  }
0x3c: {  	[tilespmem:s29], [sflag:$0x1] =	stream.indirect.gather [hbm4b:s5+s7], $0x10, s28, s7, $0xb8;
	[tilespmem:$0x8800] =	vst v63  }
0x3d: {  	_ = 	snop  }
0x3e: {  	[tilespmem:s31], [sflag:$0x1] =	stream.indirect.gather [hbm4b:s5+s7], $0x10, s30, s7, $0xb8;
	[tilespmem:$0x8800] =	vst v63  }
0x3f: {  	_ =	swait.ge [sflag:s6], $0x800  }
0x40: {  	[sflag:s6] =	ssyncset.done $0x0  }
0x41: {  	[sflag:s6] =	ssyncadd.s32 $0xFFFFF800  }
0x42: {  	_ =	swait.ge [sflag:s6], $0x800  }
0x43: {  	[sflag:s6] =	ssyncset.done $0x0  }
0x44: {  	[sflag:s6] =	ssyncadd.s32 $0xFFFFF800  }
0x45: {  	_ =	swait.ge [sflag:s6], $0x800  }
0x46: {  	[sflag:s6] =	ssyncset.done $0x0  }
0x47: {  	[sflag:s6] =	ssyncadd.s32 $0xFFFFF800  }
0x48: {  	_ =	swait.ge [sflag:s6], $0x800  }
0x49: {  	[sflag:s6] =	ssyncset.done $0x0  }
0x4a: {  	[sflag:s6] =	ssyncadd.s32 $0xFFFFF800  }
0x4b: {  	_ =	swait.ge [sflag:s6], $0x800  }
0x4c: {  	[sflag:s6] =	ssyncset.done $0x0  }
0x4d: {  	[sflag:s6] =	ssyncadd.s32 $0xFFFFF800  }
0x4e: {  	_ =	swait.ge [sflag:s6], $0x800  }
0x4f: {  	[sflag:s6] =	ssyncset.done $0x0  }
0x50: {  	[sflag:s6] =	ssyncadd.s32 $0xFFFFF800  }
0x51: {  	_ =	swait.ge [sflag:s6], $0x800  }
0x52: {  	[sflag:s6] =	ssyncset.done $0x0  }
0x53: {  	[sflag:s6] =	ssyncadd.s32 $0xFFFFF800  }
0x54: {  	_ =	swait.ge [sflag:s6], $0x800  }
0x55: {  	[sflag:s6] =	ssyncset.done $0x0  }
0x56: {  	[sflag:s6] =	ssyncadd.s32 $0xFFFFF800  }
0x57: {  	_ =	swait.ge [sflag:s6], $0x800  }
0x58: {  	[sflag:s6] =	ssyncset.done $0x0  }
0x59: {  	[sflag:s6] =	ssyncadd.s32 $0xFFFFF800  }
0x5a: {  	_ =	swait.ge [sflag:s6], $0x800  }
0x5b: {  	[sflag:s6] =	ssyncset.done $0x0  }
0x5c: {  	[sflag:s6] =	ssyncadd.s32 $0xFFFFF800  }
0x5d: {  	_ =	swait.ge [sflag:s6], $0x800  }
0x5e: {  	[sflag:s6] =	ssyncset.done $0x0  }
0x5f: {  	[sflag:s6] =	ssyncadd.s32 $0xFFFFF800  }
0x60: {  	_ =	swait.ge [sflag:s6], $0x800  }
0x61: {  	[sflag:s6] =	ssyncset.done $0x0  }
0x62: {  	[sflag:s6] =	ssyncadd.s32 $0xFFFFF800  }
0x63: {  	_ =	swait.ge [sflag:s6], $0x800  }
0x64: {  	[sflag:s6] =	ssyncset.done $0x0  }
0x65: {  	[sflag:s6] =	ssyncadd.s32 $0xFFFFF800  }
0x66: {  	_ =	swait.ge [sflag:s6], $0x800  }
0x67: {  	[sflag:s6] =	ssyncset.done $0x0  }
0x68: {  	[sflag:s6] =	ssyncadd.s32 $0xFFFFF800  }
0x69: {  	_ =	swait.ge [sflag:s6], $0x800  }
0x6a: {  	p1 =	sne.s32 s8, $0x1;
	[sflag:s6] =	ssyncset.done $0x0  }
.Ltmp1:
0x6b: {  	[sflag:s6] =	ssyncadd.s32 $0xFFFFF800;
	(pc) =	sbr.rel @!p1 .LBB2_3-.Ltmp1, $4  }
0x6c: {  	_ =	swait.ge [sflag:s6], $0x800  }
0x6d: {  	p0 =	por $0x1, $0x1;
	[sflag:s6] =	ssyncset.done $0x0  }
0x6e: {  	s1 =	sadd.s32 $0xFFFFFFFF, s8;
	s10 =	rddreg [dreg:$0x4];
	[sflag:s6] =	ssyncadd.s32 $0xFFFFF800  }
0x6f: {  	[hbm4b:s10+s2] =	stream.linear.scatter [tilespmem:s4], [sflag:$0x2], $0x8000, $0x38;
	[tilespmem:$0x8800] =	vst v63  }
.LBB2_2:
0x70: {  	_ =	swait.ge [sflag:s3], $0x8000  }
0x71: {  	[sflag:s3] =	ssyncset.done $0x0  }
0x72: {  	s0 =	rddreg [dreg:$0x3];
	[sflag:s3] =	ssyncadd.s32 $0xFFFF8000  }
0x73: {  	[tilespmem:s2], [sflag:$0x2] =	stream.linear.gather [hbm4b:s0+s2], $0x800, $0x38;
	[tilespmem:$0x8800] =	vst v63  }
0x74: {  	_ =	swait.ge [sflag:s3], $0x800  }
0x75: {  	s0 =	rddreg [dreg:$0x6];
	[sflag:s3] =	ssyncset.done $0x0  }
0x76: {  	s8 =	rddreg [dreg:$0x5];
	[sflag:s3] =	ssyncadd.s32 $0xFFFFF800  }
0x77: {  	[tilespmem:s4], [sflag:$0x1] =	stream.indirect.gather [hbm4b:s5+s7], $0x10, s2, s7, $0xb8;
	[tilespmem:$0x8800] =	vst v63  }
0x78: {  	s9 =	rddreg [dreg:$0x7]  }
0x79: {  	[tilespmem:s8], [sflag:$0x1] =	stream.indirect.gather [hbm4b:s5+s7], $0x10, s7, s7, $0xb8;
	[tilespmem:$0x8800] =	vst v63  }
0x7a: {  	s10 =	rddreg [dreg:$0x9]  }
0x7b: {  	[tilespmem:s9], [sflag:$0x1] =	stream.indirect.gather [hbm4b:s5+s7], $0x10, s0, s7, $0xb8;
	[tilespmem:$0x8800] =	vst v63  }
0x7c: {  	s8 =	rddreg [dreg:$0x8]  }
0x7d: {  	[tilespmem:s10], [sflag:$0x1] =	stream.indirect.gather [hbm4b:s5+s7], $0x10, s8, s7, $0xb8;
	[tilespmem:$0x8800] =	vst v63  }
0x7e: {  	s0 =	rddreg [dreg:$0xa];
	s8 =	simm.s32 $0x2800  }
0x7f: {  	[tilespmem:s8], [sflag:$0x1] =	stream.indirect.gather [hbm4b:s5+s7], $0x10, s0, s7, $0xb8;
	[tilespmem:$0x8800] =	vst v63  }
0x80: {  	s9 =	simm.s32 $0x280;
	s10 =	simm.s32 $0x3000  }
0x81: {  	[tilespmem:s10], [sflag:$0x1] =	stream.indirect.gather [hbm4b:s5+s7], $0x10, s9, s7, $0xb8;
	[tilespmem:$0x8800] =	vst v63  }
0x82: {  	_ = 	snop  }
0x83: {  	[tilespmem:s12], [sflag:$0x1] =	stream.indirect.gather [hbm4b:s5+s7], $0x10, s11, s7, $0xb8;
	[tilespmem:$0x8800] =	vst v63  }
0x84: {  	_ = 	snop  }
0x85: {  	[tilespmem:s14], [sflag:$0x1] =	stream.indirect.gather [hbm4b:s5+s7], $0x10, s13, s7, $0xb8;
	[tilespmem:$0x8800] =	vst v63  }
0x86: {  	_ = 	snop  }
0x87: {  	[tilespmem:s16], [sflag:$0x1] =	stream.indirect.gather [hbm4b:s5+s7], $0x10, s15, s7, $0xb8;
	[tilespmem:$0x8800] =	vst v63  }
0x88: {  	_ = 	snop  }
0x89: {  	[tilespmem:s18], [sflag:$0x1] =	stream.indirect.gather [hbm4b:s5+s7], $0x10, s17, s7, $0xb8;
	[tilespmem:$0x8800] =	vst v63  }
0x8a: {  	_ = 	snop  }
0x8b: {  	[tilespmem:s20], [sflag:$0x1] =	stream.indirect.gather [hbm4b:s5+s7], $0x10, s19, s7, $0xb8;
	[tilespmem:$0x8800] =	vst v63  }
0x8c: {  	_ = 	snop  }
0x8d: {  	[tilespmem:s22], [sflag:$0x1] =	stream.indirect.gather [hbm4b:s5+s7], $0x10, s21, s7, $0xb8;
	[tilespmem:$0x8800] =	vst v63  }
0x8e: {  	_ = 	snop  }
0x8f: {  	[tilespmem:s24], [sflag:$0x1] =	stream.indirect.gather [hbm4b:s5+s7], $0x10, s23, s7, $0xb8;
	[tilespmem:$0x8800] =	vst v63  }
0x90: {  	_ = 	snop  }
0x91: {  	[tilespmem:s26], [sflag:$0x1] =	stream.indirect.gather [hbm4b:s5+s7], $0x10, s25, s7, $0xb8;
	[tilespmem:$0x8800] =	vst v63  }
0x92: {  	_ = 	snop  }
0x93: {  	[tilespmem:s29], [sflag:$0x1] =	stream.indirect.gather [hbm4b:s5+s7], $0x10, s28, s7, $0xb8;
	[tilespmem:$0x8800] =	vst v63  }
0x94: {  	_ = 	snop  }
0x95: {  	[tilespmem:s31], [sflag:$0x1] =	stream.indirect.gather [hbm4b:s5+s7], $0x10, s30, s7, $0xb8;
	[tilespmem:$0x8800] =	vst v63  }
0x96: {  	_ =	swait.ge [sflag:s6], $0x800  }
0x97: {  	[sflag:s6] =	ssyncset.done $0x0  }
0x98: {  	[sflag:s6] =	ssyncadd.s32 $0xFFFFF800  }
0x99: {  	_ =	swait.ge [sflag:s6], $0x800  }
0x9a: {  	[sflag:s6] =	ssyncset.done $0x0  }
0x9b: {  	[sflag:s6] =	ssyncadd.s32 $0xFFFFF800  }
0x9c: {  	_ =	swait.ge [sflag:s6], $0x800  }
0x9d: {  	[sflag:s6] =	ssyncset.done $0x0  }
0x9e: {  	[sflag:s6] =	ssyncadd.s32 $0xFFFFF800  }
0x9f: {  	_ =	swait.ge [sflag:s6], $0x800  }
0xa0: {  	[sflag:s6] =	ssyncset.done $0x0  }
0xa1: {  	[sflag:s6] =	ssyncadd.s32 $0xFFFFF800  }
0xa2: {  	_ =	swait.ge [sflag:s6], $0x800  }
0xa3: {  	[sflag:s6] =	ssyncset.done $0x0  }
0xa4: {  	[sflag:s6] =	ssyncadd.s32 $0xFFFFF800  }
0xa5: {  	_ =	swait.ge [sflag:s6], $0x800  }
0xa6: {  	[sflag:s6] =	ssyncset.done $0x0  }
0xa7: {  	[sflag:s6] =	ssyncadd.s32 $0xFFFFF800  }
0xa8: {  	_ =	swait.ge [sflag:s6], $0x800  }
0xa9: {  	[sflag:s6] =	ssyncset.done $0x0  }
0xaa: {  	[sflag:s6] =	ssyncadd.s32 $0xFFFFF800  }
0xab: {  	_ =	swait.ge [sflag:s6], $0x800  }
0xac: {  	[sflag:s6] =	ssyncset.done $0x0  }
0xad: {  	[sflag:s6] =	ssyncadd.s32 $0xFFFFF800  }
0xae: {  	_ =	swait.ge [sflag:s6], $0x800  }
0xaf: {  	[sflag:s6] =	ssyncset.done $0x0  }
0xb0: {  	[sflag:s6] =	ssyncadd.s32 $0xFFFFF800  }
0xb1: {  	_ =	swait.ge [sflag:s6], $0x800  }
0xb2: {  	[sflag:s6] =	ssyncset.done $0x0  }
0xb3: {  	[sflag:s6] =	ssyncadd.s32 $0xFFFFF800  }
0xb4: {  	_ =	swait.ge [sflag:s6], $0x800  }
0xb5: {  	[sflag:s6] =	ssyncset.done $0x0  }
0xb6: {  	[sflag:s6] =	ssyncadd.s32 $0xFFFFF800  }
0xb7: {  	_ =	swait.ge [sflag:s6], $0x800  }
0xb8: {  	[sflag:s6] =	ssyncset.done $0x0  }
0xb9: {  	[sflag:s6] =	ssyncadd.s32 $0xFFFFF800  }
0xba: {  	_ =	swait.ge [sflag:s6], $0x800  }
0xbb: {  	[sflag:s6] =	ssyncset.done $0x0  }
0xbc: {  	[sflag:s6] =	ssyncadd.s32 $0xFFFFF800  }
0xbd: {  	_ =	swait.ge [sflag:s6], $0x800  }
0xbe: {  	[sflag:s6] =	ssyncset.done $0x0  }
0xbf: {  	[sflag:s6] =	ssyncadd.s32 $0xFFFFF800  }
0xc0: {  	_ =	swait.ge [sflag:s6], $0x800  }
0xc1: {  	p1 =	sne.s32 s1, $0x1;
	[sflag:s6] =	ssyncset.done $0x0  }
.Ltmp2:
0xc2: {  	[sflag:s6] =	ssyncadd.s32 $0xFFFFF800;
	(pc) =	sbr.rel @p1 .LBB2_2-.Ltmp2, $4  }
0xc3: {  	_ =	swait.ge [sflag:s6], $0x800  }
0xc4: {  	[sflag:s6] =	ssyncset.done $0x0  }
0xc5: {  	s1 =	sadd.s32 $0xFFFFFFFF, s1;
	s10 =	rddreg [dreg:$0x4];
	[sflag:s6] =	ssyncadd.s32 $0xFFFFF800  }
0xc6: {  	[hbm4b:s10+s2] =	stream.linear.scatter [tilespmem:s4], [sflag:$0x2], $0x8000, $0x38;
	[tilespmem:$0x8800] =	vst v63  }
.LBB2_3:
0xc7: {  	_ =	swait.ge @p0 [sflag:s3], $0x8000  }
0xc8: {  	[sflag:s3] =	ssyncset.done @p0 $0x0  }
0xc9: {  	s0 =	rddreg [dreg:$0x3];
	[sflag:s3] =	ssyncadd.s32 @p0 $0xFFFF8000  }
0xca: {  	[tilespmem:s2], [sflag:$0x2] =	stream.linear.gather [hbm4b:s0+s2], $0x800, $0x38;
	[tilespmem:$0x8800] =	vst v63  }
0xcb: {  	_ =	swait.ge [sflag:s3], $0x800  }
0xcc: {  	[sflag:s3] =	ssyncset.done $0x0;
	s10 =	rddreg [dreg:$0x5]  }
0xcd: {  	s0 =	rddreg [dreg:$0x6];
	[sflag:s3] =	ssyncadd.s32 $0xFFFFF800  }
0xce: {  	[tilespmem:s4], [sflag:$0x1] =	stream.indirect.gather [hbm4b:s5+s7], $0x10, s2, s7, $0xb8;
	[tilespmem:$0x8800] =	vst v63  }
0xcf: {  	s1 =	rddreg [dreg:$0x7]  }
0xd0: {  	[tilespmem:s10], [sflag:$0x1] =	stream.indirect.gather [hbm4b:s5+s7], $0x10, s7, s7, $0xb8;
	[tilespmem:$0x8800] =	vst v63  }
0xd1: {  	s8 =	rddreg [dreg:$0x9]  }
0xd2: {  	[tilespmem:s1], [sflag:$0x1] =	stream.indirect.gather [hbm4b:s5+s7], $0x10, s0, s7, $0xb8;
	[tilespmem:$0x8800] =	vst v63  }
0xd3: {  	s9 =	rddreg [dreg:$0x8]  }
0xd4: {  	[tilespmem:s8], [sflag:$0x1] =	stream.indirect.gather [hbm4b:s5+s7], $0x10, s9, s7, $0xb8;
	[tilespmem:$0x8800] =	vst v63  }
0xd5: {  	s10 =	simm.s32 $0x2800;
	s1 =	rddreg [dreg:$0xa]  }
0xd6: {  	[tilespmem:s10], [sflag:$0x1] =	stream.indirect.gather [hbm4b:s5+s7], $0x10, s1, s7, $0xb8;
	[tilespmem:$0x8800] =	vst v63  }
0xd7: {  	s9 =	simm.s32 $0x3000;
	s10 =	simm.s32 $0x280  }
0xd8: {  	[tilespmem:s9], [sflag:$0x1] =	stream.indirect.gather [hbm4b:s5+s7], $0x10, s10, s7, $0xb8;
	[tilespmem:$0x8800] =	vst v63  }
0xd9: {  	_ = 	snop  }
0xda: {  	[tilespmem:s12], [sflag:$0x1] =	stream.indirect.gather [hbm4b:s5+s7], $0x10, s11, s7, $0xb8;
	[tilespmem:$0x8800] =	vst v63  }
0xdb: {  	_ = 	snop  }
0xdc: {  	[tilespmem:s14], [sflag:$0x1] =	stream.indirect.gather [hbm4b:s5+s7], $0x10, s13, s7, $0xb8;
	[tilespmem:$0x8800] =	vst v63  }
0xdd: {  	_ = 	snop  }
0xde: {  	[tilespmem:s16], [sflag:$0x1] =	stream.indirect.gather [hbm4b:s5+s7], $0x10, s15, s7, $0xb8;
	[tilespmem:$0x8800] =	vst v63  }
0xdf: {  	_ = 	snop  }
0xe0: {  	[tilespmem:s18], [sflag:$0x1] =	stream.indirect.gather [hbm4b:s5+s7], $0x10, s17, s7, $0xb8;
	[tilespmem:$0x8800] =	vst v63  }
0xe1: {  	_ = 	snop  }
0xe2: {  	[tilespmem:s20], [sflag:$0x1] =	stream.indirect.gather [hbm4b:s5+s7], $0x10, s19, s7, $0xb8;
	[tilespmem:$0x8800] =	vst v63  }
0xe3: {  	_ = 	snop  }
0xe4: {  	[tilespmem:s22], [sflag:$0x1] =	stream.indirect.gather [hbm4b:s5+s7], $0x10, s21, s7, $0xb8;
	[tilespmem:$0x8800] =	vst v63  }
0xe5: {  	_ = 	snop  }
0xe6: {  	[tilespmem:s24], [sflag:$0x1] =	stream.indirect.gather [hbm4b:s5+s7], $0x10, s23, s7, $0xb8;
	[tilespmem:$0x8800] =	vst v63  }
0xe7: {  	_ = 	snop  }
0xe8: {  	[tilespmem:s26], [sflag:$0x1] =	stream.indirect.gather [hbm4b:s5+s7], $0x10, s25, s7, $0xb8;
	[tilespmem:$0x8800] =	vst v63  }
0xe9: {  	_ = 	snop  }
0xea: {  	[tilespmem:s29], [sflag:$0x1] =	stream.indirect.gather [hbm4b:s5+s7], $0x10, s28, s7, $0xb8;
	[tilespmem:$0x8800] =	vst v63  }
0xeb: {  	_ = 	snop  }
0xec: {  	[tilespmem:s31], [sflag:$0x1] =	stream.indirect.gather [hbm4b:s5+s7], $0x10, s30, s7, $0xb8;
	[tilespmem:$0x8800] =	vst v63  }
0xed: {  	_ =	swait.ge [sflag:s6], $0x800  }
0xee: {  	[sflag:s6] =	ssyncset.done $0x0  }
0xef: {  	[sflag:s6] =	ssyncadd.s32 $0xFFFFF800  }
0xf0: {  	_ =	swait.ge [sflag:s6], $0x800  }
0xf1: {  	[sflag:s6] =	ssyncset.done $0x0  }
0xf2: {  	[sflag:s6] =	ssyncadd.s32 $0xFFFFF800  }
0xf3: {  	_ =	swait.ge [sflag:s6], $0x800  }
0xf4: {  	[sflag:s6] =	ssyncset.done $0x0  }
0xf5: {  	[sflag:s6] =	ssyncadd.s32 $0xFFFFF800  }
0xf6: {  	_ =	swait.ge [sflag:s6], $0x800  }
0xf7: {  	[sflag:s6] =	ssyncset.done $0x0  }
0xf8: {  	[sflag:s6] =	ssyncadd.s32 $0xFFFFF800  }
0xf9: {  	_ =	swait.ge [sflag:s6], $0x800  }
0xfa: {  	[sflag:s6] =	ssyncset.done $0x0  }
0xfb: {  	[sflag:s6] =	ssyncadd.s32 $0xFFFFF800  }
0xfc: {  	_ =	swait.ge [sflag:s6], $0x800  }
0xfd: {  	[sflag:s6] =	ssyncset.done $0x0  }
0xfe: {  	[sflag:s6] =	ssyncadd.s32 $0xFFFFF800  }
0xff: {  	_ =	swait.ge [sflag:s6], $0x800  }
0x100: {  	[sflag:s6] =	ssyncset.done $0x0  }
0x101: {  	[sflag:s6] =	ssyncadd.s32 $0xFFFFF800  }
0x102: {  	_ =	swait.ge [sflag:s6], $0x800  }
0x103: {  	[sflag:s6] =	ssyncset.done $0x0  }
0x104: {  	[sflag:s6] =	ssyncadd.s32 $0xFFFFF800  }
0x105: {  	_ =	swait.ge [sflag:s6], $0x800  }
0x106: {  	[sflag:s6] =	ssyncset.done $0x0  }
0x107: {  	[sflag:s6] =	ssyncadd.s32 $0xFFFFF800  }
0x108: {  	_ =	swait.ge [sflag:s6], $0x800  }
0x109: {  	[sflag:s6] =	ssyncset.done $0x0  }
0x10a: {  	[sflag:s6] =	ssyncadd.s32 $0xFFFFF800  }
0x10b: {  	_ =	swait.ge [sflag:s6], $0x800  }
0x10c: {  	[sflag:s6] =	ssyncset.done $0x0  }
0x10d: {  	[sflag:s6] =	ssyncadd.s32 $0xFFFFF800  }
0x10e: {  	_ =	swait.ge [sflag:s6], $0x800  }
0x10f: {  	[sflag:s6] =	ssyncset.done $0x0  }
0x110: {  	[sflag:s6] =	ssyncadd.s32 $0xFFFFF800  }
0x111: {  	_ =	swait.ge [sflag:s6], $0x800  }
0x112: {  	[sflag:s6] =	ssyncset.done $0x0  }
0x113: {  	[sflag:s6] =	ssyncadd.s32 $0xFFFFF800  }
0x114: {  	_ =	swait.ge [sflag:s6], $0x800  }
0x115: {  	[sflag:s6] =	ssyncset.done $0x0  }
0x116: {  	[sflag:s6] =	ssyncadd.s32 $0xFFFFF800  }
0x117: {  	_ =	swait.ge [sflag:s6], $0x800  }
0x118: {  	[sflag:s6] =	ssyncset.done $0x0  }
0x119: {  	[sflag:s6] =	ssyncadd.s32 $0xFFFFF800  }
0x11a: {  	_ =	swait.ge [sflag:s6], $0x800  }
0x11b: {  	[sflag:s6] =	ssyncset.done $0x0  }
0x11c: {  	s30 =	rddreg [dreg:$0x4];
	[sflag:s6] =	ssyncadd.s32 $0xFFFFF800  }
0x11d: {  	[hbm4b:s30+s2] =	stream.linear.scatter [tilespmem:s4], [sflag:$0x2], $0x8000, $0x38;
	[tilespmem:$0x8800] =	vst v63  }
0x11e: {  	_ =	swait.ge [sflag:s3], $0x8000  }
0x11f: {  	[sflag:s3] =	ssyncset.done $0x0  }
0x120: {  	[sflag:s3] =	ssyncadd.s32 $0xFFFF8000  }
0x121: {  	_ =	sfence.sel $0x180000  }
0x122: {  	[bflag:$0x0] =	sbarrier.arrive $0xFFFF  }
0x123: {  	_ =	strace $0x9000004A  }
0x124: {  	s31 =	stileid.u32;
	[bflag:$0x2] =	sbarrier.arrive $0xFFFF  }
0x125: {  	p0 =	sne.s32 s31, $0x0;
	s0 =	rddreg [dreg:$0x2]  }
0x126: {  	s0 =	sadd.s32 @!p0 $0x100000, s0  }
0x127: {  	[sflag:s0] =	ssyncadd.tile.s32 @!p0 $0x1;
	_ =	shalt  }
.Lfunc_end2:
_tile_overlayer_lowered:
.L_overlay_start_2:
0x128: {  	(tag) =	ssettag $0x2  }
0x129: {  	s0 =	rddreg [dreg:$0x0];
	s2 =	stileid.u32  }
0x12a: {  	s1 =	rddreg [dreg:$0x1];
	p0 =	sne.s32 s2, $0x0  }
0x12b: {  	s3 =	rddreg [dreg:$0x2];
	[bflag:$0x3] =	sbarrier.arrive $0xFFFF;
	s2 =	simm.s32 @!p0 $0x1C02  }
0x12c: {  	[timem:s3], [sflag:s2] =	dma.local @!p0 [hbm:s0], s1  }
0x12d: {  	s0 =	simm.s32 @!p0 $0x2  }
0x12e: {  	_ =	swait.ge @!p0 [sflag:s0], s1  }
0x12f: {  	s1 =	ssub.s32 @!p0 $0x0, s1;
	[sflag:s0] =	ssyncset.done @!p0 $0x0  }
0x130: {  	[sflag:s0] =	ssyncadd.s32 @!p0 s1  }
0x131: {  	[bflag:$0x3] =	sbarrier.arrive $0xFFFF  }
0x132: {  	_ =	shalt  }

// kernel: kernel.7.cloned.1.call-start
scs
__scs_entry_jumppad:
0x0: {  	(pc) =	sbr.rel $0x88, $3  }
0x1: {  	(tag) =	ssettag $0x0;
	lr =	simm.s32 $0x1  }
0x2: {  	[smem:$0x3F99] =	sst lr;
	_ =	strace $0xD0000000  }
0x3: {  	_ = 	snop  }
0x4: {  	_ = 	snop  }
0x5: {  	_ = 	snop  }
0x6: {  	_ = 	snop  }
0x7: {  	_ = 	snop  }
__scs_overlays_trampoline_lowered:
0x8: {  	[smem:$0x3FA8] =	sst s0  }
0x9: {  	[smem:$0x3FA9] =	sst s1  }
0xa: {  	[smem:$0x3FAA] =	sst s2  }
0xb: {  	[smem:$0x3FAB] =	sst s3  }
0xc: {  	[smem:$0x3FAC] =	sst s4  }
0xd: {  	[smem:$0x3FAD] =	sst s5  }
0xe: {  	[smem:$0x3FAE] =	sst s6  }
0xf: {  	[smem:$0x3FAF] =	sst s7  }
0x10: {  	[smem:$0x3FB0] =	sst s8  }
0x11: {  	[smem:$0x3FB1] =	sst s9;
	s0 =	simm.s32 @!p0 $0x0  }
0x12: {  	s1 =	sld [smem:$0x3F97];
	s0 =	simm.s32 @p0 $0x1  }
0x13: {  	[smem:$0x3FB2] =	sst s0;
	s0 =	simm.s32 @!p1 $0x0  }
0x14: {  	s2 =	sld [smem:$0x3F96];
	s0 =	simm.s32 @p1 $0x1  }
0x15: {  	[smem:$0x3FB3] =	sst s0;
	s0 =	simm.s32 @!p2 $0x0  }
0x16: {  	s3 =	sld [smem:$0x3FDB];
	s0 =	simm.s32 @p2 $0x1  }
0x17: {  	s4 =	simm.s32 $0x1BF5;
	[smem:$0x3FB5] =	sst s0  }
0x18: {  	s0 =	sld [smem:$0x3F98];
	_ =	swait.ge [sflag:s4], $0x0  }
0x19: {  	s7 =	sld [smem:$0x3F99]  }
0x1a: {  	s8 =	sadd.s32 $0xFFFFE003, lr  }
0x1b: {  	s9 =	sadd.s32 $0xFFFFFEF7, lr;
	s5 =	simm.s32 $0xFFFFFFFF;
	p2 =	slt.u32 s8, $0xFFFFF086  }
0x1c: {  	p1 =	slt.u32 s9, $0xF7A;
	s5 =	simm.s32 @!p2 $0x0  }
0x1d: {  	s5 =	simm.s32 @p1 $0x1;
	p0 =	seq.s32 s7, s2  }
0x1e: {  	s7 =	smul.u32 @!p0 $0xF7A, s2;
	p2 =	seq.s32 @!p0 s5, $0x0  }
0x1f: {  	s9 =	smul.u32 $0xF7A, s1;
	s8 =	simm.s32 @!p0 $0x1BF5;
	p2 =	por !p2, p0  }
0x20: {  	[sflag:s8] =	ssyncset.s32 @!p0 $0xFFFFF086;
	s6 =	sadd.s32 @!p0 s3, s7;
	s7 =	simm.s32 @!p0 $0x108  }
0x21: {  	s3 =	sadd.s32 s3, s9;
	s6 =	sadd.s32 @!p0 $0x88, s6;
	s7 =	simm.s32 @p2 $0x1082  }
0x22: {  	[simem:s7], [sflag:s8] =	dma.local @!p0 [hbm:s6], $0xF7A  }
0x23: {  	s9 =	sor.u32 $0xD0000000, s2;
	s6 =	simm.s32 $0x108;
	_ =	swait.ge @!p0 [sflag:s8], $0x0  }
0x24: {  	s3 =	sadd.s32 $0x88, s3;
	s6 =	simm.s32 @!p1 $0x1082;
	[sflag:s4] =	ssyncset.s32 $0xFFFFF086  }
0x25: {  	[simem:s6], [sflag:s4] =	dma.local [hbm:s3], $0xF7A  }
0x26: {  	[smem:$0x3F99] =	sst s1;
	(tag) =	ssettag s2;
	_ =	strace s9  }
0x27: {  	s1 =	sld [smem:$0x3FA9]  }
0x28: {  	s2 =	sld [smem:$0x3FAA]  }
0x29: {  	s4 =	sld [smem:$0x3FAC]  }
0x2a: {  	p0 =	seq.s32 s5, $0x0;
	s5 =	sld [smem:$0x3FAD]  }
0x2b: {  	s6 =	sld [smem:$0x3FAE]  }
0x2c: {  	s7 =	sld [smem:$0x3FAF]  }
0x2d: {  	s3 =	simm.s32 $0x108;
	s8 =	sld [smem:$0x3FB0]  }
0x2e: {  	s3 =	simm.s32 @!p0 $0x1082;
	s9 =	sld [smem:$0x3FB1]  }
0x2f: {  	lr =	sadd.s32 s0, s3;
	s0 =	sld [smem:$0x3FA8]  }
0x30: {  	s3 =	sld [smem:$0x3FAB]  }
0x31: {  	[smem:$0x3FB4] =	sst s10  }
0x32: {  	s10 =	sld [smem:$0x3FB2];
	_ =	sdelay $0x3  }
0x33: {  	p0 =	seq.s32 s10, $0x1;
	s10 =	sld [smem:$0x3FB4];
	_ =	sdelay $0x3  }
0x34: {  	[smem:$0x3FB4] =	sst s10  }
0x35: {  	s10 =	sld [smem:$0x3FB3];
	_ =	sdelay $0x3  }
0x36: {  	p1 =	seq.s32 s10, $0x1;
	s10 =	sld [smem:$0x3FB4];
	_ =	sdelay $0x3  }
0x37: {  	[smem:$0x3FB4] =	sst s10  }
0x38: {  	s10 =	sld [smem:$0x3FB5]  }
0x39: {  	_ = 	snop;
	(pc) =	sbr.ind lr, $3  }
0x3a: {  	_ = 	snop  }
0x3b: {  	_ = 	snop  }
0x3c: {  	p2 =	seq.s32 s10, $0x1;
	s10 =	sld [smem:$0x3FB4]  }
0x3d: {  	_ =	shalt  }
0x3e: {  	_ =	shalt  }
0x3f: {  	_ =	shalt  }
0x40: {  	_ =	shalt  }
0x41: {  	_ =	shalt  }
0x42: {  	_ =	shalt  }
0x43: {  	_ =	shalt  }
0x44: {  	_ =	shalt  }
0x45: {  	_ =	shalt  }
0x46: {  	_ =	shalt  }
0x47: {  	_ =	shalt  }
0x48: {  	_ =	shalt  }
0x49: {  	_ =	shalt  }
0x4a: {  	_ =	shalt  }
0x4b: {  	_ =	shalt  }
0x4c: {  	_ =	shalt  }
0x4d: {  	_ =	shalt  }
0x4e: {  	_ =	shalt  }
0x4f: {  	_ =	shalt  }
0x50: {  	_ =	shalt  }
0x51: {  	_ =	shalt  }
0x52: {  	_ =	shalt  }
0x53: {  	_ =	shalt  }
0x54: {  	_ =	shalt  }
0x55: {  	_ =	shalt  }
0x56: {  	_ =	shalt  }
0x57: {  	_ =	shalt  }
0x58: {  	_ =	shalt  }
0x59: {  	_ =	shalt  }
0x5a: {  	_ =	shalt  }
0x5b: {  	_ =	shalt  }
0x5c: {  	_ =	shalt  }
0x5d: {  	_ =	shalt  }
0x5e: {  	_ =	shalt  }
0x5f: {  	_ =	shalt  }
0x60: {  	_ =	shalt  }
0x61: {  	_ =	shalt  }
0x62: {  	_ =	shalt  }
0x63: {  	_ =	shalt  }
0x64: {  	_ =	shalt  }
0x65: {  	_ =	shalt  }
0x66: {  	_ =	shalt  }
0x67: {  	_ =	shalt  }
0x68: {  	_ =	shalt  }
0x69: {  	_ =	shalt  }
0x6a: {  	_ =	shalt  }
0x6b: {  	_ =	shalt  }
0x6c: {  	_ =	shalt  }
0x6d: {  	_ =	shalt  }
0x6e: {  	_ =	shalt  }
0x6f: {  	_ =	shalt  }
0x70: {  	_ =	shalt  }
0x71: {  	_ =	shalt  }
0x72: {  	_ =	shalt  }
0x73: {  	_ =	shalt  }
0x74: {  	_ =	shalt  }
0x75: {  	_ =	shalt  }
0x76: {  	_ =	shalt  }
0x77: {  	_ =	shalt  }
0x78: {  	_ =	shalt  }
0x79: {  	_ =	shalt  }
0x7a: {  	_ =	shalt  }
0x7b: {  	_ =	shalt  }
0x7c: {  	_ =	shalt  }
0x7d: {  	_ =	shalt  }
0x7e: {  	_ =	shalt  }
0x7f: {  	_ =	shalt  }
0x80: {  	_ =	shalt  }
0x81: {  	_ =	shalt  }
0x82: {  	_ =	shalt  }
0x83: {  	_ =	shalt  }
0x84: {  	_ =	shalt  }
0x85: {  	_ =	shalt  }
0x86: {  	_ =	shalt  }
0x87: {  	_ =	shalt  }
.Lfunc_end0:
.L_simem_size_0:
called_computation_lowered:
.L_overlay_start_0:
0x88: {  	s2 =	sld [smem:$0x3FD9]  }
0x89: {  	s3 =	sld [smem:$0x3FFE];
	_ =	sdelay $0x1  }
0x8a: {  	s1 =	srdreg.scid  }
0x8b: {  	s0 =	sand.u32 $0x1, s1  }
0x8c: {  	s14 =	sshll.u32 s0, $0xA;
	s2 =	sadd.s32 s3, s2  }
0x8d: {  	s2 =	sadd.s32 s2, s14  }
0x8e: {  	[smem:$0x3FC0] =	sst s2  }
0x8f: {  	_ = 	snop  }
0x90: {  	s2 =	sld [smem:$0x3FD0];
	_ =	sdelay $0x2  }
0x91: {  	s15 =	simm.s32 $0xB;
	s4 =	simm.s32 $0x10  }
0x92: {  	[smem:s4], [sflag:s15] =	dma.local [hbm:s2], $0x1  }
0x93: {  	_ =	swait.eq [sflag:s15], $0x1  }
0x94: {  	[sflag:s15] =	ssyncset.done $0x0  }
0x95: {  	[sflag:s15] =	ssyncadd.s32 $0xFFFFFFFF  }
0x96: {  	s16 =	sld [smem:$0x11];
	(tm) =	ssettm $0x1  }
0x97: {  	s17 =	sld [smem:$0x3FFB];
	_ =	sdelay $0x3  }
0x98: {  	_ =	strace s17  }
0x99: {  	s3 =	sld [smem:$0x3FFC];
	_ =	sdelay $0x3  }
0x9a: {  	_ =	strace s3  }
0x9b: {  	s3 =	sld [smem:$0x3FFD];
	_ =	sdelay $0x3  }
0x9c: {  	_ =	strace s3  }
0x9d: {  	_ =	strace $0x8FFFFFFF  }
0x9e: {  	s18 =	sld [smem:$0x3FDB];
	_ =	sdelay $0x1  }
0x9f: {  	s19 =	simm.s32 $_scs_section_size  }
0xa0: {  	s5 =	simm.s32 $_size__tile_overlayer_lowered;
	s6 =	simm.s32 $_tile_overlayer_lowered  }
0xa1: {  	s22 =	simm.s32 $0x1BFF;
	s21 =	sshll.u32 s6, $0x1;
	s3 =	sadd.s32 s19, s18  }
0xa2: {  	s7 =	simm.s32 $0x0;
	s20 =	sshll.u32 s5, $0x1;
	s5 =	sadd.s32 s21, s3  }
0xa3: {  	[timem:s7], [sflag:s22] =	dma.local [hbm:s5], s20  }
0xa4: {  	_ =	swait.ge [sflag:s22], s20  }
0xa5: {  	s4 =	ssub.s32 $0x0, s20;
	[sflag:s22] =	ssyncset.done $0x0  }
0xa6: {  	[sflag:s22] =	ssyncadd.s32 s4;
	_ =	sdelay $0x1  }
0xa7: {  	s23 =	simm.s32 $0x1B8B  }
0xa8: {  	_ =	swait.ge [sflag:s23], $0x1  }
0xa9: {  	[sflag:s23] =	ssyncset.done $0x0  }
0xaa: {  	s25 =	simm.s32 $0x1B8E;
	s24 =	sld [smem:$0x3FFE];
	[sflag:s23] =	ssyncadd.s32 $0xFFFFFFFF  }
0xab: {  	s26 =	simm.s32 $execute0_lowered;
	[smem:$0x3FD2] =	sst s25  }
0xac: {  	s5 =	sshll.u32 s26, $0x1;
	_ =	strace $0x80000046;
	[dreg:$0x1] =	wrdreg $0xFFFFFFFF  }
0xad: {  	s28 =	simm.s32 $_size_execute0_lowered;
	s3 =	sadd.s32 s3, s5;
	[dreg:$0x0] =	wrdreg $0x0  }
0xae: {  	s5 =	sshll.u32 s28, $0x1;
	[dreg:$0x2] =	wrdreg s3  }
0xaf: {  	[dreg:$0x3] =	wrdreg s5  }
0xb0: {  	[dreg:$0x4] =	wrdreg $0xC0  }
0xb1: {  	_ =	task [dreg:s7], $0x5FFFF  }
0xb2: {  	[dreg:$0x1] =	wrdreg $0xFFFFFFFF  }
0xb3: {  	[dreg:$0x0] =	wrdreg $0x60  }
0xb4: {  	[dreg:$0x2] =	wrdreg s16  }
0xb5: {  	[dreg:$0x3] =	wrdreg s24  }
0xb6: {  	[dreg:$0x4] =	wrdreg $0x9  }
0xb7: {  	_ =	task.clear_ibuf [dreg:s7], $0x5FFFF;
	_ =	strace $0x90000046  }
0xb8: {  	s29 =	simm.s32 $0x9;
	_ =	strace $0x80000048  }
0xb9: {  	_ =	swait.ge [sflag:s29], $0x1  }
0xba: {  	[sflag:s29] =	ssyncadd.s32 $0xFFFFFFFF  }
0xbb: {  	_ =	strace $0x90000048  }
0xbc: {  	_ =	sfence  }
0xbd: {  	s30 =	sld [smem:$0x0];
	_ =	sdelay $0x2  }
0xbe: {  	s31 =	sshll.u32 s1, $0xD;
	s1 =	sshrl.u32 s1, $0x2  }
0xbf: {  	s3 =	sand.u32 $0x4000, s31;
	s1 =	sadd.s32 s1, s30  }
0xc0: {  	s0 =	sor.u32 s3, s0;
	s1 =	sshll.u32 s1, $0x11  }
0xc1: {  	s0 =	sor.u32 s1, s0  }
0xc2: {  	s0 =	sadd.s32 $0x8F2B, s0  }
0xc3: {  	[sflag:s0] =	ssyncadd.remote.s32 $0x1  }
0xc4: {  	_ =	sfence.sel $0xFFFF  }
0xc5: {  	[dreg:$0x0] =	wrdreg $0xFFFFFFFF;
	(pc) =	sbr.abs _section_cstart, $3  }
0xc6: {  	[dreg:$0x1] =	wrdreg $0xFFFFFFFF  }
0xc7: {  	_ =	task.clear_ibuf [dreg:s7], $0x2FFFF;
	_ =	strace $0x9FFFFFFF  }
0xc8: {  	(tm) =	ssettm $0x7FFFFFFF  }
0xc9: {  	_ =	shalt  }
tec
execute0_lowered:
.L_overlay_start_1:
0x0: {  	(tag) =	ssettag $0x1  }
0x1: {  	s1 =	srdreg.scid  }
0x2: {  	s0 =	stileid.u32;
	s5 =	rddreg [dreg:$0x0]  }
0x3: {  	s4 =	rddreg [dreg:$0x1];
	s20 =	simm.s32 $0x1000;
	s21 =	simm.s32 $0x100  }
0x4: {  	s23 =	simm.s32 $0x1800;
	s24 =	simm.s32 $0x180;
	s25 =	simm.s32 $0x2000  }
0x5: {  	s26 =	simm.s32 $0x200;
	s7 =	simm.s32 $0x80;
	s11 =	simm.s32 $0x300  }
0x6: {  	s12 =	simm.s32 $0x3800;
	s13 =	simm.s32 $0x380;
	s14 =	simm.s32 $0x4000  }
0x7: {  	s15 =	simm.s32 $0x400;
	s16 =	simm.s32 $0x4800;
	s17 =	simm.s32 $0x480  }
0x8: {  	s18 =	simm.s32 $0x5000;
	p0 =	por $0x0, $0x0;
	s1 =	sand.u32 $0x1, s1  }
0x9: {  	s28 =	simm.s32 $0x700;
	s2 =	sshll.u32 s0, $0xC;
	s3 =	sshll.u32 s1, $0xB  }
0xa: {  	s29 =	simm.s32 $0x7800;
	s3 =	sor.u32 s3, s2;
	s2 =	simm.s32 $0x0  }
0xb: {  	s30 =	simm.s32 $0x780;
	s31 =	simm.s32 $0x8000;
	[smem:$0x7FF] =	sst s2  }
0xc: {  	s1 =	ssub.s32 $0x2, s1;
	_ =	strace $0x80000047;
	[dreg:$0x5] =	wrdreg s20  }
0xd: {  	s22 =	sshrl.u32 s1, $0x1;
	s6 =	sshrl.u32 s3, $0x3;
	[dreg:$0x6] =	wrdreg s21  }
0xe: {  	s3 =	sshll.u32 s3, $0x1;
	s1 =	ssub.s32 s1, s22;
	[dreg:$0x7] =	wrdreg s23  }
0xf: {  	s22 =	simm.s32 $0x6000;
	s6 =	sadd.s32 s6, s4;
	[dreg:$0x8] =	wrdreg s24  }
0x10: {  	s3 =	sadd.s32 s3, s4;
	s1 =	smax.u32 s1, $0x1;
	[dreg:$0x9] =	wrdreg s25  }
0x11: {  	s4 =	simm.s32 $0x800;
	[dreg:$0xa] =	wrdreg s26;
	p1 =	sne.s32 s1, $0x1  }
.Ltmp0:
0x12: {  	s20 =	simm.s32 $0x5800;
	s21 =	simm.s32 $0x580;
	(pc) =	sbr.rel @!p1 .LBB2_3-.Ltmp0, $4  }
0x13: {  	s23 =	simm.s32 $0x600;
	s24 =	simm.s32 $0x6800;
	s25 =	simm.s32 $0x680  }
0x14: {  	s26 =	simm.s32 $0x7000;
	s19 =	sadd.s32 $0x1800, s6;
	s3 =	sadd.s32 $0x3800, s3  }
0x15: {  	s8 =	sadd.s32 $0xFFFFFFFF, s1;
	s6 =	simm.s32 $0x1;
	[dreg:$0x3] =	wrdreg s19  }
0x16: {  	[dreg:$0x4] =	wrdreg s3;
	s3 =	simm.s32 $0x2;
	s19 =	simm.s32 $0x500  }
0x17: {  	s0 =	rddreg [dreg:$0x3]  }
0x18: {  	[tilespmem:s2], [sflag:$0x2] =	stream.linear.gather [hbm4b:s0+s2], $0x800, $0x38;
	[tilespmem:$0x8800] =	vst v63  }
0x19: {  	_ =	swait.ge [sflag:s3], $0x800  }
0x1a: {  	s10 =	rddreg [dreg:$0x6]  }
0x1b: {  	s1 =	rddreg [dreg:$0x5]  }
0x1c: {  	s0 =	rddreg [dreg:$0x7]  }
0x1d: {  	[sflag:s3] =	ssyncset.done $0x0;
	[dreg:$0xb] =	wrdreg s10  }
0x1e: {  	[sflag:s3] =	ssyncadd.s32 $0xFFFFF800;
	s10 =	rddreg [dreg:$0x9]  }
0x1f: {  	[tilespmem:s4], [sflag:$0x1] =	stream.indirect.gather [hbm4b:s5+s7], $0x10, s2, s7, $0xb8;
	[tilespmem:$0x8800] =	vst v63  }
0x20: {  	[dreg:$0xc] =	wrdreg s10  }
0x21: {  	s10 =	rddreg [dreg:$0xb]  }
0x22: {  	[tilespmem:s1], [sflag:$0x1] =	stream.indirect.gather [hbm4b:s5+s7], $0x10, s7, s7, $0xb8;
	[tilespmem:$0x8800] =	vst v63  }
0x23: {  	s1 =	rddreg [dreg:$0x8]  }
0x24: {  	[tilespmem:s0], [sflag:$0x1] =	stream.indirect.gather [hbm4b:s5+s7], $0x10, s10, s7, $0xb8;
	[tilespmem:$0x8800] =	vst v63  }
0x25: {  	s10 =	rddreg [dreg:$0xc]  }
0x26: {  	[tilespmem:s10], [sflag:$0x1] =	stream.indirect.gather [hbm4b:s5+s7], $0x10, s1, s7, $0xb8;
	[tilespmem:$0x8800] =	vst v63  }
0x27: {  	s9 =	simm.s32 $0x2800;
	s0 =	rddreg [dreg:$0xa]  }
0x28: {  	[tilespmem:s9], [sflag:$0x1] =	stream.indirect.gather [hbm4b:s5+s7], $0x10, s0, s7, $0xb8;
	[tilespmem:$0x8800] =	vst v63  }
0x29: {  	s1 =	simm.s32 $0x280;
	s9 =	simm.s32 $0x3000  }
0x2a: {  	[tilespmem:s9], [sflag:$0x1] =	stream.indirect.gather [hbm4b:s5+s7], $0x10, s1, s7, $0xb8;
	[tilespmem:$0x8800] =	vst v63  }
0x2b: {  	_ = 	snop  }
0x2c: {  	[tilespmem:s12], [sflag:$0x1] =	stream.indirect.gather [hbm4b:s5+s7], $0x10, s11, s7, $0xb8;
	[tilespmem:$0x8800] =	vst v63  }
0x2d: {  	_ = 	snop  }
0x2e: {  	[tilespmem:s14], [sflag:$0x1] =	stream.indirect.gather [hbm4b:s5+s7], $0x10, s13, s7, $0xb8;
	[tilespmem:$0x8800] =	vst v63  }
0x2f: {  	_ = 	snop  }
0x30: {  	[tilespmem:s16], [sflag:$0x1] =	stream.indirect.gather [hbm4b:s5+s7], $0x10, s15, s7, $0xb8;
	[tilespmem:$0x8800] =	vst v63  }
0x31: {  	_ = 	snop  }
0x32: {  	[tilespmem:s18], [sflag:$0x1] =	stream.indirect.gather [hbm4b:s5+s7], $0x10, s17, s7, $0xb8;
	[tilespmem:$0x8800] =	vst v63  }
0x33: {  	_ = 	snop  }
0x34: {  	[tilespmem:s20], [sflag:$0x1] =	stream.indirect.gather [hbm4b:s5+s7], $0x10, s19, s7, $0xb8;
	[tilespmem:$0x8800] =	vst v63  }
0x35: {  	_ = 	snop  }
0x36: {  	[tilespmem:s22], [sflag:$0x1] =	stream.indirect.gather [hbm4b:s5+s7], $0x10, s21, s7, $0xb8;
	[tilespmem:$0x8800] =	vst v63  }
0x37: {  	_ = 	snop  }
0x38: {  	[tilespmem:s24], [sflag:$0x1] =	stream.indirect.gather [hbm4b:s5+s7], $0x10, s23, s7, $0xb8;
	[tilespmem:$0x8800] =	vst v63  }
0x39: {  	_ = 	snop  }
0x3a: {  	[tilespmem:s26], [sflag:$0x1] =	stream.indirect.gather [hbm4b:s5+s7], $0x10, s25, s7, $0xb8;
	[tilespmem:$0x8800] =	vst v63  }
0x3b: {  	_ = 	snop  }
0x3c: {  	[tilespmem:s29], [sflag:$0x1] =	stream.indirect.gather [hbm4b:s5+s7], $0x10, s28, s7, $0xb8;
	[tilespmem:$0x8800] =	vst v63  }
0x3d: {  	_ = 	snop  }
0x3e: {  	[tilespmem:s31], [sflag:$0x1] =	stream.indirect.gather [hbm4b:s5+s7], $0x10, s30, s7, $0xb8;
	[tilespmem:$0x8800] =	vst v63  }
0x3f: {  	_ =	swait.ge [sflag:s6], $0x800  }
0x40: {  	[sflag:s6] =	ssyncset.done $0x0  }
0x41: {  	[sflag:s6] =	ssyncadd.s32 $0xFFFFF800  }
0x42: {  	_ =	swait.ge [sflag:s6], $0x800  }
0x43: {  	[sflag:s6] =	ssyncset.done $0x0  }
0x44: {  	[sflag:s6] =	ssyncadd.s32 $0xFFFFF800  }
0x45: {  	_ =	swait.ge [sflag:s6], $0x800  }
0x46: {  	[sflag:s6] =	ssyncset.done $0x0  }
0x47: {  	[sflag:s6] =	ssyncadd.s32 $0xFFFFF800  }
0x48: {  	_ =	swait.ge [sflag:s6], $0x800  }
0x49: {  	[sflag:s6] =	ssyncset.done $0x0  }
0x4a: {  	[sflag:s6] =	ssyncadd.s32 $0xFFFFF800  }
0x4b: {  	_ =	swait.ge [sflag:s6], $0x800  }
0x4c: {  	[sflag:s6] =	ssyncset.done $0x0  }
0x4d: {  	[sflag:s6] =	ssyncadd.s32 $0xFFFFF800  }
0x4e: {  	_ =	swait.ge [sflag:s6], $0x800  }
0x4f: {  	[sflag:s6] =	ssyncset.done $0x0  }
0x50: {  	[sflag:s6] =	ssyncadd.s32 $0xFFFFF800  }
0x51: {  	_ =	swait.ge [sflag:s6], $0x800  }
0x52: {  	[sflag:s6] =	ssyncset.done $0x0  }
0x53: {  	[sflag:s6] =	ssyncadd.s32 $0xFFFFF800  }
0x54: {  	_ =	swait.ge [sflag:s6], $0x800  }
0x55: {  	[sflag:s6] =	ssyncset.done $0x0  }
0x56: {  	[sflag:s6] =	ssyncadd.s32 $0xFFFFF800  }
0x57: {  	_ =	swait.ge [sflag:s6], $0x800  }
0x58: {  	[sflag:s6] =	ssyncset.done $0x0  }
0x59: {  	[sflag:s6] =	ssyncadd.s32 $0xFFFFF800  }
0x5a: {  	_ =	swait.ge [sflag:s6], $0x800  }
0x5b: {  	[sflag:s6] =	ssyncset.done $0x0  }
0x5c: {  	[sflag:s6] =	ssyncadd.s32 $0xFFFFF800  }
0x5d: {  	_ =	swait.ge [sflag:s6], $0x800  }
0x5e: {  	[sflag:s6] =	ssyncset.done $0x0  }
0x5f: {  	[sflag:s6] =	ssyncadd.s32 $0xFFFFF800  }
0x60: {  	_ =	swait.ge [sflag:s6], $0x800  }
0x61: {  	[sflag:s6] =	ssyncset.done $0x0  }
0x62: {  	[sflag:s6] =	ssyncadd.s32 $0xFFFFF800  }
0x63: {  	_ =	swait.ge [sflag:s6], $0x800  }
0x64: {  	[sflag:s6] =	ssyncset.done $0x0  }
0x65: {  	[sflag:s6] =	ssyncadd.s32 $0xFFFFF800  }
0x66: {  	_ =	swait.ge [sflag:s6], $0x800  }
0x67: {  	[sflag:s6] =	ssyncset.done $0x0  }
0x68: {  	[sflag:s6] =	ssyncadd.s32 $0xFFFFF800  }
0x69: {  	_ =	swait.ge [sflag:s6], $0x800  }
0x6a: {  	p1 =	sne.s32 s8, $0x1;
	[sflag:s6] =	ssyncset.done $0x0  }
.Ltmp1:
0x6b: {  	[sflag:s6] =	ssyncadd.s32 $0xFFFFF800;
	(pc) =	sbr.rel @!p1 .LBB2_3-.Ltmp1, $4  }
0x6c: {  	_ =	swait.ge [sflag:s6], $0x800  }
0x6d: {  	p0 =	por $0x1, $0x1;
	[sflag:s6] =	ssyncset.done $0x0  }
0x6e: {  	s1 =	sadd.s32 $0xFFFFFFFF, s8;
	s10 =	rddreg [dreg:$0x4];
	[sflag:s6] =	ssyncadd.s32 $0xFFFFF800  }
0x6f: {  	[hbm4b:s10+s2] =	stream.linear.scatter [tilespmem:s4], [sflag:$0x2], $0x8000, $0x38;
	[tilespmem:$0x8800] =	vst v63  }
.LBB2_2:
0x70: {  	_ =	swait.ge [sflag:s3], $0x8000  }
0x71: {  	[sflag:s3] =	ssyncset.done $0x0  }
0x72: {  	s0 =	rddreg [dreg:$0x3];
	[sflag:s3] =	ssyncadd.s32 $0xFFFF8000  }
0x73: {  	[tilespmem:s2], [sflag:$0x2] =	stream.linear.gather [hbm4b:s0+s2], $0x800, $0x38;
	[tilespmem:$0x8800] =	vst v63  }
0x74: {  	_ =	swait.ge [sflag:s3], $0x800  }
0x75: {  	s0 =	rddreg [dreg:$0x6];
	[sflag:s3] =	ssyncset.done $0x0  }
0x76: {  	s8 =	rddreg [dreg:$0x5];
	[sflag:s3] =	ssyncadd.s32 $0xFFFFF800  }
0x77: {  	[tilespmem:s4], [sflag:$0x1] =	stream.indirect.gather [hbm4b:s5+s7], $0x10, s2, s7, $0xb8;
	[tilespmem:$0x8800] =	vst v63  }
0x78: {  	s9 =	rddreg [dreg:$0x7]  }
0x79: {  	[tilespmem:s8], [sflag:$0x1] =	stream.indirect.gather [hbm4b:s5+s7], $0x10, s7, s7, $0xb8;
	[tilespmem:$0x8800] =	vst v63  }
0x7a: {  	s10 =	rddreg [dreg:$0x9]  }
0x7b: {  	[tilespmem:s9], [sflag:$0x1] =	stream.indirect.gather [hbm4b:s5+s7], $0x10, s0, s7, $0xb8;
	[tilespmem:$0x8800] =	vst v63  }
0x7c: {  	s8 =	rddreg [dreg:$0x8]  }
0x7d: {  	[tilespmem:s10], [sflag:$0x1] =	stream.indirect.gather [hbm4b:s5+s7], $0x10, s8, s7, $0xb8;
	[tilespmem:$0x8800] =	vst v63  }
0x7e: {  	s0 =	rddreg [dreg:$0xa];
	s8 =	simm.s32 $0x2800  }
0x7f: {  	[tilespmem:s8], [sflag:$0x1] =	stream.indirect.gather [hbm4b:s5+s7], $0x10, s0, s7, $0xb8;
	[tilespmem:$0x8800] =	vst v63  }
0x80: {  	s9 =	simm.s32 $0x280;
	s10 =	simm.s32 $0x3000  }
0x81: {  	[tilespmem:s10], [sflag:$0x1] =	stream.indirect.gather [hbm4b:s5+s7], $0x10, s9, s7, $0xb8;
	[tilespmem:$0x8800] =	vst v63  }
0x82: {  	_ = 	snop  }
0x83: {  	[tilespmem:s12], [sflag:$0x1] =	stream.indirect.gather [hbm4b:s5+s7], $0x10, s11, s7, $0xb8;
	[tilespmem:$0x8800] =	vst v63  }
0x84: {  	_ = 	snop  }
0x85: {  	[tilespmem:s14], [sflag:$0x1] =	stream.indirect.gather [hbm4b:s5+s7], $0x10, s13, s7, $0xb8;
	[tilespmem:$0x8800] =	vst v63  }
0x86: {  	_ = 	snop  }
0x87: {  	[tilespmem:s16], [sflag:$0x1] =	stream.indirect.gather [hbm4b:s5+s7], $0x10, s15, s7, $0xb8;
	[tilespmem:$0x8800] =	vst v63  }
0x88: {  	_ = 	snop  }
0x89: {  	[tilespmem:s18], [sflag:$0x1] =	stream.indirect.gather [hbm4b:s5+s7], $0x10, s17, s7, $0xb8;
	[tilespmem:$0x8800] =	vst v63  }
0x8a: {  	_ = 	snop  }
0x8b: {  	[tilespmem:s20], [sflag:$0x1] =	stream.indirect.gather [hbm4b:s5+s7], $0x10, s19, s7, $0xb8;
	[tilespmem:$0x8800] =	vst v63  }
0x8c: {  	_ = 	snop  }
0x8d: {  	[tilespmem:s22], [sflag:$0x1] =	stream.indirect.gather [hbm4b:s5+s7], $0x10, s21, s7, $0xb8;
	[tilespmem:$0x8800] =	vst v63  }
0x8e: {  	_ = 	snop  }
0x8f: {  	[tilespmem:s24], [sflag:$0x1] =	stream.indirect.gather [hbm4b:s5+s7], $0x10, s23, s7, $0xb8;
	[tilespmem:$0x8800] =	vst v63  }
0x90: {  	_ = 	snop  }
0x91: {  	[tilespmem:s26], [sflag:$0x1] =	stream.indirect.gather [hbm4b:s5+s7], $0x10, s25, s7, $0xb8;
	[tilespmem:$0x8800] =	vst v63  }
0x92: {  	_ = 	snop  }
0x93: {  	[tilespmem:s29], [sflag:$0x1] =	stream.indirect.gather [hbm4b:s5+s7], $0x10, s28, s7, $0xb8;
	[tilespmem:$0x8800] =	vst v63  }
0x94: {  	_ = 	snop  }
0x95: {  	[tilespmem:s31], [sflag:$0x1] =	stream.indirect.gather [hbm4b:s5+s7], $0x10, s30, s7, $0xb8;
	[tilespmem:$0x8800] =	vst v63  }
0x96: {  	_ =	swait.ge [sflag:s6], $0x800  }
0x97: {  	[sflag:s6] =	ssyncset.done $0x0  }
0x98: {  	[sflag:s6] =	ssyncadd.s32 $0xFFFFF800  }
0x99: {  	_ =	swait.ge [sflag:s6], $0x800  }
0x9a: {  	[sflag:s6] =	ssyncset.done $0x0  }
0x9b: {  	[sflag:s6] =	ssyncadd.s32 $0xFFFFF800  }
0x9c: {  	_ =	swait.ge [sflag:s6], $0x800  }
0x9d: {  	[sflag:s6] =	ssyncset.done $0x0  }
0x9e: {  	[sflag:s6] =	ssyncadd.s32 $0xFFFFF800  }
0x9f: {  	_ =	swait.ge [sflag:s6], $0x800  }
0xa0: {  	[sflag:s6] =	ssyncset.done $0x0  }
0xa1: {  	[sflag:s6] =	ssyncadd.s32 $0xFFFFF800  }
0xa2: {  	_ =	swait.ge [sflag:s6], $0x800  }
0xa3: {  	[sflag:s6] =	ssyncset.done $0x0  }
0xa4: {  	[sflag:s6] =	ssyncadd.s32 $0xFFFFF800  }
0xa5: {  	_ =	swait.ge [sflag:s6], $0x800  }
0xa6: {  	[sflag:s6] =	ssyncset.done $0x0  }
0xa7: {  	[sflag:s6] =	ssyncadd.s32 $0xFFFFF800  }
0xa8: {  	_ =	swait.ge [sflag:s6], $0x800  }
0xa9: {  	[sflag:s6] =	ssyncset.done $0x0  }
0xaa: {  	[sflag:s6] =	ssyncadd.s32 $0xFFFFF800  }
0xab: {  	_ =	swait.ge [sflag:s6], $0x800  }
0xac: {  	[sflag:s6] =	ssyncset.done $0x0  }
0xad: {  	[sflag:s6] =	ssyncadd.s32 $0xFFFFF800  }
0xae: {  	_ =	swait.ge [sflag:s6], $0x800  }
0xaf: {  	[sflag:s6] =	ssyncset.done $0x0  }
0xb0: {  	[sflag:s6] =	ssyncadd.s32 $0xFFFFF800  }
0xb1: {  	_ =	swait.ge [sflag:s6], $0x800  }
0xb2: {  	[sflag:s6] =	ssyncset.done $0x0  }
0xb3: {  	[sflag:s6] =	ssyncadd.s32 $0xFFFFF800  }
0xb4: {  	_ =	swait.ge [sflag:s6], $0x800  }
0xb5: {  	[sflag:s6] =	ssyncset.done $0x0  }
0xb6: {  	[sflag:s6] =	ssyncadd.s32 $0xFFFFF800  }
0xb7: {  	_ =	swait.ge [sflag:s6], $0x800  }
0xb8: {  	[sflag:s6] =	ssyncset.done $0x0  }
0xb9: {  	[sflag:s6] =	ssyncadd.s32 $0xFFFFF800  }
0xba: {  	_ =	swait.ge [sflag:s6], $0x800  }
0xbb: {  	[sflag:s6] =	ssyncset.done $0x0  }
0xbc: {  	[sflag:s6] =	ssyncadd.s32 $0xFFFFF800  }
0xbd: {  	_ =	swait.ge [sflag:s6], $0x800  }
0xbe: {  	[sflag:s6] =	ssyncset.done $0x0  }
0xbf: {  	[sflag:s6] =	ssyncadd.s32 $0xFFFFF800  }
0xc0: {  	_ =	swait.ge [sflag:s6], $0x800  }
0xc1: {  	p1 =	sne.s32 s1, $0x1;
	[sflag:s6] =	ssyncset.done $0x0  }
.Ltmp2:
0xc2: {  	[sflag:s6] =	ssyncadd.s32 $0xFFFFF800;
	(pc) =	sbr.rel @p1 .LBB2_2-.Ltmp2, $4  }
0xc3: {  	_ =	swait.ge [sflag:s6], $0x800  }
0xc4: {  	[sflag:s6] =	ssyncset.done $0x0  }
0xc5: {  	s1 =	sadd.s32 $0xFFFFFFFF, s1;
	s10 =	rddreg [dreg:$0x4];
	[sflag:s6] =	ssyncadd.s32 $0xFFFFF800  }
0xc6: {  	[hbm4b:s10+s2] =	stream.linear.scatter [tilespmem:s4], [sflag:$0x2], $0x8000, $0x38;
	[tilespmem:$0x8800] =	vst v63  }
.LBB2_3:
0xc7: {  	_ =	swait.ge @p0 [sflag:s3], $0x8000  }
0xc8: {  	[sflag:s3] =	ssyncset.done @p0 $0x0  }
0xc9: {  	s0 =	rddreg [dreg:$0x3];
	[sflag:s3] =	ssyncadd.s32 @p0 $0xFFFF8000  }
0xca: {  	[tilespmem:s2], [sflag:$0x2] =	stream.linear.gather [hbm4b:s0+s2], $0x800, $0x38;
	[tilespmem:$0x8800] =	vst v63  }
0xcb: {  	_ =	swait.ge [sflag:s3], $0x800  }
0xcc: {  	[sflag:s3] =	ssyncset.done $0x0;
	s10 =	rddreg [dreg:$0x5]  }
0xcd: {  	s0 =	rddreg [dreg:$0x6];
	[sflag:s3] =	ssyncadd.s32 $0xFFFFF800  }
0xce: {  	[tilespmem:s4], [sflag:$0x1] =	stream.indirect.gather [hbm4b:s5+s7], $0x10, s2, s7, $0xb8;
	[tilespmem:$0x8800] =	vst v63  }
0xcf: {  	s1 =	rddreg [dreg:$0x7]  }
0xd0: {  	[tilespmem:s10], [sflag:$0x1] =	stream.indirect.gather [hbm4b:s5+s7], $0x10, s7, s7, $0xb8;
	[tilespmem:$0x8800] =	vst v63  }
0xd1: {  	s8 =	rddreg [dreg:$0x9]  }
0xd2: {  	[tilespmem:s1], [sflag:$0x1] =	stream.indirect.gather [hbm4b:s5+s7], $0x10, s0, s7, $0xb8;
	[tilespmem:$0x8800] =	vst v63  }
0xd3: {  	s9 =	rddreg [dreg:$0x8]  }
0xd4: {  	[tilespmem:s8], [sflag:$0x1] =	stream.indirect.gather [hbm4b:s5+s7], $0x10, s9, s7, $0xb8;
	[tilespmem:$0x8800] =	vst v63  }
0xd5: {  	s10 =	simm.s32 $0x2800;
	s1 =	rddreg [dreg:$0xa]  }
0xd6: {  	[tilespmem:s10], [sflag:$0x1] =	stream.indirect.gather [hbm4b:s5+s7], $0x10, s1, s7, $0xb8;
	[tilespmem:$0x8800] =	vst v63  }
0xd7: {  	s9 =	simm.s32 $0x3000;
	s10 =	simm.s32 $0x280  }
0xd8: {  	[tilespmem:s9], [sflag:$0x1] =	stream.indirect.gather [hbm4b:s5+s7], $0x10, s10, s7, $0xb8;
	[tilespmem:$0x8800] =	vst v63  }
0xd9: {  	_ = 	snop  }
0xda: {  	[tilespmem:s12], [sflag:$0x1] =	stream.indirect.gather [hbm4b:s5+s7], $0x10, s11, s7, $0xb8;
	[tilespmem:$0x8800] =	vst v63  }
0xdb: {  	_ = 	snop  }
0xdc: {  	[tilespmem:s14], [sflag:$0x1] =	stream.indirect.gather [hbm4b:s5+s7], $0x10, s13, s7, $0xb8;
	[tilespmem:$0x8800] =	vst v63  }
0xdd: {  	_ = 	snop  }
0xde: {  	[tilespmem:s16], [sflag:$0x1] =	stream.indirect.gather [hbm4b:s5+s7], $0x10, s15, s7, $0xb8;
	[tilespmem:$0x8800] =	vst v63  }
0xdf: {  	_ = 	snop  }
0xe0: {  	[tilespmem:s18], [sflag:$0x1] =	stream.indirect.gather [hbm4b:s5+s7], $0x10, s17, s7, $0xb8;
	[tilespmem:$0x8800] =	vst v63  }
0xe1: {  	_ = 	snop  }
0xe2: {  	[tilespmem:s20], [sflag:$0x1] =	stream.indirect.gather [hbm4b:s5+s7], $0x10, s19, s7, $0xb8;
	[tilespmem:$0x8800] =	vst v63  }
0xe3: {  	_ = 	snop  }
0xe4: {  	[tilespmem:s22], [sflag:$0x1] =	stream.indirect.gather [hbm4b:s5+s7], $0x10, s21, s7, $0xb8;
	[tilespmem:$0x8800] =	vst v63  }
0xe5: {  	_ = 	snop  }
0xe6: {  	[tilespmem:s24], [sflag:$0x1] =	stream.indirect.gather [hbm4b:s5+s7], $0x10, s23, s7, $0xb8;
	[tilespmem:$0x8800] =	vst v63  }
0xe7: {  	_ = 	snop  }
0xe8: {  	[tilespmem:s26], [sflag:$0x1] =	stream.indirect.gather [hbm4b:s5+s7], $0x10, s25, s7, $0xb8;
	[tilespmem:$0x8800] =	vst v63  }
0xe9: {  	_ = 	snop  }
0xea: {  	[tilespmem:s29], [sflag:$0x1] =	stream.indirect.gather [hbm4b:s5+s7], $0x10, s28, s7, $0xb8;
	[tilespmem:$0x8800] =	vst v63  }
0xeb: {  	_ = 	snop  }
0xec: {  	[tilespmem:s31], [sflag:$0x1] =	stream.indirect.gather [hbm4b:s5+s7], $0x10, s30, s7, $0xb8;
	[tilespmem:$0x8800] =	vst v63  }
0xed: {  	_ =	swait.ge [sflag:s6], $0x800  }
0xee: {  	[sflag:s6] =	ssyncset.done $0x0  }
0xef: {  	[sflag:s6] =	ssyncadd.s32 $0xFFFFF800  }
0xf0: {  	_ =	swait.ge [sflag:s6], $0x800  }
0xf1: {  	[sflag:s6] =	ssyncset.done $0x0  }
0xf2: {  	[sflag:s6] =	ssyncadd.s32 $0xFFFFF800  }
0xf3: {  	_ =	swait.ge [sflag:s6], $0x800  }
0xf4: {  	[sflag:s6] =	ssyncset.done $0x0  }
0xf5: {  	[sflag:s6] =	ssyncadd.s32 $0xFFFFF800  }
0xf6: {  	_ =	swait.ge [sflag:s6], $0x800  }
0xf7: {  	[sflag:s6] =	ssyncset.done $0x0  }
0xf8: {  	[sflag:s6] =	ssyncadd.s32 $0xFFFFF800  }
0xf9: {  	_ =	swait.ge [sflag:s6], $0x800  }
0xfa: {  	[sflag:s6] =	ssyncset.done $0x0  }
0xfb: {  	[sflag:s6] =	ssyncadd.s32 $0xFFFFF800  }
0xfc: {  	_ =	swait.ge [sflag:s6], $0x800  }
0xfd: {  	[sflag:s6] =	ssyncset.done $0x0  }
0xfe: {  	[sflag:s6] =	ssyncadd.s32 $0xFFFFF800  }
0xff: {  	_ =	swait.ge [sflag:s6], $0x800  }
0x100: {  	[sflag:s6] =	ssyncset.done $0x0  }
0x101: {  	[sflag:s6] =	ssyncadd.s32 $0xFFFFF800  }
0x102: {  	_ =	swait.ge [sflag:s6], $0x800  }
0x103: {  	[sflag:s6] =	ssyncset.done $0x0  }
0x104: {  	[sflag:s6] =	ssyncadd.s32 $0xFFFFF800  }
0x105: {  	_ =	swait.ge [sflag:s6], $0x800  }
0x106: {  	[sflag:s6] =	ssyncset.done $0x0  }
0x107: {  	[sflag:s6] =	ssyncadd.s32 $0xFFFFF800  }
0x108: {  	_ =	swait.ge [sflag:s6], $0x800  }
0x109: {  	[sflag:s6] =	ssyncset.done $0x0  }
0x10a: {  	[sflag:s6] =	ssyncadd.s32 $0xFFFFF800  }
0x10b: {  	_ =	swait.ge [sflag:s6], $0x800  }
0x10c: {  	[sflag:s6] =	ssyncset.done $0x0  }
0x10d: {  	[sflag:s6] =	ssyncadd.s32 $0xFFFFF800  }
0x10e: {  	_ =	swait.ge [sflag:s6], $0x800  }
0x10f: {  	[sflag:s6] =	ssyncset.done $0x0  }
0x110: {  	[sflag:s6] =	ssyncadd.s32 $0xFFFFF800  }
0x111: {  	_ =	swait.ge [sflag:s6], $0x800  }
0x112: {  	[sflag:s6] =	ssyncset.done $0x0  }
0x113: {  	[sflag:s6] =	ssyncadd.s32 $0xFFFFF800  }
0x114: {  	_ =	swait.ge [sflag:s6], $0x800  }
0x115: {  	[sflag:s6] =	ssyncset.done $0x0  }
0x116: {  	[sflag:s6] =	ssyncadd.s32 $0xFFFFF800  }
0x117: {  	_ =	swait.ge [sflag:s6], $0x800  }
0x118: {  	[sflag:s6] =	ssyncset.done $0x0  }
0x119: {  	[sflag:s6] =	ssyncadd.s32 $0xFFFFF800  }
0x11a: {  	_ =	swait.ge [sflag:s6], $0x800  }
0x11b: {  	[sflag:s6] =	ssyncset.done $0x0  }
0x11c: {  	s30 =	rddreg [dreg:$0x4];
	[sflag:s6] =	ssyncadd.s32 $0xFFFFF800  }
0x11d: {  	[hbm4b:s30+s2] =	stream.linear.scatter [tilespmem:s4], [sflag:$0x2], $0x8000, $0x38;
	[tilespmem:$0x8800] =	vst v63  }
0x11e: {  	_ =	swait.ge [sflag:s3], $0x8000  }
0x11f: {  	[sflag:s3] =	ssyncset.done $0x0  }
0x120: {  	[sflag:s3] =	ssyncadd.s32 $0xFFFF8000  }
0x121: {  	_ =	sfence.sel $0x180000  }
0x122: {  	[bflag:$0x0] =	sbarrier.arrive $0xFFFF  }
0x123: {  	_ =	strace $0x90000047  }
0x124: {  	s31 =	stileid.u32;
	[bflag:$0x2] =	sbarrier.arrive $0xFFFF  }
0x125: {  	p0 =	sne.s32 s31, $0x0;
	s0 =	rddreg [dreg:$0x2]  }
0x126: {  	s0 =	sadd.s32 @!p0 $0x100000, s0  }
0x127: {  	[sflag:s0] =	ssyncadd.tile.s32 @!p0 $0x1;
	_ =	shalt  }
.Lfunc_end2:
_tile_overlayer_lowered:
.L_overlay_start_2:
0x128: {  	(tag) =	ssettag $0x2  }
0x129: {  	s0 =	rddreg [dreg:$0x0];
	s2 =	stileid.u32  }
0x12a: {  	s1 =	rddreg [dreg:$0x1];
	p0 =	sne.s32 s2, $0x0  }
0x12b: {  	s3 =	rddreg [dreg:$0x2];
	[bflag:$0x3] =	sbarrier.arrive $0xFFFF;
	s2 =	simm.s32 @!p0 $0x1C02  }
0x12c: {  	[timem:s3], [sflag:s2] =	dma.local @!p0 [hbm:s0], s1  }
0x12d: {  	s0 =	simm.s32 @!p0 $0x2  }
0x12e: {  	_ =	swait.ge @!p0 [sflag:s0], s1  }
0x12f: {  	s1 =	ssub.s32 @!p0 $0x0, s1;
	[sflag:s0] =	ssyncset.done @!p0 $0x0  }
0x130: {  	[sflag:s0] =	ssyncadd.s32 @!p0 s1  }
0x131: {  	[bflag:$0x3] =	sbarrier.arrive $0xFFFF  }
0x132: {  	_ =	shalt  }

</sc_bundles>
